<compile_context>
chip_gen: v7x
topology: tpu7x:2x2x1
jax: 0.10.2.dev20260603
libtpu: 0.0.44.dev20260713+nightly
codegen_flags: <defaults>
</compile_context>

<pallas_src>
import functools

import jax
import jax.numpy as jnp
from jax import lax
from jax.experimental import pallas as pl
from jax.experimental.pallas import tpu as pltpu
from jax.experimental.pallas import tpu_sc as plsc

_N = 10000
_E = 160000
_F = 16
_G = 8
_NC = 2
_NS = 16
_NW = _NC * _NS
_CHUNK = 125
_NROWS = _E // _CHUNK
_CPW = _NROWS // _NW
_EPW = _CPW * _CHUNK
_NPT = _N // _NS
_EBG = 2000


def _vmesh():
    return plsc.VectorSubcoreMesh(core_axis_name="c", subcore_axis_name="s")


def _sc_params():
    return pltpu.CompilerParams(use_tc_tiling_on_sc=False)


def _full_spec(a):
    nd = a.ndim
    return pl.BlockSpec(a.shape, lambda i, _nd=nd: (0,) * _nd)



def _tc_embed(xg, w1, b1, w2, b2, w3, b3):
    def body(x_ref, w1r, b1r, w2r, b2r, w3r, b3r, o_ref):
        h = jnp.maximum(
            jnp.dot(x_ref[...], w1r[...], preferred_element_type=jnp.float32)
            + b1r[...], 0.0)
        h = jnp.maximum(
            jnp.dot(h, w2r[...], preferred_element_type=jnp.float32)
            + b2r[...], 0.0)
        o_ref[...] = (
            jnp.dot(h, w3r[...], preferred_element_type=jnp.float32)
            + b3r[...])

    ng, dg = xg.shape
    return pl.pallas_call(
        body,
        grid=(1,),
        in_specs=[pl.BlockSpec((ng, dg), lambda i: (0, 0)),
                  _full_spec(w1), _full_spec(b1), _full_spec(w2),
                  _full_spec(b2), _full_spec(w3), _full_spec(b3)],
        out_specs=pl.BlockSpec((ng, _G * _F), lambda i: (0, 0)),
        out_shape=jax.ShapeDtypeStruct((ng, _G * _F), jnp.float32),
    )(xg, w1, b1, w2, b2, w3, b3)


def _tc_msg(eag, hsg, w1, b1, w2, b2, w3, b3, rmat, cmat):
    def body(ea_ref, hs_ref, w1r, b1r, w2r, b2r, w3r, bgr, rr, cr, o_ref):
        hs = hs_ref[...]
        t = jnp.maximum(
            jnp.dot(ea_ref[...], w1r[...], preferred_element_type=jnp.float32)
            + b1r[...], 0.0)
        t = jnp.maximum(
            jnp.dot(t, w2r[...], preferred_element_type=jnp.float32)
            + b2r[...], 0.0)
        p = jnp.dot(t, w3r[...], preferred_element_type=jnp.float32)
        hrep = jnp.dot(hs, rr[...], preferred_element_type=jnp.float32)
        o_ref[...] = (
            jnp.dot(hrep * p, cr[...], preferred_element_type=jnp.float32)
            + jnp.dot(hs, bgr[...], preferred_element_type=jnp.float32))

    eg = _E // _G
    return pl.pallas_call(
        body,
        grid=(eg // _EBG,),
        in_specs=[pl.BlockSpec((_EBG, _G * _F), lambda i: (i, 0)),
                  pl.BlockSpec((_EBG, _G * _F), lambda i: (i, 0)),
                  _full_spec(w1), _full_spec(b1), _full_spec(w2),
                  _full_spec(b2), _full_spec(w3), _full_spec(b3),
                  _full_spec(rmat), _full_spec(cmat)],
        out_specs=pl.BlockSpec((_EBG, _G * _F), lambda i: (i, 0)),
        out_shape=jax.ShapeDtypeStruct((eg, _G * _F), jnp.float32),
    )(eag, hsg, w1, b1, w2, b2, w3, b3, rmat, cmat)


def _tc_finalize(agg2g, cnt2g, hg, rootg, biasg):
    def body(a_ref, c_ref, h_ref, rr, br, o_ref):
        a = a_ref[0] + a_ref[1]
        cnt = c_ref[0] + c_ref[1]
        mean = a / jnp.maximum(cnt, 1.0)
        o_ref[...] = jnp.maximum(
            mean
            + jnp.dot(h_ref[...], rr[...], preferred_element_type=jnp.float32)
            + br[...], 0.0)

    ng = _N // _G
    return pl.pallas_call(
        body,
        grid=(1,),
        in_specs=[pl.BlockSpec((_NC, ng, _G * _F), lambda i: (0, 0, 0)),
                  pl.BlockSpec((_NC, ng, _G * _F), lambda i: (0, 0, 0)),
                  pl.BlockSpec((ng, _G * _F), lambda i: (0, 0)),
                  _full_spec(rootg), _full_spec(biasg)],
        out_specs=pl.BlockSpec((ng, _G * _F), lambda i: (0, 0)),
        out_shape=jax.ShapeDtypeStruct((ng, _G * _F), jnp.float32),
    )(agg2g, cnt2g, hg, rootg, biasg)



def _sc_gather(h, src2):
    @functools.partial(
        pl.kernel,
        out_type=jax.ShapeDtypeStruct((_E, _F), jnp.float32),
        mesh=_vmesh(),
        scratch_types=[pltpu.VMEM((_CPW, _CHUNK), jnp.int32),
                       pltpu.VMEM((_EPW, _F), jnp.float32),
                       pltpu.SemaphoreType.DMA,
                       pltpu.SemaphoreType.DMA],
        compiler_params=_sc_params(),
    )
    def k(h_hbm, s_hbm, o_hbm, idx_v, rows_v, sem0, sem1):
        wid = lax.axis_index("s") * _NC + lax.axis_index("c")
        r0 = wid * _CPW
        e0 = wid * _EPW
        half = _CPW // 2
        eph = half * _CHUNK
        pltpu.async_copy(s_hbm.at[pl.ds(r0, _CPW)], idx_v, sem0).wait()

        @pl.loop(0, half)
        def _fire_a(j):
            pltpu.async_copy(h_hbm.at[idx_v.at[j]],
                             rows_v.at[pl.ds(j * _CHUNK, _CHUNK)], sem1)

        pltpu.make_async_copy(o_hbm.at[pl.ds(e0, eph)],
                              rows_v.at[pl.ds(0, eph)], sem1).wait()

        @pl.loop(half, _CPW)
        def _fire_b(j):
            pltpu.async_copy(h_hbm.at[idx_v.at[j]],
                             rows_v.at[pl.ds(j * _CHUNK, _CHUNK)], sem1)

        cp_a = pltpu.async_copy(rows_v.at[pl.ds(0, eph)],
                                o_hbm.at[pl.ds(e0, eph)], sem0)
        pltpu.make_async_copy(o_hbm.at[pl.ds(e0 + eph, eph)],
                              rows_v.at[pl.ds(eph, eph)], sem1).wait()
        cp_b = pltpu.async_copy(rows_v.at[pl.ds(eph, eph)],
                                o_hbm.at[pl.ds(e0 + eph, eph)], sem0)
        cp_a.wait()
        cp_b.wait()

    return k(h, src2)


def _sc_scatter(msg, dst2, zeros):
    @functools.partial(
        pl.kernel,
        out_type=jax.ShapeDtypeStruct((_NC, _N, _F), jnp.float32),
        mesh=_vmesh(),
        scratch_types=[pltpu.VMEM((_CPW, _CHUNK), jnp.int32),
                       pltpu.VMEM((_EPW, _F), jnp.float32),
                       pltpu.VMEM_SHARED((_N, _F), jnp.float32),
                       pltpu.SemaphoreType.DMA,
                       pltpu.SemaphoreType.DMA],
        compiler_params=_sc_params(),
    )
    def k(m_hbm, d_hbm, z_hbm, o_hbm, idx_v, msg_v, acc_sh, sem0, sem1):
        cid = lax.axis_index("c")
        sid = lax.axis_index("s")
        wid = sid * _NC + cid
        r0 = wid * _CPW
        e0 = wid * _EPW
        n0 = sid * _NPT
        cp_z = pltpu.async_copy(z_hbm.at[pl.ds(n0, _NPT)],
                                acc_sh.at[pl.ds(n0, _NPT)], sem0)
        cp_i = pltpu.async_copy(d_hbm.at[pl.ds(r0, _CPW)], idx_v, sem1)
        cp_m = pltpu.async_copy(m_hbm.at[pl.ds(e0, _EPW)], msg_v, sem1)
        cp_z.wait()
        cp_i.wait()
        cp_m.wait()
        plsc.subcore_barrier()

        @pl.loop(0, _CPW)
        def _fire(j):
            pltpu.async_copy(msg_v.at[pl.ds(j * _CHUNK, _CHUNK)],
                             acc_sh.at[idx_v.at[j]], sem0, add=True)

        pltpu.make_async_copy(m_hbm.at[pl.ds(e0, _EPW)], msg_v, sem0).wait()
        plsc.subcore_barrier()
        pltpu.sync_copy(acc_sh.at[pl.ds(n0, _NPT)],
                        o_hbm.at[cid, pl.ds(n0, _NPT)])

    return k(msg, dst2, zeros)


def _sc_count(dst2, zeros):
    @functools.partial(
        pl.kernel,
        out_type=jax.ShapeDtypeStruct((_NC, _N, _F), jnp.float32),
        mesh=_vmesh(),
        scratch_types=[pltpu.VMEM((_CPW, _CHUNK), jnp.int32),
                       pltpu.VMEM((_CHUNK, _F), jnp.float32),
                       pltpu.VMEM_SHARED((_N, _F), jnp.float32),
                       pltpu.SemaphoreType.DMA],
        compiler_params=_sc_params(),
    )
    def k(d_hbm, z_hbm, o_hbm, idx_v, ones_v, acc_sh, sem0):
        cid = lax.axis_index("c")
        sid = lax.axis_index("s")
        wid = sid * _NC + cid
        r0 = wid * _CPW
        n0 = sid * _NPT
        cp_z = pltpu.async_copy(z_hbm.at[pl.ds(n0, _NPT)],
                                acc_sh.at[pl.ds(n0, _NPT)], sem0)
        cp_i = pltpu.async_copy(d_hbm.at[pl.ds(r0, _CPW)], idx_v, sem0)

        @pl.loop(0, _CHUNK)
        def _fill(i):
            ones_v[i, :] = jnp.ones((_F,), jnp.float32)

        cp_z.wait()
        cp_i.wait()
        plsc.subcore_barrier()

        @pl.loop(0, _CPW)
        def _fire(j):
            pltpu.sync_copy(ones_v, acc_sh.at[idx_v.at[j]], add=True)

        plsc.subcore_barrier()
        pltpu.sync_copy(acc_sh.at[pl.ds(n0, _NPT)],
                        o_hbm.at[cid, pl.ds(n0, _NPT)])

    return k(dst2, zeros)



def kernel(x, edge_index, edge_attr, params):
    src2 = edge_index[0].reshape(_NROWS, _CHUNK)
    dst2 = edge_index[1].reshape(_NROWS, _CHUNK)
    zeros = jnp.zeros((_N, _F), jnp.float32)
    eye8 = jnp.eye(_G, dtype=jnp.float32)
    kron8 = lambda w: jnp.kron(eye8, w)
    tile8 = lambda b: jnp.tile(b, (_G,)).reshape(1, -1)

    rmat = (jnp.arange(_F * _F)[None, :] // _F
            == jnp.arange(_F)[:, None]).astype(jnp.float32)
    cmat = (jnp.arange(_F * _F)[:, None] % _F
            == jnp.arange(_F)[None, :]).astype(jnp.float32)

    e = params['emb']
    xg = x.reshape(_N // _G, -1)
    hg = _tc_embed(xg, kron8(e['W1']), tile8(e['b1']),
                   kron8(e['W2']), tile8(e['b2']),
                   kron8(e['W3']), tile8(e['b3']))

    cnt2 = _sc_count(dst2, zeros)
    cnt2g = cnt2.reshape(_NC, _N // _G, _G * _F)

    eag = edge_attr.reshape(_E // _G, _G * _F)
    for c in params['convs']:
        hs = _sc_gather(hg.reshape(_N, _F), src2)
        bmat = c['eb3'].reshape(_F, _F)
        msgg = _tc_msg(eag, hs.reshape(_E // _G, _G * _F),
                       kron8(c['eW1']), tile8(c['eb1']),
                       kron8(c['eW2']), tile8(c['eb2']),
                       kron8(c['eW3']), kron8(bmat),
                       kron8(rmat), kron8(cmat))
        agg2 = _sc_scatter(msgg.reshape(_E, _F), dst2, zeros)
        hg = _tc_finalize(agg2.reshape(_NC, _N // _G, _G * _F), cnt2g,
                          hg, kron8(c['root']), tile8(c['bias']))
    return hg.reshape(_N, _F)

# --- scband reference (transcript-rebuilt; emitter-appended) ---
"""Pipeline reference for scband-model-89172111000106 (READ-ONLY COPY).

The authoritative reference and input builder live on the scoring server;
editing this copy changes nothing except your own understanding.
"""

import jax, jax.numpy as jnp
import numpy as np

N = 10000
E = 160000
D_IN = 128
D_EDGE = 16
EMB = 16
HID = 16
EMB_H = 64
N_LAYERS = 3


def _init(key, shape):
    return jax.random.normal(key, shape, dtype=jnp.float32) * 0.05


def setup_inputs(seed: int = 0) -> dict:
    key = jax.random.key(seed)
    ks = jax.random.split(key, 64)
    x = jax.random.normal(ks[0], (N, D_IN), dtype=jnp.float32)
    edge_index = jax.random.randint(ks[1], (2, E), 0, N, dtype=jnp.int32)
    edge_attr = jax.random.normal(ks[2], (E, D_EDGE), dtype=jnp.float32)
    ki = 3
    emb = {
        'W1': _init(ks[ki + 0], (D_IN, EMB_H)), 'b1': jnp.zeros((EMB_H,), jnp.float32),
        'W2': _init(ks[ki + 1], (EMB_H, EMB_H)), 'b2': jnp.zeros((EMB_H,), jnp.float32),
        'W3': _init(ks[ki + 2], (EMB_H, EMB)), 'b3': jnp.zeros((EMB,), jnp.float32),
    }
    ki += 3
    convs = []
    in_dim = EMB
    for l in range(N_LAYERS):
        out_dim = HID
        c = {
            'eW1': _init(ks[ki + 0], (D_EDGE, HID)), 'eb1': jnp.zeros((HID,), jnp.float32),
            'eW2': _init(ks[ki + 1], (HID, HID)), 'eb2': jnp.zeros((HID,), jnp.float32),
            'eW3': _init(ks[ki + 2], (HID, in_dim * out_dim)), 'eb3': jnp.zeros((in_dim * out_dim,), jnp.float32),
            'root': _init(ks[ki + 3], (in_dim, out_dim)), 'bias': jnp.zeros((out_dim,), jnp.float32),
        }
        convs.append(c)
        ki += 4
        in_dim = out_dim
    params = {'emb': emb, 'convs': convs}
    return {'x': x, 'edge_index': edge_index, 'edge_attr': edge_attr, 'params': params}


def _mlp3(h, W1, b1, W2, b2, W3, b3):
    h = jax.nn.relu(h @ W1 + b1)
    h = jax.nn.relu(h @ W2 + b2)
    return h @ W3 + b3


def reference(x, edge_index, edge_attr, params):
    src = edge_index[0]
    dst = edge_index[1]
    e = params['emb']
    # node-type embedder MLP (all nodes embedded into shared embed space)
    h = _mlp3(x, e['W1'], e['b1'], e['W2'], e['b2'], e['W3'], e['b3'])
    for c in params['convs']:
        in_dim = c['root'].shape[0]
        out_dim = c['root'].shape[1]
        # NNConv: edge MLP produces a per-edge [in, out] weight matrix
        wflat = _mlp3(edge_attr, c['eW1'], c['eb1'], c['eW2'], c['eb2'], c['eW3'], c['eb3'])
        w = wflat.reshape(E, in_dim, out_dim)
        h_src = jnp.take(h, src, axis=0)
        msg = jnp.einsum('ei,eio->eo', h_src, w)
        agg = jax.ops.segment_sum(msg, dst, num_segments=N)
        cnt = jax.ops.segment_sum(jnp.ones((E,), dtype=msg.dtype), dst, num_segments=N)
        mean = agg / jnp.clip(cnt, 1.0)[:, None]
        # aggr='mean' + root_weight + bias, then F.relu from Model.forward
        h = jax.nn.relu(mean + h @ c['root'] + c['bias'])
    return h

if __name__ == "__main__":
    import jax
    _d = setup_inputs()
    print(jax.jit(kernel)(*tuple(_d.values())))

</pallas_src>

<mosaic_0001>
#map = affine_map<(d0, d1) -> (0, 0)>
#map1 = affine_map<(d0, d1) -> (0, 0, 0)>
module attributes {stable_mosaic.version = 14 : i64} {
  func.func @k(%arg0: i32, %arg1: i32, %arg2: memref<160000x16xf32, #tpu.memory_space<hbm>>, %arg3: memref<1280x125xi32, #tpu.memory_space<hbm>>, %arg4: memref<10000x16xf32, #tpu.memory_space<hbm>>, %arg5: memref<2x10000x16xf32, #tpu.memory_space<hbm>>, %arg6: memref<40x125xi32, #tpu.memory_space<vmem>>, %arg7: memref<5000x16xf32, #tpu.memory_space<vmem>>, %arg8: memref<10000x16xf32, #tpu.memory_space<vmem_shared>>, %arg9: memref<!tpu.dma_semaphore, #tpu.memory_space<semaphore_mem>>, %arg10: memref<!tpu.dma_semaphore, #tpu.memory_space<semaphore_mem>>) attributes {dimension_semantics = [#tpu.dimension_semantics<core_parallel>, #tpu.dimension_semantics<subcore_parallel>], iteration_bounds = array<i64: 2, 16>, scalar_prefetch = 0 : i64, scratch_operands = 5 : i64, tpu.core_type = #tpu.core_type<sc_vector_subcore>, window_params = [{transform_indices = #map}, {transform_indices = #map}, {transform_indices = #map}, {transform_indices = #map1}]} {
    %mul3A = arith.constant 2 : i32
    %mul3A_0 = arith.muli %arg1, %mul3A : i32
    %add3A = arith.addi %mul3A_0, %arg0 : i32
    %mul3A_1 = arith.constant 40 : i32
    %mul3A_2 = arith.muli %add3A, %mul3A_1 : i32
    %mul3A_3 = arith.constant 5000 : i32
    %mul3A_4 = arith.muli %add3A, %mul3A_3 : i32
    %mul3A_5 = arith.constant 625 : i32
    %mul3A_6 = arith.muli %arg1, %mul3A_5 : i32
    %dma_start3A = arith.constant 0 : i32
    %dma_start3A_7 = tpu.memref_slice %arg8[%mul3A_6, %dma_start3A] : memref<10000x16xf32, #tpu.memory_space<vmem_shared>> -> memref<625x16xf32, #tpu.memory_space<vmem_shared>>
    %dma_start3A_8 = arith.constant 0 : i32
    %dma_start3A_9 = tpu.memref_slice %arg4[%mul3A_6, %dma_start3A_8] : memref<10000x16xf32, #tpu.memory_space<hbm>> -> memref<625x16xf32, #tpu.memory_space<hbm>>
    tpu.enqueue_dma source(%dma_start3A_9 : memref<625x16xf32, #tpu.memory_space<hbm>>) target(%dma_start3A_7 : memref<625x16xf32, #tpu.memory_space<vmem_shared>>) target_semaphore(%arg9 : memref<!tpu.dma_semaphore, #tpu.memory_space<semaphore_mem>>)
    %dma_start3A_10 = arith.constant 0 : i32
    %dma_start3A_11 = tpu.memref_slice %arg3[%mul3A_2, %dma_start3A_10] : memref<1280x125xi32, #tpu.memory_space<hbm>> -> memref<40x125xi32, #tpu.memory_space<hbm>>
    %dma_start3A_12 = arith.constant 0 : i32
    %dma_start3A_13 = tpu.memref_slice %arg3[%mul3A_2, %dma_start3A_12] : memref<1280x125xi32, #tpu.memory_space<hbm>> -> memref<40x125xi32, #tpu.memory_space<hbm>>
    tpu.enqueue_dma source(%dma_start3A_13 : memref<40x125xi32, #tpu.memory_space<hbm>>) target(%arg6 : memref<40x125xi32, #tpu.memory_space<vmem>>) target_semaphore(%arg10 : memref<!tpu.dma_semaphore, #tpu.memory_space<semaphore_mem>>)
    %dma_start3A_14 = arith.constant 0 : i32
    %dma_start3A_15 = tpu.memref_slice %arg2[%mul3A_4, %dma_start3A_14] : memref<160000x16xf32, #tpu.memory_space<hbm>> -> memref<5000x16xf32, #tpu.memory_space<hbm>>
    %dma_start3A_16 = arith.constant 0 : i32
    %dma_start3A_17 = tpu.memref_slice %arg2[%mul3A_4, %dma_start3A_16] : memref<160000x16xf32, #tpu.memory_space<hbm>> -> memref<5000x16xf32, #tpu.memory_space<hbm>>
    tpu.enqueue_dma source(%dma_start3A_17 : memref<5000x16xf32, #tpu.memory_space<hbm>>) target(%arg7 : memref<5000x16xf32, #tpu.memory_space<vmem>>) target_semaphore(%arg10 : memref<!tpu.dma_semaphore, #tpu.memory_space<semaphore_mem>>)
    %dma_wait3A = arith.constant 0 : i32
    %dma_wait3A_18 = tpu.memref_slice %arg8[%mul3A_6, %dma_wait3A] : memref<10000x16xf32, #tpu.memory_space<vmem_shared>> -> memref<625x16xf32, #tpu.memory_space<vmem_shared>>
    %dma_wait3A_19 = arith.constant 0 : i32
    %dma_wait3A_20 = tpu.memref_slice %arg4[%mul3A_6, %dma_wait3A_19] : memref<10000x16xf32, #tpu.memory_space<hbm>> -> memref<625x16xf32, #tpu.memory_space<hbm>>
    tpu.wait_dma2 semaphore(%arg9 : memref<!tpu.dma_semaphore, #tpu.memory_space<semaphore_mem>>) src(%dma_wait3A_20 : memref<625x16xf32, #tpu.memory_space<hbm>>) dst(%dma_wait3A_18 : memref<625x16xf32, #tpu.memory_space<vmem_shared>>)
    %dma_wait3A_21 = arith.constant 0 : i32
    %dma_wait3A_22 = tpu.memref_slice %arg3[%mul3A_2, %dma_wait3A_21] : memref<1280x125xi32, #tpu.memory_space<hbm>> -> memref<40x125xi32, #tpu.memory_space<hbm>>
    %dma_wait3A_23 = arith.constant 0 : i32
    %dma_wait3A_24 = tpu.memref_slice %arg3[%mul3A_2, %dma_wait3A_23] : memref<1280x125xi32, #tpu.memory_space<hbm>> -> memref<40x125xi32, #tpu.memory_space<hbm>>
    tpu.wait_dma2 semaphore(%arg10 : memref<!tpu.dma_semaphore, #tpu.memory_space<semaphore_mem>>) src(%dma_wait3A_24 : memref<40x125xi32, #tpu.memory_space<hbm>>) dst(%arg6 : memref<40x125xi32, #tpu.memory_space<vmem>>)
    %dma_wait3A_25 = arith.constant 0 : i32
    %dma_wait3A_26 = tpu.memref_slice %arg2[%mul3A_4, %dma_wait3A_25] : memref<160000x16xf32, #tpu.memory_space<hbm>> -> memref<5000x16xf32, #tpu.memory_space<hbm>>
    %dma_wait3A_27 = arith.constant 0 : i32
    %dma_wait3A_28 = tpu.memref_slice %arg2[%mul3A_4, %dma_wait3A_27] : memref<160000x16xf32, #tpu.memory_space<hbm>> -> memref<5000x16xf32, #tpu.memory_space<hbm>>
    tpu.wait_dma2 semaphore(%arg10 : memref<!tpu.dma_semaphore, #tpu.memory_space<semaphore_mem>>) src(%dma_wait3A_28 : memref<5000x16xf32, #tpu.memory_space<hbm>>) dst(%arg7 : memref<5000x16xf32, #tpu.memory_space<vmem>>)
    %barrier3A = arith.constant 0 : index
    tpu.barrier barrier_id(%barrier3A)
    %scan3A = arith.constant 0 : i32
    %scan3A_29 = arith.constant 40 : i32
    %scan3A_30 = arith.addi %scan3A, %scan3A_29 : i32
    %scan3A_31 = arith.constant 1 : i32
    scf.for %scan3A_38 = %scan3A to %scan3A_30 step %scan3A_31  : i32 {
      %mul3A_39 = arith.constant 1 : i32
      %mul3A_40 = arith.muli %scan3A_38, %mul3A_39 : i32
      %add3A_41 = arith.constant 0 : i32
      %add3A_42 = arith.addi %add3A_41, %mul3A_40 : i32
      %mul3A_43 = arith.constant 125 : i32
      %mul3A_44 = arith.muli %add3A_42, %mul3A_43 : i32
      %dma_start3A_45 = arith.constant 0 : i32
      %dma_start3A_46 = tpu.memref_slice %arg7[%mul3A_44, %dma_start3A_45] : memref<5000x16xf32, #tpu.memory_space<vmem>> -> memref<125x16xf32, #tpu.memory_space<vmem>>
      %dma_start3A_47 = arith.constant 0 : i32
      %dma_start3A_48 = tpu.memref_slice %arg6[%add3A_42, %dma_start3A_47] : memref<40x125xi32, #tpu.memory_space<vmem>> -> memref<1x125xi32, #tpu.memory_space<vmem>>
      %dma_start3A_49 = tpu.memref_squeeze %dma_start3A_48 : memref<1x125xi32, #tpu.memory_space<vmem>> -> memref<125xi32, #tpu.memory_space<vmem>>
      %dma_start3A_50 = arith.constant 0 : i32
      %dma_start3A_51 = arith.constant 0 : i32
      %dma_start3A_52 = tpu.memref_slice %arg8[%dma_start3A_50, %dma_start3A_51] : memref<10000x16xf32, #tpu.memory_space<vmem_shared>> -> memref<10000x16xf32, #tpu.memory_space<vmem_shared>>
      tpu.enqueue_indirect_dma source(%dma_start3A_46 : memref<125x16xf32, #tpu.memory_space<vmem>>) target(%dma_start3A_52 : memref<10000x16xf32, #tpu.memory_space<vmem_shared>>) offsets(%dma_start3A_49 : memref<125xi32, #tpu.memory_space<vmem>>) semaphore(%arg9 : memref<!tpu.dma_semaphore, #tpu.memory_space<semaphore_mem>>) {add = true}
    }
    %scan3A_32 = arith.constant 40 : i32
    %dma_wait3A_33 = arith.constant 0 : i32
    %dma_wait3A_34 = tpu.memref_slice %arg2[%mul3A_4, %dma_wait3A_33] : memref<160000x16xf32, #tpu.memory_space<hbm>> -> memref<5000x16xf32, #tpu.memory_space<hbm>>
    %dma_wait3A_35 = arith.constant 0 : i32
    %dma_wait3A_36 = tpu.memref_slice %arg2[%mul3A_4, %dma_wait3A_35] : memref<160000x16xf32, #tpu.memory_space<hbm>> -> memref<5000x16xf32, #tpu.memory_space<hbm>>
    tpu.wait_dma2 semaphore(%arg9 : memref<!tpu.dma_semaphore, #tpu.memory_space<semaphore_mem>>) src(%dma_wait3A_36 : memref<5000x16xf32, #tpu.memory_space<hbm>>) dst(%arg7 : memref<5000x16xf32, #tpu.memory_space<vmem>>)
    %barrier3A_37 = arith.constant 0 : index
    tpu.barrier barrier_id(%barrier3A_37)
    "tpu.region"() ({
      %run_scoped3A = tpu.sem_alloc : memref<!tpu.dma_semaphore, #tpu.memory_space<semaphore_mem>>
      %dma_start3A_38 = arith.constant 0 : i32
      %dma_start3A_39 = tpu.memref_slice %arg5[%arg0, %mul3A_6, %dma_start3A_38] : memref<2x10000x16xf32, #tpu.memory_space<hbm>> -> memref<1x625x16xf32, #tpu.memory_space<hbm>>
      %dma_start3A_40 = tpu.memref_squeeze %dma_start3A_39 : memref<1x625x16xf32, #tpu.memory_space<hbm>> -> memref<625x16xf32, #tpu.memory_space<hbm>>
      %dma_start3A_41 = arith.constant 0 : i32
      %dma_start3A_42 = tpu.memref_slice %arg8[%mul3A_6, %dma_start3A_41] : memref<10000x16xf32, #tpu.memory_space<vmem_shared>> -> memref<625x16xf32, #tpu.memory_space<vmem_shared>>
      tpu.enqueue_dma source(%dma_start3A_42 : memref<625x16xf32, #tpu.memory_space<vmem_shared>>) target(%dma_start3A_40 : memref<625x16xf32, #tpu.memory_space<hbm>>) target_semaphore(%run_scoped3A : memref<!tpu.dma_semaphore, #tpu.memory_space<semaphore_mem>>)
      %dma_wait3A_43 = arith.constant 0 : i32
      %dma_wait3A_44 = tpu.memref_slice %arg5[%arg0, %mul3A_6, %dma_wait3A_43] : memref<2x10000x16xf32, #tpu.memory_space<hbm>> -> memref<1x625x16xf32, #tpu.memory_space<hbm>>
      %dma_wait3A_45 = tpu.memref_squeeze %dma_wait3A_44 : memref<1x625x16xf32, #tpu.memory_space<hbm>> -> memref<625x16xf32, #tpu.memory_space<hbm>>
      %dma_wait3A_46 = arith.constant 0 : i32
      %dma_wait3A_47 = tpu.memref_slice %arg8[%mul3A_6, %dma_wait3A_46] : memref<10000x16xf32, #tpu.memory_space<vmem_shared>> -> memref<625x16xf32, #tpu.memory_space<vmem_shared>>
      tpu.wait_dma2 semaphore(%run_scoped3A : memref<!tpu.dma_semaphore, #tpu.memory_space<semaphore_mem>>) src(%dma_wait3A_47 : memref<625x16xf32, #tpu.memory_space<vmem_shared>>) dst(%dma_wait3A_45 : memref<625x16xf32, #tpu.memory_space<hbm>>)
      tpu.yield
    }) : () -> ()
    return
  }
}

#map = affine_map<(d0, d1) -> (0, 0)>
module attributes {stable_mosaic.version = 14 : i64} {
  func.func @k(%arg0: i32, %arg1: i32, %arg2: memref<10000x16xf32, #tpu.memory_space<hbm>>, %arg3: memref<1280x125xi32, #tpu.memory_space<hbm>>, %arg4: memref<160000x16xf32, #tpu.memory_space<hbm>>, %arg5: memref<40x125xi32, #tpu.memory_space<vmem>>, %arg6: memref<5000x16xf32, #tpu.memory_space<vmem>>, %arg7: memref<!tpu.dma_semaphore, #tpu.memory_space<semaphore_mem>>, %arg8: memref<!tpu.dma_semaphore, #tpu.memory_space<semaphore_mem>>) attributes {dimension_semantics = [#tpu.dimension_semantics<core_parallel>, #tpu.dimension_semantics<subcore_parallel>], iteration_bounds = array<i64: 2, 16>, scalar_prefetch = 0 : i64, scratch_operands = 4 : i64, tpu.core_type = #tpu.core_type<sc_vector_subcore>, window_params = [{transform_indices = #map}, {transform_indices = #map}, {transform_indices = #map}]} {
    %mul3A = arith.constant 2 : i32
    %mul3A_0 = arith.muli %arg1, %mul3A : i32
    %add3A = arith.addi %mul3A_0, %arg0 : i32
    %mul3A_1 = arith.constant 40 : i32
    %mul3A_2 = arith.muli %add3A, %mul3A_1 : i32
    %mul3A_3 = arith.constant 5000 : i32
    %mul3A_4 = arith.muli %add3A, %mul3A_3 : i32
    %dma_start3A = arith.constant 0 : i32
    %dma_start3A_5 = tpu.memref_slice %arg3[%mul3A_2, %dma_start3A] : memref<1280x125xi32, #tpu.memory_space<hbm>> -> memref<40x125xi32, #tpu.memory_space<hbm>>
    %dma_start3A_6 = arith.constant 0 : i32
    %dma_start3A_7 = tpu.memref_slice %arg3[%mul3A_2, %dma_start3A_6] : memref<1280x125xi32, #tpu.memory_space<hbm>> -> memref<40x125xi32, #tpu.memory_space<hbm>>
    tpu.enqueue_dma source(%dma_start3A_7 : memref<40x125xi32, #tpu.memory_space<hbm>>) target(%arg5 : memref<40x125xi32, #tpu.memory_space<vmem>>) target_semaphore(%arg7 : memref<!tpu.dma_semaphore, #tpu.memory_space<semaphore_mem>>)
    %dma_wait3A = arith.constant 0 : i32
    %dma_wait3A_8 = tpu.memref_slice %arg3[%mul3A_2, %dma_wait3A] : memref<1280x125xi32, #tpu.memory_space<hbm>> -> memref<40x125xi32, #tpu.memory_space<hbm>>
    %dma_wait3A_9 = arith.constant 0 : i32
    %dma_wait3A_10 = tpu.memref_slice %arg3[%mul3A_2, %dma_wait3A_9] : memref<1280x125xi32, #tpu.memory_space<hbm>> -> memref<40x125xi32, #tpu.memory_space<hbm>>
    tpu.wait_dma2 semaphore(%arg7 : memref<!tpu.dma_semaphore, #tpu.memory_space<semaphore_mem>>) src(%dma_wait3A_10 : memref<40x125xi32, #tpu.memory_space<hbm>>) dst(%arg5 : memref<40x125xi32, #tpu.memory_space<vmem>>)
    %scan3A = arith.constant 0 : i32
    %scan3A_11 = arith.constant 20 : i32
    %scan3A_12 = arith.addi %scan3A, %scan3A_11 : i32
    %scan3A_13 = arith.constant 1 : i32
    scf.for %scan3A_84 = %scan3A to %scan3A_12 step %scan3A_13  : i32 {
      %mul3A_85 = arith.constant 1 : i32
      %mul3A_86 = arith.muli %scan3A_84, %mul3A_85 : i32
      %add3A_87 = arith.constant 0 : i32
      %add3A_88 = arith.addi %add3A_87, %mul3A_86 : i32
      %mul3A_89 = arith.constant 125 : i32
      %mul3A_90 = arith.muli %add3A_88, %mul3A_89 : i32
      %dma_start3A_91 = arith.constant 0 : i32
      %dma_start3A_92 = tpu.memref_slice %arg6[%mul3A_90, %dma_start3A_91] : memref<5000x16xf32, #tpu.memory_space<vmem>> -> memref<125x16xf32, #tpu.memory_space<vmem>>
      %dma_start3A_93 = arith.constant 0 : i32
      %dma_start3A_94 = tpu.memref_slice %arg5[%add3A_88, %dma_start3A_93] : memref<40x125xi32, #tpu.memory_space<vmem>> -> memref<1x125xi32, #tpu.memory_space<vmem>>
      %dma_start3A_95 = tpu.memref_squeeze %dma_start3A_94 : memref<1x125xi32, #tpu.memory_space<vmem>> -> memref<125xi32, #tpu.memory_space<vmem>>
      %dma_start3A_96 = arith.constant 0 : i32
      %dma_start3A_97 = arith.constant 0 : i32
      %dma_start3A_98 = tpu.memref_slice %arg2[%dma_start3A_96, %dma_start3A_97] : memref<10000x16xf32, #tpu.memory_space<hbm>> -> memref<10000x16xf32, #tpu.memory_space<hbm>>
      tpu.enqueue_indirect_dma source(%dma_start3A_98 : memref<10000x16xf32, #tpu.memory_space<hbm>>) target(%dma_start3A_92 : memref<125x16xf32, #tpu.memory_space<vmem>>) offsets(%dma_start3A_95 : memref<125xi32, #tpu.memory_space<vmem>>) semaphore(%arg8 : memref<!tpu.dma_semaphore, #tpu.memory_space<semaphore_mem>>)
    }
    %scan3A_14 = arith.constant 20 : i32
    %dma_wait3A_15 = arith.constant 0 : i32
    %dma_wait3A_16 = arith.constant 0 : i32
    %dma_wait3A_17 = tpu.memref_slice %arg6[%dma_wait3A_15, %dma_wait3A_16] : memref<5000x16xf32, #tpu.memory_space<vmem>> -> memref<2500x16xf32, #tpu.memory_space<vmem>>
    %dma_wait3A_18 = arith.constant 0 : i32
    %dma_wait3A_19 = tpu.memref_slice %arg4[%mul3A_4, %dma_wait3A_18] : memref<160000x16xf32, #tpu.memory_space<hbm>> -> memref<2500x16xf32, #tpu.memory_space<hbm>>
    %dma_wait3A_20 = arith.constant 0 : i32
    %dma_wait3A_21 = arith.constant 0 : i32
    %dma_wait3A_22 = tpu.memref_slice %arg6[%dma_wait3A_20, %dma_wait3A_21] : memref<5000x16xf32, #tpu.memory_space<vmem>> -> memref<2500x16xf32, #tpu.memory_space<vmem>>
    %dma_wait3A_23 = arith.constant 0 : i32
    %dma_wait3A_24 = tpu.memref_slice %arg4[%mul3A_4, %dma_wait3A_23] : memref<160000x16xf32, #tpu.memory_space<hbm>> -> memref<2500x16xf32, #tpu.memory_space<hbm>>
    tpu.wait_dma2 semaphore(%arg8 : memref<!tpu.dma_semaphore, #tpu.memory_space<semaphore_mem>>) src(%dma_wait3A_24 : memref<2500x16xf32, #tpu.memory_space<hbm>>) dst(%dma_wait3A_22 : memref<2500x16xf32, #tpu.memory_space<vmem>>)
    %scan3A_25 = arith.constant 0 : i32
    %scan3A_26 = arith.constant 20 : i32
    %scan3A_27 = arith.addi %scan3A_25, %scan3A_26 : i32
    %scan3A_28 = arith.constant 1 : i32
    scf.for %scan3A_84 = %scan3A_25 to %scan3A_27 step %scan3A_28  : i32 {
      %mul3A_85 = arith.constant 1 : i32
      %mul3A_86 = arith.muli %scan3A_84, %mul3A_85 : i32
      %add3A_87 = arith.constant 20 : i32
      %add3A_88 = arith.addi %add3A_87, %mul3A_86 : i32
      %mul3A_89 = arith.constant 125 : i32
      %mul3A_90 = arith.muli %add3A_88, %mul3A_89 : i32
      %dma_start3A_91 = arith.constant 0 : i32
      %dma_start3A_92 = tpu.memref_slice %arg6[%mul3A_90, %dma_start3A_91] : memref<5000x16xf32, #tpu.memory_space<vmem>> -> memref<125x16xf32, #tpu.memory_space<vmem>>
      %dma_start3A_93 = arith.constant 0 : i32
      %dma_start3A_94 = tpu.memref_slice %arg5[%add3A_88, %dma_start3A_93] : memref<40x125xi32, #tpu.memory_space<vmem>> -> memref<1x125xi32, #tpu.memory_space<vmem>>
      %dma_start3A_95 = tpu.memref_squeeze %dma_start3A_94 : memref<1x125xi32, #tpu.memory_space<vmem>> -> memref<125xi32, #tpu.memory_space<vmem>>
      %dma_start3A_96 = arith.constant 0 : i32
      %dma_start3A_97 = arith.constant 0 : i32
      %dma_start3A_98 = tpu.memref_slice %arg2[%dma_start3A_96, %dma_start3A_97] : memref<10000x16xf32, #tpu.memory_space<hbm>> -> memref<10000x16xf32, #tpu.memory_space<hbm>>
      tpu.enqueue_indirect_dma source(%dma_start3A_98 : memref<10000x16xf32, #tpu.memory_space<hbm>>) target(%dma_start3A_92 : memref<125x16xf32, #tpu.memory_space<vmem>>) offsets(%dma_start3A_95 : memref<125xi32, #tpu.memory_space<vmem>>) semaphore(%arg8 : memref<!tpu.dma_semaphore, #tpu.memory_space<semaphore_mem>>)
    }
    %scan3A_29 = arith.constant 20 : i32
    %dma_start3A_30 = arith.constant 0 : i32
    %dma_start3A_31 = arith.constant 0 : i32
    %dma_start3A_32 = tpu.memref_slice %arg6[%dma_start3A_30, %dma_start3A_31] : memref<5000x16xf32, #tpu.memory_space<vmem>> -> memref<2500x16xf32, #tpu.memory_space<vmem>>
    %dma_start3A_33 = arith.constant 0 : i32
    %dma_start3A_34 = tpu.memref_slice %arg4[%mul3A_4, %dma_start3A_33] : memref<160000x16xf32, #tpu.memory_space<hbm>> -> memref<2500x16xf32, #tpu.memory_space<hbm>>
    %dma_start3A_35 = arith.constant 0 : i32
    %dma_start3A_36 = tpu.memref_slice %arg4[%mul3A_4, %dma_start3A_35] : memref<160000x16xf32, #tpu.memory_space<hbm>> -> memref<2500x16xf32, #tpu.memory_space<hbm>>
    %dma_start3A_37 = arith.constant 0 : i32
    %dma_start3A_38 = arith.constant 0 : i32
    %dma_start3A_39 = tpu.memref_slice %arg6[%dma_start3A_37, %dma_start3A_38] : memref<5000x16xf32, #tpu.memory_space<vmem>> -> memref<2500x16xf32, #tpu.memory_space<vmem>>
    tpu.enqueue_dma source(%dma_start3A_39 : memref<2500x16xf32, #tpu.memory_space<vmem>>) target(%dma_start3A_36 : memref<2500x16xf32, #tpu.memory_space<hbm>>) target_semaphore(%arg7 : memref<!tpu.dma_semaphore, #tpu.memory_space<semaphore_mem>>)
    %add3A_40 = arith.constant 2500 : i32
    %add3A_41 = arith.addi %mul3A_4, %add3A_40 : i32
    %dma_wait3A_42 = arith.constant 2500 : i32
    %dma_wait3A_43 = arith.constant 0 : i32
    %dma_wait3A_44 = tpu.memref_slice %arg6[%dma_wait3A_42, %dma_wait3A_43] : memref<5000x16xf32, #tpu.memory_space<vmem>> -> memref<2500x16xf32, #tpu.memory_space<vmem>>
    %dma_wait3A_45 = arith.constant 0 : i32
    %dma_wait3A_46 = tpu.memref_slice %arg4[%add3A_41, %dma_wait3A_45] : memref<160000x16xf32, #tpu.memory_space<hbm>> -> memref<2500x16xf32, #tpu.memory_space<hbm>>
    %dma_wait3A_47 = arith.constant 2500 : i32
    %dma_wait3A_48 = arith.constant 0 : i32
    %dma_wait3A_49 = tpu.memref_slice %arg6[%dma_wait3A_47, %dma_wait3A_48] : memref<5000x16xf32, #tpu.memory_space<vmem>> -> memref<2500x16xf32, #tpu.memory_space<vmem>>
    %dma_wait3A_50 = arith.constant 0 : i32
    %dma_wait3A_51 = tpu.memref_slice %arg4[%add3A_41, %dma_wait3A_50] : memref<160000x16xf32, #tpu.memory_space<hbm>> -> memref<2500x16xf32, #tpu.memory_space<hbm>>
    tpu.wait_dma2 semaphore(%arg8 : memref<!tpu.dma_semaphore, #tpu.memory_space<semaphore_mem>>) src(%dma_wait3A_51 : memref<2500x16xf32, #tpu.memory_space<hbm>>) dst(%dma_wait3A_49 : memref<2500x16xf32, #tpu.memory_space<vmem>>)
    %add3A_52 = arith.constant 2500 : i32
    %add3A_53 = arith.addi %mul3A_4, %add3A_52 : i32
    %dma_start3A_54 = arith.constant 2500 : i32
    %dma_start3A_55 = arith.constant 0 : i32
    %dma_start3A_56 = tpu.memref_slice %arg6[%dma_start3A_54, %dma_start3A_55] : memref<5000x16xf32, #tpu.memory_space<vmem>> -> memref<2500x16xf32, #tpu.memory_space<vmem>>
    %dma_start3A_57 = arith.constant 0 : i32
    %dma_start3A_58 = tpu.memref_slice %arg4[%add3A_53, %dma_start3A_57] : memref<160000x16xf32, #tpu.memory_space<hbm>> -> memref<2500x16xf32, #tpu.memory_space<hbm>>
    %dma_start3A_59 = arith.constant 0 : i32
    %dma_start3A_60 = tpu.memref_slice %arg4[%add3A_53, %dma_start3A_59] : memref<160000x16xf32, #tpu.memory_space<hbm>> -> memref<2500x16xf32, #tpu.memory_space<hbm>>
    %dma_start3A_61 = arith.constant 2500 : i32
    %dma_start3A_62 = arith.constant 0 : i32
    %dma_start3A_63 = tpu.memref_slice %arg6[%dma_start3A_61, %dma_start3A_62] : memref<5000x16xf32, #tpu.memory_space<vmem>> -> memref<2500x16xf32, #tpu.memory_space<vmem>>
    tpu.enqueue_dma source(%dma_start3A_63 : memref<2500x16xf32, #tpu.memory_space<vmem>>) target(%dma_start3A_60 : memref<2500x16xf32, #tpu.memory_space<hbm>>) target_semaphore(%arg7 : memref<!tpu.dma_semaphore, #tpu.memory_space<semaphore_mem>>)
    %dma_wait3A_64 = arith.constant 0 : i32
    %dma_wait3A_65 = arith.constant 0 : i32
    %dma_wait3A_66 = tpu.memref_slice %arg6[%dma_wait3A_64, %dma_wait3A_65] : memref<5000x16xf32, #tpu.memory_space<vmem>> -> memref<2500x16xf32, #tpu.memory_space<vmem>>
    %dma_wait3A_67 = arith.constant 0 : i32
    %dma_wait3A_68 = tpu.memref_slice %arg4[%mul3A_4, %dma_wait3A_67] : memref<160000x16xf32, #tpu.memory_space<hbm>> -> memref<2500x16xf32, #tpu.memory_space<hbm>>
    %dma_wait3A_69 = arith.constant 0 : i32
    %dma_wait3A_70 = tpu.memref_slice %arg4[%mul3A_4, %dma_wait3A_69] : memref<160000x16xf32, #tpu.memory_space<hbm>> -> memref<2500x16xf32, #tpu.memory_space<hbm>>
    %dma_wait3A_71 = arith.constant 0 : i32
    %dma_wait3A_72 = arith.constant 0 : i32
    %dma_wait3A_73 = tpu.memref_slice %arg6[%dma_wait3A_71, %dma_wait3A_72] : memref<5000x16xf32, #tpu.memory_space<vmem>> -> memref<2500x16xf32, #tpu.memory_space<vmem>>
    tpu.wait_dma2 semaphore(%arg7 : memref<!tpu.dma_semaphore, #tpu.memory_space<semaphore_mem>>) src(%dma_wait3A_73 : memref<2500x16xf32, #tpu.memory_space<vmem>>) dst(%dma_wait3A_70 : memref<2500x16xf32, #tpu.memory_space<hbm>>)
    %dma_wait3A_74 = arith.constant 2500 : i32
    %dma_wait3A_75 = arith.constant 0 : i32
    %dma_wait3A_76 = tpu.memref_slice %arg6[%dma_wait3A_74, %dma_wait3A_75] : memref<5000x16xf32, #tpu.memory_space<vmem>> -> memref<2500x16xf32, #tpu.memory_space<vmem>>
    %dma_wait3A_77 = arith.constant 0 : i32
    %dma_wait3A_78 = tpu.memref_slice %arg4[%add3A_53, %dma_wait3A_77] : memref<160000x16xf32, #tpu.memory_space<hbm>> -> memref<2500x16xf32, #tpu.memory_space<hbm>>
    %dma_wait3A_79 = arith.constant 0 : i32
    %dma_wait3A_80 = tpu.memref_slice %arg4[%add3A_53, %dma_wait3A_79] : memref<160000x16xf32, #tpu.memory_space<hbm>> -> memref<2500x16xf32, #tpu.memory_space<hbm>>
    %dma_wait3A_81 = arith.constant 2500 : i32
    %dma_wait3A_82 = arith.constant 0 : i32
    %dma_wait3A_83 = tpu.memref_slice %arg6[%dma_wait3A_81, %dma_wait3A_82] : memref<5000x16xf32, #tpu.memory_space<vmem>> -> memref<2500x16xf32, #tpu.memory_space<vmem>>
    tpu.wait_dma2 semaphore(%arg7 : memref<!tpu.dma_semaphore, #tpu.memory_space<semaphore_mem>>) src(%dma_wait3A_83 : memref<2500x16xf32, #tpu.memory_space<vmem>>) dst(%dma_wait3A_80 : memref<2500x16xf32, #tpu.memory_space<hbm>>)
    return
  }
}

#map = affine_map<(d0, d1) -> (0, 0)>
#map1 = affine_map<(d0, d1) -> (0, 0, 0)>
module attributes {stable_mosaic.version = 14 : i64} {
  func.func @k(%arg0: i32, %arg1: i32, %arg2: memref<1280x125xi32, #tpu.memory_space<hbm>>, %arg3: memref<10000x16xf32, #tpu.memory_space<hbm>>, %arg4: memref<2x10000x16xf32, #tpu.memory_space<hbm>>, %arg5: memref<40x125xi32, #tpu.memory_space<vmem>>, %arg6: memref<125x16xf32, #tpu.memory_space<vmem>>, %arg7: memref<10000x16xf32, #tpu.memory_space<vmem_shared>>, %arg8: memref<!tpu.dma_semaphore, #tpu.memory_space<semaphore_mem>>) attributes {dimension_semantics = [#tpu.dimension_semantics<core_parallel>, #tpu.dimension_semantics<subcore_parallel>], iteration_bounds = array<i64: 2, 16>, scalar_prefetch = 0 : i64, scratch_operands = 4 : i64, tpu.core_type = #tpu.core_type<sc_vector_subcore>, window_params = [{transform_indices = #map}, {transform_indices = #map}, {transform_indices = #map1}]} {
    %mul3A = arith.constant 2 : i32
    %mul3A_0 = arith.muli %arg1, %mul3A : i32
    %add3A = arith.addi %mul3A_0, %arg0 : i32
    %mul3A_1 = arith.constant 40 : i32
    %mul3A_2 = arith.muli %add3A, %mul3A_1 : i32
    %mul3A_3 = arith.constant 625 : i32
    %mul3A_4 = arith.muli %arg1, %mul3A_3 : i32
    %dma_start3A = arith.constant 0 : i32
    %dma_start3A_5 = tpu.memref_slice %arg7[%mul3A_4, %dma_start3A] : memref<10000x16xf32, #tpu.memory_space<vmem_shared>> -> memref<625x16xf32, #tpu.memory_space<vmem_shared>>
    %dma_start3A_6 = arith.constant 0 : i32
    %dma_start3A_7 = tpu.memref_slice %arg3[%mul3A_4, %dma_start3A_6] : memref<10000x16xf32, #tpu.memory_space<hbm>> -> memref<625x16xf32, #tpu.memory_space<hbm>>
    tpu.enqueue_dma source(%dma_start3A_7 : memref<625x16xf32, #tpu.memory_space<hbm>>) target(%dma_start3A_5 : memref<625x16xf32, #tpu.memory_space<vmem_shared>>) target_semaphore(%arg8 : memref<!tpu.dma_semaphore, #tpu.memory_space<semaphore_mem>>)
    %dma_start3A_8 = arith.constant 0 : i32
    %dma_start3A_9 = tpu.memref_slice %arg2[%mul3A_2, %dma_start3A_8] : memref<1280x125xi32, #tpu.memory_space<hbm>> -> memref<40x125xi32, #tpu.memory_space<hbm>>
    %dma_start3A_10 = arith.constant 0 : i32
    %dma_start3A_11 = tpu.memref_slice %arg2[%mul3A_2, %dma_start3A_10] : memref<1280x125xi32, #tpu.memory_space<hbm>> -> memref<40x125xi32, #tpu.memory_space<hbm>>
    tpu.enqueue_dma source(%dma_start3A_11 : memref<40x125xi32, #tpu.memory_space<hbm>>) target(%arg5 : memref<40x125xi32, #tpu.memory_space<vmem>>) target_semaphore(%arg8 : memref<!tpu.dma_semaphore, #tpu.memory_space<semaphore_mem>>)
    %scan3A = arith.constant 0 : i32
    %scan3A_12 = arith.constant 125 : i32
    %scan3A_13 = arith.addi %scan3A, %scan3A_12 : i32
    %scan3A_14 = arith.constant 1 : i32
    scf.for %scan3A_29 = %scan3A to %scan3A_13 step %scan3A_14  : i32 {
      %mul3A_30 = arith.constant 1 : i32
      %mul3A_31 = arith.muli %scan3A_29, %mul3A_30 : i32
      %add3A_32 = arith.constant 0 : i32
      %add3A_33 = arith.addi %add3A_32, %mul3A_31 : i32
      %broadcast_in_dim3A = arith.constant 1.000000e+00 : f32
      %broadcast_in_dim3A_34 = vector.broadcast %broadcast_in_dim3A : f32 to vector<16xf32>
      %swap3A = arith.index_cast %add3A_33 : i32 to index
      %swap3A_35 = arith.constant 0 : index
      %swap3A_36 = tpu.vector_load %arg6[%swap3A, %swap3A_35] {strides = array<i32>} : memref<125x16xf32, #tpu.memory_space<vmem>>, vector<1x16xf32>,
      %swap3A_37 = vector.shape_cast %swap3A_36 : vector<1x16xf32> to vector<16xf32>
      %swap3A_38 = vector.shape_cast %broadcast_in_dim3A_34 : vector<16xf32> to vector<1x16xf32>
      tpu.vector_store %arg6[%swap3A, %swap3A_35], %swap3A_38 {strides = array<i32>} : memref<125x16xf32, #tpu.memory_space<vmem>>, vector<1x16xf32>,
    }
    %scan3A_15 = arith.constant 125 : i32
    %dma_wait3A = arith.constant 0 : i32
    %dma_wait3A_16 = tpu.memref_slice %arg7[%mul3A_4, %dma_wait3A] : memref<10000x16xf32, #tpu.memory_space<vmem_shared>> -> memref<625x16xf32, #tpu.memory_space<vmem_shared>>
    %dma_wait3A_17 = arith.constant 0 : i32
    %dma_wait3A_18 = tpu.memref_slice %arg3[%mul3A_4, %dma_wait3A_17] : memref<10000x16xf32, #tpu.memory_space<hbm>> -> memref<625x16xf32, #tpu.memory_space<hbm>>
    tpu.wait_dma2 semaphore(%arg8 : memref<!tpu.dma_semaphore, #tpu.memory_space<semaphore_mem>>) src(%dma_wait3A_18 : memref<625x16xf32, #tpu.memory_space<hbm>>) dst(%dma_wait3A_16 : memref<625x16xf32, #tpu.memory_space<vmem_shared>>)
    %dma_wait3A_19 = arith.constant 0 : i32
    %dma_wait3A_20 = tpu.memref_slice %arg2[%mul3A_2, %dma_wait3A_19] : memref<1280x125xi32, #tpu.memory_space<hbm>> -> memref<40x125xi32, #tpu.memory_space<hbm>>
    %dma_wait3A_21 = arith.constant 0 : i32
    %dma_wait3A_22 = tpu.memref_slice %arg2[%mul3A_2, %dma_wait3A_21] : memref<1280x125xi32, #tpu.memory_space<hbm>> -> memref<40x125xi32, #tpu.memory_space<hbm>>
    tpu.wait_dma2 semaphore(%arg8 : memref<!tpu.dma_semaphore, #tpu.memory_space<semaphore_mem>>) src(%dma_wait3A_22 : memref<40x125xi32, #tpu.memory_space<hbm>>) dst(%arg5 : memref<40x125xi32, #tpu.memory_space<vmem>>)
    %barrier3A = arith.constant 0 : index
    tpu.barrier barrier_id(%barrier3A)
    %scan3A_23 = arith.constant 0 : i32
    %scan3A_24 = arith.constant 40 : i32
    %scan3A_25 = arith.addi %scan3A_23, %scan3A_24 : i32
    %scan3A_26 = arith.constant 1 : i32
    scf.for %scan3A_29 = %scan3A_23 to %scan3A_25 step %scan3A_26  : i32 {
      %mul3A_30 = arith.constant 1 : i32
      %mul3A_31 = arith.muli %scan3A_29, %mul3A_30 : i32
      %add3A_32 = arith.constant 0 : i32
      %add3A_33 = arith.addi %add3A_32, %mul3A_31 : i32
      "tpu.region"() ({
        %run_scoped3A = tpu.sem_alloc : memref<!tpu.dma_semaphore, #tpu.memory_space<semaphore_mem>>
        %dma_start3A_34 = arith.constant 0 : i32
        %dma_start3A_35 = tpu.memref_slice %arg5[%add3A_33, %dma_start3A_34] : memref<40x125xi32, #tpu.memory_space<vmem>> -> memref<1x125xi32, #tpu.memory_space<vmem>>
        %dma_start3A_36 = tpu.memref_squeeze %dma_start3A_35 : memref<1x125xi32, #tpu.memory_space<vmem>> -> memref<125xi32, #tpu.memory_space<vmem>>
        %dma_start3A_37 = arith.constant 0 : i32
        %dma_start3A_38 = arith.constant 0 : i32
        %dma_start3A_39 = tpu.memref_slice %arg7[%dma_start3A_37, %dma_start3A_38] : memref<10000x16xf32, #tpu.memory_space<vmem_shared>> -> memref<10000x16xf32, #tpu.memory_space<vmem_shared>>
        tpu.enqueue_indirect_dma source(%arg6 : memref<125x16xf32, #tpu.memory_space<vmem>>) target(%dma_start3A_39 : memref<10000x16xf32, #tpu.memory_space<vmem_shared>>) offsets(%dma_start3A_36 : memref<125xi32, #tpu.memory_space<vmem>>) semaphore(%run_scoped3A : memref<!tpu.dma_semaphore, #tpu.memory_space<semaphore_mem>>) {add = true}
        %dma_wait3A_40 = arith.constant 0 : i32
        %dma_wait3A_41 = tpu.memref_slice %arg5[%add3A_33, %dma_wait3A_40] : memref<40x125xi32, #tpu.memory_space<vmem>> -> memref<1x125xi32, #tpu.memory_space<vmem>>
        %dma_wait3A_42 = tpu.memref_squeeze %dma_wait3A_41 : memref<1x125xi32, #tpu.memory_space<vmem>> -> memref<125xi32, #tpu.memory_space<vmem>>
        %dma_wait3A_43 = arith.constant 0 : i32
        %dma_wait3A_44 = arith.constant 0 : i32
        %dma_wait3A_45 = tpu.memref_slice %arg7[%dma_wait3A_43, %dma_wait3A_44] : memref<10000x16xf32, #tpu.memory_space<vmem_shared>> -> memref<10000x16xf32, #tpu.memory_space<vmem_shared>>
        tpu.wait_indirect_dma semaphore(%run_scoped3A : memref<!tpu.dma_semaphore, #tpu.memory_space<semaphore_mem>>) src(%arg6 : memref<125x16xf32, #tpu.memory_space<vmem>>) dst(%dma_wait3A_45 : memref<10000x16xf32, #tpu.memory_space<vmem_shared>>)
        tpu.yield
      }) : () -> ()
    }
    %scan3A_27 = arith.constant 40 : i32
    %barrier3A_28 = arith.constant 0 : index
    tpu.barrier barrier_id(%barrier3A_28)
    "tpu.region"() ({
      %run_scoped3A = tpu.sem_alloc : memref<!tpu.dma_semaphore, #tpu.memory_space<semaphore_mem>>
      %dma_start3A_29 = arith.constant 0 : i32
      %dma_start3A_30 = tpu.memref_slice %arg4[%arg0, %mul3A_4, %dma_start3A_29] : memref<2x10000x16xf32, #tpu.memory_space<hbm>> -> memref<1x625x16xf32, #tpu.memory_space<hbm>>
      %dma_start3A_31 = tpu.memref_squeeze %dma_start3A_30 : memref<1x625x16xf32, #tpu.memory_space<hbm>> -> memref<625x16xf32, #tpu.memory_space<hbm>>
      %dma_start3A_32 = arith.constant 0 : i32
      %dma_start3A_33 = tpu.memref_slice %arg7[%mul3A_4, %dma_start3A_32] : memref<10000x16xf32, #tpu.memory_space<vmem_shared>> -> memref<625x16xf32, #tpu.memory_space<vmem_shared>>
      tpu.enqueue_dma source(%dma_start3A_33 : memref<625x16xf32, #tpu.memory_space<vmem_shared>>) target(%dma_start3A_31 : memref<625x16xf32, #tpu.memory_space<hbm>>) target_semaphore(%run_scoped3A : memref<!tpu.dma_semaphore, #tpu.memory_space<semaphore_mem>>)
      %dma_wait3A_34 = arith.constant 0 : i32
      %dma_wait3A_35 = tpu.memref_slice %arg4[%arg0, %mul3A_4, %dma_wait3A_34] : memref<2x10000x16xf32, #tpu.memory_space<hbm>> -> memref<1x625x16xf32, #tpu.memory_space<hbm>>
      %dma_wait3A_36 = tpu.memref_squeeze %dma_wait3A_35 : memref<1x625x16xf32, #tpu.memory_space<hbm>> -> memref<625x16xf32, #tpu.memory_space<hbm>>
      %dma_wait3A_37 = arith.constant 0 : i32
      %dma_wait3A_38 = tpu.memref_slice %arg7[%mul3A_4, %dma_wait3A_37] : memref<10000x16xf32, #tpu.memory_space<vmem_shared>> -> memref<625x16xf32, #tpu.memory_space<vmem_shared>>
      tpu.wait_dma2 semaphore(%run_scoped3A : memref<!tpu.dma_semaphore, #tpu.memory_space<semaphore_mem>>) src(%dma_wait3A_38 : memref<625x16xf32, #tpu.memory_space<vmem_shared>>) dst(%dma_wait3A_36 : memref<625x16xf32, #tpu.memory_space<hbm>>)
      tpu.yield
    }) : () -> ()
    return
  }
}

#map = affine_map<(d0, d1) -> (0, 0)>
module attributes {stable_mosaic.version = 14 : i64} {
  func.func @k(%arg0: i32, %arg1: i32, %arg2: memref<10000x16xf32, #tpu.memory_space<hbm>>, %arg3: memref<1280x125xi32, #tpu.memory_space<hbm>>, %arg4: memref<160000x16xf32, #tpu.memory_space<hbm>>, %arg5: memref<40x125xi32, #tpu.memory_space<vmem>>, %arg6: memref<5000x16xf32, #tpu.memory_space<vmem>>, %arg7: memref<!tpu.dma_semaphore, #tpu.memory_space<semaphore_mem>>, %arg8: memref<!tpu.dma_semaphore, #tpu.memory_space<semaphore_mem>>) attributes {dimension_semantics = [#tpu.dimension_semantics<core_parallel>, #tpu.dimension_semantics<subcore_parallel>], iteration_bounds = array<i64: 2, 16>, scalar_prefetch = 0 : i64, scratch_operands = 4 : i64, tpu.core_type = #tpu.core_type<sc_vector_subcore>, window_params = [{transform_indices = #map}, {transform_indices = #map}, {transform_indices = #map}]} {
    %mul3A = arith.constant 2 : i32
    %mul3A_0 = arith.muli %arg1, %mul3A : i32
    %add3A = arith.addi %mul3A_0, %arg0 : i32
    %mul3A_1 = arith.constant 40 : i32
    %mul3A_2 = arith.muli %add3A, %mul3A_1 : i32
    %mul3A_3 = arith.constant 5000 : i32
    %mul3A_4 = arith.muli %add3A, %mul3A_3 : i32
    %dma_start3A = arith.constant 0 : i32
    %dma_start3A_5 = tpu.memref_slice %arg3[%mul3A_2, %dma_start3A] : memref<1280x125xi32, #tpu.memory_space<hbm>> -> memref<40x125xi32, #tpu.memory_space<hbm>>
    %dma_start3A_6 = arith.constant 0 : i32
    %dma_start3A_7 = tpu.memref_slice %arg3[%mul3A_2, %dma_start3A_6] : memref<1280x125xi32, #tpu.memory_space<hbm>> -> memref<40x125xi32, #tpu.memory_space<hbm>>
    tpu.enqueue_dma source(%dma_start3A_7 : memref<40x125xi32, #tpu.memory_space<hbm>>) target(%arg5 : memref<40x125xi32, #tpu.memory_space<vmem>>) target_semaphore(%arg7 : memref<!tpu.dma_semaphore, #tpu.memory_space<semaphore_mem>>)
    %dma_wait3A = arith.constant 0 : i32
    %dma_wait3A_8 = tpu.memref_slice %arg3[%mul3A_2, %dma_wait3A] : memref<1280x125xi32, #tpu.memory_space<hbm>> -> memref<40x125xi32, #tpu.memory_space<hbm>>
    %dma_wait3A_9 = arith.constant 0 : i32
    %dma_wait3A_10 = tpu.memref_slice %arg3[%mul3A_2, %dma_wait3A_9] : memref<1280x125xi32, #tpu.memory_space<hbm>> -> memref<40x125xi32, #tpu.memory_space<hbm>>
    tpu.wait_dma2 semaphore(%arg7 : memref<!tpu.dma_semaphore, #tpu.memory_space<semaphore_mem>>) src(%dma_wait3A_10 : memref<40x125xi32, #tpu.memory_space<hbm>>) dst(%arg5 : memref<40x125xi32, #tpu.memory_space<vmem>>)
    %scan3A = arith.constant 0 : i32
    %scan3A_11 = arith.constant 20 : i32
    %scan3A_12 = arith.addi %scan3A, %scan3A_11 : i32
    %scan3A_13 = arith.constant 1 : i32
    scf.for %scan3A_84 = %scan3A to %scan3A_12 step %scan3A_13  : i32 {
      %mul3A_85 = arith.constant 1 : i32
      %mul3A_86 = arith.muli %scan3A_84, %mul3A_85 : i32
      %add3A_87 = arith.constant 0 : i32
      %add3A_88 = arith.addi %add3A_87, %mul3A_86 : i32
      %mul3A_89 = arith.constant 125 : i32
      %mul3A_90 = arith.muli %add3A_88, %mul3A_89 : i32
      %dma_start3A_91 = arith.constant 0 : i32
      %dma_start3A_92 = tpu.memref_slice %arg6[%mul3A_90, %dma_start3A_91] : memref<5000x16xf32, #tpu.memory_space<vmem>> -> memref<125x16xf32, #tpu.memory_space<vmem>>
      %dma_start3A_93 = arith.constant 0 : i32
      %dma_start3A_94 = tpu.memref_slice %arg5[%add3A_88, %dma_start3A_93] : memref<40x125xi32, #tpu.memory_space<vmem>> -> memref<1x125xi32, #tpu.memory_space<vmem>>
      %dma_start3A_95 = tpu.memref_squeeze %dma_start3A_94 : memref<1x125xi32, #tpu.memory_space<vmem>> -> memref<125xi32, #tpu.memory_space<vmem>>
      %dma_start3A_96 = arith.constant 0 : i32
      %dma_start3A_97 = arith.constant 0 : i32
      %dma_start3A_98 = tpu.memref_slice %arg2[%dma_start3A_96, %dma_start3A_97] : memref<10000x16xf32, #tpu.memory_space<hbm>> -> memref<10000x16xf32, #tpu.memory_space<hbm>>
      tpu.enqueue_indirect_dma source(%dma_start3A_98 : memref<10000x16xf32, #tpu.memory_space<hbm>>) target(%dma_start3A_92 : memref<125x16xf32, #tpu.memory_space<vmem>>) offsets(%dma_start3A_95 : memref<125xi32, #tpu.memory_space<vmem>>) semaphore(%arg8 : memref<!tpu.dma_semaphore, #tpu.memory_space<semaphore_mem>>)
    }
    %scan3A_14 = arith.constant 20 : i32
    %dma_wait3A_15 = arith.constant 0 : i32
    %dma_wait3A_16 = arith.constant 0 : i32
    %dma_wait3A_17 = tpu.memref_slice %arg6[%dma_wait3A_15, %dma_wait3A_16] : memref<5000x16xf32, #tpu.memory_space<vmem>> -> memref<2500x16xf32, #tpu.memory_space<vmem>>
    %dma_wait3A_18 = arith.constant 0 : i32
    %dma_wait3A_19 = tpu.memref_slice %arg4[%mul3A_4, %dma_wait3A_18] : memref<160000x16xf32, #tpu.memory_space<hbm>> -> memref<2500x16xf32, #tpu.memory_space<hbm>>
    %dma_wait3A_20 = arith.constant 0 : i32
    %dma_wait3A_21 = arith.constant 0 : i32
    %dma_wait3A_22 = tpu.memref_slice %arg6[%dma_wait3A_20, %dma_wait3A_21] : memref<5000x16xf32, #tpu.memory_space<vmem>> -> memref<2500x16xf32, #tpu.memory_space<vmem>>
    %dma_wait3A_23 = arith.constant 0 : i32
    %dma_wait3A_24 = tpu.memref_slice %arg4[%mul3A_4, %dma_wait3A_23] : memref<160000x16xf32, #tpu.memory_space<hbm>> -> memref<2500x16xf32, #tpu.memory_space<hbm>>
    tpu.wait_dma2 semaphore(%arg8 : memref<!tpu.dma_semaphore, #tpu.memory_space<semaphore_mem>>) src(%dma_wait3A_24 : memref<2500x16xf32, #tpu.memory_space<hbm>>) dst(%dma_wait3A_22 : memref<2500x16xf32, #tpu.memory_space<vmem>>)
    %scan3A_25 = arith.constant 0 : i32
    %scan3A_26 = arith.constant 20 : i32
    %scan3A_27 = arith.addi %scan3A_25, %scan3A_26 : i32
    %scan3A_28 = arith.constant 1 : i32
    scf.for %scan3A_84 = %scan3A_25 to %scan3A_27 step %scan3A_28  : i32 {
      %mul3A_85 = arith.constant 1 : i32
      %mul3A_86 = arith.muli %scan3A_84, %mul3A_85 : i32
      %add3A_87 = arith.constant 20 : i32
      %add3A_88 = arith.addi %add3A_87, %mul3A_86 : i32
      %mul3A_89 = arith.constant 125 : i32
      %mul3A_90 = arith.muli %add3A_88, %mul3A_89 : i32
      %dma_start3A_91 = arith.constant 0 : i32
      %dma_start3A_92 = tpu.memref_slice %arg6[%mul3A_90, %dma_start3A_91] : memref<5000x16xf32, #tpu.memory_space<vmem>> -> memref<125x16xf32, #tpu.memory_space<vmem>>
      %dma_start3A_93 = arith.constant 0 : i32
      %dma_start3A_94 = tpu.memref_slice %arg5[%add3A_88, %dma_start3A_93] : memref<40x125xi32, #tpu.memory_space<vmem>> -> memref<1x125xi32, #tpu.memory_space<vmem>>
      %dma_start3A_95 = tpu.memref_squeeze %dma_start3A_94 : memref<1x125xi32, #tpu.memory_space<vmem>> -> memref<125xi32, #tpu.memory_space<vmem>>
      %dma_start3A_96 = arith.constant 0 : i32
      %dma_start3A_97 = arith.constant 0 : i32
      %dma_start3A_98 = tpu.memref_slice %arg2[%dma_start3A_96, %dma_start3A_97] : memref<10000x16xf32, #tpu.memory_space<hbm>> -> memref<10000x16xf32, #tpu.memory_space<hbm>>
      tpu.enqueue_indirect_dma source(%dma_start3A_98 : memref<10000x16xf32, #tpu.memory_space<hbm>>) target(%dma_start3A_92 : memref<125x16xf32, #tpu.memory_space<vmem>>) offsets(%dma_start3A_95 : memref<125xi32, #tpu.memory_space<vmem>>) semaphore(%arg8 : memref<!tpu.dma_semaphore, #tpu.memory_space<semaphore_mem>>)
    }
    %scan3A_29 = arith.constant 20 : i32
    %dma_start3A_30 = arith.constant 0 : i32
    %dma_start3A_31 = arith.constant 0 : i32
    %dma_start3A_32 = tpu.memref_slice %arg6[%dma_start3A_30, %dma_start3A_31] : memref<5000x16xf32, #tpu.memory_space<vmem>> -> memref<2500x16xf32, #tpu.memory_space<vmem>>
    %dma_start3A_33 = arith.constant 0 : i32
    %dma_start3A_34 = tpu.memref_slice %arg4[%mul3A_4, %dma_start3A_33] : memref<160000x16xf32, #tpu.memory_space<hbm>> -> memref<2500x16xf32, #tpu.memory_space<hbm>>
    %dma_start3A_35 = arith.constant 0 : i32
    %dma_start3A_36 = tpu.memref_slice %arg4[%mul3A_4, %dma_start3A_35] : memref<160000x16xf32, #tpu.memory_space<hbm>> -> memref<2500x16xf32, #tpu.memory_space<hbm>>
    %dma_start3A_37 = arith.constant 0 : i32
    %dma_start3A_38 = arith.constant 0 : i32
    %dma_start3A_39 = tpu.memref_slice %arg6[%dma_start3A_37, %dma_start3A_38] : memref<5000x16xf32, #tpu.memory_space<vmem>> -> memref<2500x16xf32, #tpu.memory_space<vmem>>
    tpu.enqueue_dma source(%dma_start3A_39 : memref<2500x16xf32, #tpu.memory_space<vmem>>) target(%dma_start3A_36 : memref<2500x16xf32, #tpu.memory_space<hbm>>) target_semaphore(%arg7 : memref<!tpu.dma_semaphore, #tpu.memory_space<semaphore_mem>>)
    %add3A_40 = arith.constant 2500 : i32
    %add3A_41 = arith.addi %mul3A_4, %add3A_40 : i32
    %dma_wait3A_42 = arith.constant 2500 : i32
    %dma_wait3A_43 = arith.constant 0 : i32
    %dma_wait3A_44 = tpu.memref_slice %arg6[%dma_wait3A_42, %dma_wait3A_43] : memref<5000x16xf32, #tpu.memory_space<vmem>> -> memref<2500x16xf32, #tpu.memory_space<vmem>>
    %dma_wait3A_45 = arith.constant 0 : i32
    %dma_wait3A_46 = tpu.memref_slice %arg4[%add3A_41, %dma_wait3A_45] : memref<160000x16xf32, #tpu.memory_space<hbm>> -> memref<2500x16xf32, #tpu.memory_space<hbm>>
    %dma_wait3A_47 = arith.constant 2500 : i32
    %dma_wait3A_48 = arith.constant 0 : i32
    %dma_wait3A_49 = tpu.memref_slice %arg6[%dma_wait3A_47, %dma_wait3A_48] : memref<5000x16xf32, #tpu.memory_space<vmem>> -> memref<2500x16xf32, #tpu.memory_space<vmem>>
    %dma_wait3A_50 = arith.constant 0 : i32
    %dma_wait3A_51 = tpu.memref_slice %arg4[%add3A_41, %dma_wait3A_50] : memref<160000x16xf32, #tpu.memory_space<hbm>> -> memref<2500x16xf32, #tpu.memory_space<hbm>>
    tpu.wait_dma2 semaphore(%arg8 : memref<!tpu.dma_semaphore, #tpu.memory_space<semaphore_mem>>) src(%dma_wait3A_51 : memref<2500x16xf32, #tpu.memory_space<hbm>>) dst(%dma_wait3A_49 : memref<2500x16xf32, #tpu.memory_space<vmem>>)
    %add3A_52 = arith.constant 2500 : i32
    %add3A_53 = arith.addi %mul3A_4, %add3A_52 : i32
    %dma_start3A_54 = arith.constant 2500 : i32
    %dma_start3A_55 = arith.constant 0 : i32
    %dma_start3A_56 = tpu.memref_slice %arg6[%dma_start3A_54, %dma_start3A_55] : memref<5000x16xf32, #tpu.memory_space<vmem>> -> memref<2500x16xf32, #tpu.memory_space<vmem>>
    %dma_start3A_57 = arith.constant 0 : i32
    %dma_start3A_58 = tpu.memref_slice %arg4[%add3A_53, %dma_start3A_57] : memref<160000x16xf32, #tpu.memory_space<hbm>> -> memref<2500x16xf32, #tpu.memory_space<hbm>>
    %dma_start3A_59 = arith.constant 0 : i32
    %dma_start3A_60 = tpu.memref_slice %arg4[%add3A_53, %dma_start3A_59] : memref<160000x16xf32, #tpu.memory_space<hbm>> -> memref<2500x16xf32, #tpu.memory_space<hbm>>
    %dma_start3A_61 = arith.constant 2500 : i32
    %dma_start3A_62 = arith.constant 0 : i32
    %dma_start3A_63 = tpu.memref_slice %arg6[%dma_start3A_61, %dma_start3A_62] : memref<5000x16xf32, #tpu.memory_space<vmem>> -> memref<2500x16xf32, #tpu.memory_space<vmem>>
    tpu.enqueue_dma source(%dma_start3A_63 : memref<2500x16xf32, #tpu.memory_space<vmem>>) target(%dma_start3A_60 : memref<2500x16xf32, #tpu.memory_space<hbm>>) target_semaphore(%arg7 : memref<!tpu.dma_semaphore, #tpu.memory_space<semaphore_mem>>)
    %dma_wait3A_64 = arith.constant 0 : i32
    %dma_wait3A_65 = arith.constant 0 : i32
    %dma_wait3A_66 = tpu.memref_slice %arg6[%dma_wait3A_64, %dma_wait3A_65] : memref<5000x16xf32, #tpu.memory_space<vmem>> -> memref<2500x16xf32, #tpu.memory_space<vmem>>
    %dma_wait3A_67 = arith.constant 0 : i32
    %dma_wait3A_68 = tpu.memref_slice %arg4[%mul3A_4, %dma_wait3A_67] : memref<160000x16xf32, #tpu.memory_space<hbm>> -> memref<2500x16xf32, #tpu.memory_space<hbm>>
    %dma_wait3A_69 = arith.constant 0 : i32
    %dma_wait3A_70 = tpu.memref_slice %arg4[%mul3A_4, %dma_wait3A_69] : memref<160000x16xf32, #tpu.memory_space<hbm>> -> memref<2500x16xf32, #tpu.memory_space<hbm>>
    %dma_wait3A_71 = arith.constant 0 : i32
    %dma_wait3A_72 = arith.constant 0 : i32
    %dma_wait3A_73 = tpu.memref_slice %arg6[%dma_wait3A_71, %dma_wait3A_72] : memref<5000x16xf32, #tpu.memory_space<vmem>> -> memref<2500x16xf32, #tpu.memory_space<vmem>>
    tpu.wait_dma2 semaphore(%arg7 : memref<!tpu.dma_semaphore, #tpu.memory_space<semaphore_mem>>) src(%dma_wait3A_73 : memref<2500x16xf32, #tpu.memory_space<vmem>>) dst(%dma_wait3A_70 : memref<2500x16xf32, #tpu.memory_space<hbm>>)
    %dma_wait3A_74 = arith.constant 2500 : i32
    %dma_wait3A_75 = arith.constant 0 : i32
    %dma_wait3A_76 = tpu.memref_slice %arg6[%dma_wait3A_74, %dma_wait3A_75] : memref<5000x16xf32, #tpu.memory_space<vmem>> -> memref<2500x16xf32, #tpu.memory_space<vmem>>
    %dma_wait3A_77 = arith.constant 0 : i32
    %dma_wait3A_78 = tpu.memref_slice %arg4[%add3A_53, %dma_wait3A_77] : memref<160000x16xf32, #tpu.memory_space<hbm>> -> memref<2500x16xf32, #tpu.memory_space<hbm>>
    %dma_wait3A_79 = arith.constant 0 : i32
    %dma_wait3A_80 = tpu.memref_slice %arg4[%add3A_53, %dma_wait3A_79] : memref<160000x16xf32, #tpu.memory_space<hbm>> -> memref<2500x16xf32, #tpu.memory_space<hbm>>
    %dma_wait3A_81 = arith.constant 2500 : i32
    %dma_wait3A_82 = arith.constant 0 : i32
    %dma_wait3A_83 = tpu.memref_slice %arg6[%dma_wait3A_81, %dma_wait3A_82] : memref<5000x16xf32, #tpu.memory_space<vmem>> -> memref<2500x16xf32, #tpu.memory_space<vmem>>
    tpu.wait_dma2 semaphore(%arg7 : memref<!tpu.dma_semaphore, #tpu.memory_space<semaphore_mem>>) src(%dma_wait3A_83 : memref<2500x16xf32, #tpu.memory_space<vmem>>) dst(%dma_wait3A_80 : memref<2500x16xf32, #tpu.memory_space<hbm>>)
    return
  }
}

#map = affine_map<(d0, d1) -> (0, 0)>
#map1 = affine_map<(d0, d1) -> (0, 0, 0)>
module attributes {stable_mosaic.version = 14 : i64} {
  func.func @k(%arg0: i32, %arg1: i32, %arg2: memref<160000x16xf32, #tpu.memory_space<hbm>>, %arg3: memref<1280x125xi32, #tpu.memory_space<hbm>>, %arg4: memref<10000x16xf32, #tpu.memory_space<hbm>>, %arg5: memref<2x10000x16xf32, #tpu.memory_space<hbm>>, %arg6: memref<40x125xi32, #tpu.memory_space<vmem>>, %arg7: memref<5000x16xf32, #tpu.memory_space<vmem>>, %arg8: memref<10000x16xf32, #tpu.memory_space<vmem_shared>>, %arg9: memref<!tpu.dma_semaphore, #tpu.memory_space<semaphore_mem>>, %arg10: memref<!tpu.dma_semaphore, #tpu.memory_space<semaphore_mem>>) attributes {dimension_semantics = [#tpu.dimension_semantics<core_parallel>, #tpu.dimension_semantics<subcore_parallel>], iteration_bounds = array<i64: 2, 16>, scalar_prefetch = 0 : i64, scratch_operands = 5 : i64, tpu.core_type = #tpu.core_type<sc_vector_subcore>, window_params = [{transform_indices = #map}, {transform_indices = #map}, {transform_indices = #map}, {transform_indices = #map1}]} {
    %mul3A = arith.constant 2 : i32
    %mul3A_0 = arith.muli %arg1, %mul3A : i32
    %add3A = arith.addi %mul3A_0, %arg0 : i32
    %mul3A_1 = arith.constant 40 : i32
    %mul3A_2 = arith.muli %add3A, %mul3A_1 : i32
    %mul3A_3 = arith.constant 5000 : i32
    %mul3A_4 = arith.muli %add3A, %mul3A_3 : i32
    %mul3A_5 = arith.constant 625 : i32
    %mul3A_6 = arith.muli %arg1, %mul3A_5 : i32
    %dma_start3A = arith.constant 0 : i32
    %dma_start3A_7 = tpu.memref_slice %arg8[%mul3A_6, %dma_start3A] : memref<10000x16xf32, #tpu.memory_space<vmem_shared>> -> memref<625x16xf32, #tpu.memory_space<vmem_shared>>
    %dma_start3A_8 = arith.constant 0 : i32
    %dma_start3A_9 = tpu.memref_slice %arg4[%mul3A_6, %dma_start3A_8] : memref<10000x16xf32, #tpu.memory_space<hbm>> -> memref<625x16xf32, #tpu.memory_space<hbm>>
    tpu.enqueue_dma source(%dma_start3A_9 : memref<625x16xf32, #tpu.memory_space<hbm>>) target(%dma_start3A_7 : memref<625x16xf32, #tpu.memory_space<vmem_shared>>) target_semaphore(%arg9 : memref<!tpu.dma_semaphore, #tpu.memory_space<semaphore_mem>>)
    %dma_start3A_10 = arith.constant 0 : i32
    %dma_start3A_11 = tpu.memref_slice %arg3[%mul3A_2, %dma_start3A_10] : memref<1280x125xi32, #tpu.memory_space<hbm>> -> memref<40x125xi32, #tpu.memory_space<hbm>>
    %dma_start3A_12 = arith.constant 0 : i32
    %dma_start3A_13 = tpu.memref_slice %arg3[%mul3A_2, %dma_start3A_12] : memref<1280x125xi32, #tpu.memory_space<hbm>> -> memref<40x125xi32, #tpu.memory_space<hbm>>
    tpu.enqueue_dma source(%dma_start3A_13 : memref<40x125xi32, #tpu.memory_space<hbm>>) target(%arg6 : memref<40x125xi32, #tpu.memory_space<vmem>>) target_semaphore(%arg10 : memref<!tpu.dma_semaphore, #tpu.memory_space<semaphore_mem>>)
    %dma_start3A_14 = arith.constant 0 : i32
    %dma_start3A_15 = tpu.memref_slice %arg2[%mul3A_4, %dma_start3A_14] : memref<160000x16xf32, #tpu.memory_space<hbm>> -> memref<5000x16xf32, #tpu.memory_space<hbm>>
    %dma_start3A_16 = arith.constant 0 : i32
    %dma_start3A_17 = tpu.memref_slice %arg2[%mul3A_4, %dma_start3A_16] : memref<160000x16xf32, #tpu.memory_space<hbm>> -> memref<5000x16xf32, #tpu.memory_space<hbm>>
    tpu.enqueue_dma source(%dma_start3A_17 : memref<5000x16xf32, #tpu.memory_space<hbm>>) target(%arg7 : memref<5000x16xf32, #tpu.memory_space<vmem>>) target_semaphore(%arg10 : memref<!tpu.dma_semaphore, #tpu.memory_space<semaphore_mem>>)
    %dma_wait3A = arith.constant 0 : i32
    %dma_wait3A_18 = tpu.memref_slice %arg8[%mul3A_6, %dma_wait3A] : memref<10000x16xf32, #tpu.memory_space<vmem_shared>> -> memref<625x16xf32, #tpu.memory_space<vmem_shared>>
    %dma_wait3A_19 = arith.constant 0 : i32
    %dma_wait3A_20 = tpu.memref_slice %arg4[%mul3A_6, %dma_wait3A_19] : memref<10000x16xf32, #tpu.memory_space<hbm>> -> memref<625x16xf32, #tpu.memory_space<hbm>>
    tpu.wait_dma2 semaphore(%arg9 : memref<!tpu.dma_semaphore, #tpu.memory_space<semaphore_mem>>) src(%dma_wait3A_20 : memref<625x16xf32, #tpu.memory_space<hbm>>) dst(%dma_wait3A_18 : memref<625x16xf32, #tpu.memory_space<vmem_shared>>)
    %dma_wait3A_21 = arith.constant 0 : i32
    %dma_wait3A_22 = tpu.memref_slice %arg3[%mul3A_2, %dma_wait3A_21] : memref<1280x125xi32, #tpu.memory_space<hbm>> -> memref<40x125xi32, #tpu.memory_space<hbm>>
    %dma_wait3A_23 = arith.constant 0 : i32
    %dma_wait3A_24 = tpu.memref_slice %arg3[%mul3A_2, %dma_wait3A_23] : memref<1280x125xi32, #tpu.memory_space<hbm>> -> memref<40x125xi32, #tpu.memory_space<hbm>>
    tpu.wait_dma2 semaphore(%arg10 : memref<!tpu.dma_semaphore, #tpu.memory_space<semaphore_mem>>) src(%dma_wait3A_24 : memref<40x125xi32, #tpu.memory_space<hbm>>) dst(%arg6 : memref<40x125xi32, #tpu.memory_space<vmem>>)
    %dma_wait3A_25 = arith.constant 0 : i32
    %dma_wait3A_26 = tpu.memref_slice %arg2[%mul3A_4, %dma_wait3A_25] : memref<160000x16xf32, #tpu.memory_space<hbm>> -> memref<5000x16xf32, #tpu.memory_space<hbm>>
    %dma_wait3A_27 = arith.constant 0 : i32
    %dma_wait3A_28 = tpu.memref_slice %arg2[%mul3A_4, %dma_wait3A_27] : memref<160000x16xf32, #tpu.memory_space<hbm>> -> memref<5000x16xf32, #tpu.memory_space<hbm>>
    tpu.wait_dma2 semaphore(%arg10 : memref<!tpu.dma_semaphore, #tpu.memory_space<semaphore_mem>>) src(%dma_wait3A_28 : memref<5000x16xf32, #tpu.memory_space<hbm>>) dst(%arg7 : memref<5000x16xf32, #tpu.memory_space<vmem>>)
    %barrier3A = arith.constant 0 : index
    tpu.barrier barrier_id(%barrier3A)
    %scan3A = arith.constant 0 : i32
    %scan3A_29 = arith.constant 40 : i32
    %scan3A_30 = arith.addi %scan3A, %scan3A_29 : i32
    %scan3A_31 = arith.constant 1 : i32
    scf.for %scan3A_38 = %scan3A to %scan3A_30 step %scan3A_31  : i32 {
      %mul3A_39 = arith.constant 1 : i32
      %mul3A_40 = arith.muli %scan3A_38, %mul3A_39 : i32
      %add3A_41 = arith.constant 0 : i32
      %add3A_42 = arith.addi %add3A_41, %mul3A_40 : i32
      %mul3A_43 = arith.constant 125 : i32
      %mul3A_44 = arith.muli %add3A_42, %mul3A_43 : i32
      %dma_start3A_45 = arith.constant 0 : i32
      %dma_start3A_46 = tpu.memref_slice %arg7[%mul3A_44, %dma_start3A_45] : memref<5000x16xf32, #tpu.memory_space<vmem>> -> memref<125x16xf32, #tpu.memory_space<vmem>>
      %dma_start3A_47 = arith.constant 0 : i32
      %dma_start3A_48 = tpu.memref_slice %arg6[%add3A_42, %dma_start3A_47] : memref<40x125xi32, #tpu.memory_space<vmem>> -> memref<1x125xi32, #tpu.memory_space<vmem>>
      %dma_start3A_49 = tpu.memref_squeeze %dma_start3A_48 : memref<1x125xi32, #tpu.memory_space<vmem>> -> memref<125xi32, #tpu.memory_space<vmem>>
      %dma_start3A_50 = arith.constant 0 : i32
      %dma_start3A_51 = arith.constant 0 : i32
      %dma_start3A_52 = tpu.memref_slice %arg8[%dma_start3A_50, %dma_start3A_51] : memref<10000x16xf32, #tpu.memory_space<vmem_shared>> -> memref<10000x16xf32, #tpu.memory_space<vmem_shared>>
      tpu.enqueue_indirect_dma source(%dma_start3A_46 : memref<125x16xf32, #tpu.memory_space<vmem>>) target(%dma_start3A_52 : memref<10000x16xf32, #tpu.memory_space<vmem_shared>>) offsets(%dma_start3A_49 : memref<125xi32, #tpu.memory_space<vmem>>) semaphore(%arg9 : memref<!tpu.dma_semaphore, #tpu.memory_space<semaphore_mem>>) {add = true}
    }
    %scan3A_32 = arith.constant 40 : i32
    %dma_wait3A_33 = arith.constant 0 : i32
    %dma_wait3A_34 = tpu.memref_slice %arg2[%mul3A_4, %dma_wait3A_33] : memref<160000x16xf32, #tpu.memory_space<hbm>> -> memref<5000x16xf32, #tpu.memory_space<hbm>>
    %dma_wait3A_35 = arith.constant 0 : i32
    %dma_wait3A_36 = tpu.memref_slice %arg2[%mul3A_4, %dma_wait3A_35] : memref<160000x16xf32, #tpu.memory_space<hbm>> -> memref<5000x16xf32, #tpu.memory_space<hbm>>
    tpu.wait_dma2 semaphore(%arg9 : memref<!tpu.dma_semaphore, #tpu.memory_space<semaphore_mem>>) src(%dma_wait3A_36 : memref<5000x16xf32, #tpu.memory_space<hbm>>) dst(%arg7 : memref<5000x16xf32, #tpu.memory_space<vmem>>)
    %barrier3A_37 = arith.constant 0 : index
    tpu.barrier barrier_id(%barrier3A_37)
    "tpu.region"() ({
      %run_scoped3A = tpu.sem_alloc : memref<!tpu.dma_semaphore, #tpu.memory_space<semaphore_mem>>
      %dma_start3A_38 = arith.constant 0 : i32
      %dma_start3A_39 = tpu.memref_slice %arg5[%arg0, %mul3A_6, %dma_start3A_38] : memref<2x10000x16xf32, #tpu.memory_space<hbm>> -> memref<1x625x16xf32, #tpu.memory_space<hbm>>
      %dma_start3A_40 = tpu.memref_squeeze %dma_start3A_39 : memref<1x625x16xf32, #tpu.memory_space<hbm>> -> memref<625x16xf32, #tpu.memory_space<hbm>>
      %dma_start3A_41 = arith.constant 0 : i32
      %dma_start3A_42 = tpu.memref_slice %arg8[%mul3A_6, %dma_start3A_41] : memref<10000x16xf32, #tpu.memory_space<vmem_shared>> -> memref<625x16xf32, #tpu.memory_space<vmem_shared>>
      tpu.enqueue_dma source(%dma_start3A_42 : memref<625x16xf32, #tpu.memory_space<vmem_shared>>) target(%dma_start3A_40 : memref<625x16xf32, #tpu.memory_space<hbm>>) target_semaphore(%run_scoped3A : memref<!tpu.dma_semaphore, #tpu.memory_space<semaphore_mem>>)
      %dma_wait3A_43 = arith.constant 0 : i32
      %dma_wait3A_44 = tpu.memref_slice %arg5[%arg0, %mul3A_6, %dma_wait3A_43] : memref<2x10000x16xf32, #tpu.memory_space<hbm>> -> memref<1x625x16xf32, #tpu.memory_space<hbm>>
      %dma_wait3A_45 = tpu.memref_squeeze %dma_wait3A_44 : memref<1x625x16xf32, #tpu.memory_space<hbm>> -> memref<625x16xf32, #tpu.memory_space<hbm>>
      %dma_wait3A_46 = arith.constant 0 : i32
      %dma_wait3A_47 = tpu.memref_slice %arg8[%mul3A_6, %dma_wait3A_46] : memref<10000x16xf32, #tpu.memory_space<vmem_shared>> -> memref<625x16xf32, #tpu.memory_space<vmem_shared>>
      tpu.wait_dma2 semaphore(%run_scoped3A : memref<!tpu.dma_semaphore, #tpu.memory_space<semaphore_mem>>) src(%dma_wait3A_47 : memref<625x16xf32, #tpu.memory_space<vmem_shared>>) dst(%dma_wait3A_45 : memref<625x16xf32, #tpu.memory_space<hbm>>)
      tpu.yield
    }) : () -> ()
    return
  }
}

#map = affine_map<(d0, d1) -> (0, 0)>
module attributes {stable_mosaic.version = 14 : i64} {
  func.func @k(%arg0: i32, %arg1: i32, %arg2: memref<10000x16xf32, #tpu.memory_space<hbm>>, %arg3: memref<1280x125xi32, #tpu.memory_space<hbm>>, %arg4: memref<160000x16xf32, #tpu.memory_space<hbm>>, %arg5: memref<40x125xi32, #tpu.memory_space<vmem>>, %arg6: memref<5000x16xf32, #tpu.memory_space<vmem>>, %arg7: memref<!tpu.dma_semaphore, #tpu.memory_space<semaphore_mem>>, %arg8: memref<!tpu.dma_semaphore, #tpu.memory_space<semaphore_mem>>) attributes {dimension_semantics = [#tpu.dimension_semantics<core_parallel>, #tpu.dimension_semantics<subcore_parallel>], iteration_bounds = array<i64: 2, 16>, scalar_prefetch = 0 : i64, scratch_operands = 4 : i64, tpu.core_type = #tpu.core_type<sc_vector_subcore>, window_params = [{transform_indices = #map}, {transform_indices = #map}, {transform_indices = #map}]} {
    %mul3A = arith.constant 2 : i32
    %mul3A_0 = arith.muli %arg1, %mul3A : i32
    %add3A = arith.addi %mul3A_0, %arg0 : i32
    %mul3A_1 = arith.constant 40 : i32
    %mul3A_2 = arith.muli %add3A, %mul3A_1 : i32
    %mul3A_3 = arith.constant 5000 : i32
    %mul3A_4 = arith.muli %add3A, %mul3A_3 : i32
    %dma_start3A = arith.constant 0 : i32
    %dma_start3A_5 = tpu.memref_slice %arg3[%mul3A_2, %dma_start3A] : memref<1280x125xi32, #tpu.memory_space<hbm>> -> memref<40x125xi32, #tpu.memory_space<hbm>>
    %dma_start3A_6 = arith.constant 0 : i32
    %dma_start3A_7 = tpu.memref_slice %arg3[%mul3A_2, %dma_start3A_6] : memref<1280x125xi32, #tpu.memory_space<hbm>> -> memref<40x125xi32, #tpu.memory_space<hbm>>
    tpu.enqueue_dma source(%dma_start3A_7 : memref<40x125xi32, #tpu.memory_space<hbm>>) target(%arg5 : memref<40x125xi32, #tpu.memory_space<vmem>>) target_semaphore(%arg7 : memref<!tpu.dma_semaphore, #tpu.memory_space<semaphore_mem>>)
    %dma_wait3A = arith.constant 0 : i32
    %dma_wait3A_8 = tpu.memref_slice %arg3[%mul3A_2, %dma_wait3A] : memref<1280x125xi32, #tpu.memory_space<hbm>> -> memref<40x125xi32, #tpu.memory_space<hbm>>
    %dma_wait3A_9 = arith.constant 0 : i32
    %dma_wait3A_10 = tpu.memref_slice %arg3[%mul3A_2, %dma_wait3A_9] : memref<1280x125xi32, #tpu.memory_space<hbm>> -> memref<40x125xi32, #tpu.memory_space<hbm>>
    tpu.wait_dma2 semaphore(%arg7 : memref<!tpu.dma_semaphore, #tpu.memory_space<semaphore_mem>>) src(%dma_wait3A_10 : memref<40x125xi32, #tpu.memory_space<hbm>>) dst(%arg5 : memref<40x125xi32, #tpu.memory_space<vmem>>)
    %scan3A = arith.constant 0 : i32
    %scan3A_11 = arith.constant 20 : i32
    %scan3A_12 = arith.addi %scan3A, %scan3A_11 : i32
    %scan3A_13 = arith.constant 1 : i32
    scf.for %scan3A_84 = %scan3A to %scan3A_12 step %scan3A_13  : i32 {
      %mul3A_85 = arith.constant 1 : i32
      %mul3A_86 = arith.muli %scan3A_84, %mul3A_85 : i32
      %add3A_87 = arith.constant 0 : i32
      %add3A_88 = arith.addi %add3A_87, %mul3A_86 : i32
      %mul3A_89 = arith.constant 125 : i32
      %mul3A_90 = arith.muli %add3A_88, %mul3A_89 : i32
      %dma_start3A_91 = arith.constant 0 : i32
      %dma_start3A_92 = tpu.memref_slice %arg6[%mul3A_90, %dma_start3A_91] : memref<5000x16xf32, #tpu.memory_space<vmem>> -> memref<125x16xf32, #tpu.memory_space<vmem>>
      %dma_start3A_93 = arith.constant 0 : i32
      %dma_start3A_94 = tpu.memref_slice %arg5[%add3A_88, %dma_start3A_93] : memref<40x125xi32, #tpu.memory_space<vmem>> -> memref<1x125xi32, #tpu.memory_space<vmem>>
      %dma_start3A_95 = tpu.memref_squeeze %dma_start3A_94 : memref<1x125xi32, #tpu.memory_space<vmem>> -> memref<125xi32, #tpu.memory_space<vmem>>
      %dma_start3A_96 = arith.constant 0 : i32
      %dma_start3A_97 = arith.constant 0 : i32
      %dma_start3A_98 = tpu.memref_slice %arg2[%dma_start3A_96, %dma_start3A_97] : memref<10000x16xf32, #tpu.memory_space<hbm>> -> memref<10000x16xf32, #tpu.memory_space<hbm>>
      tpu.enqueue_indirect_dma source(%dma_start3A_98 : memref<10000x16xf32, #tpu.memory_space<hbm>>) target(%dma_start3A_92 : memref<125x16xf32, #tpu.memory_space<vmem>>) offsets(%dma_start3A_95 : memref<125xi32, #tpu.memory_space<vmem>>) semaphore(%arg8 : memref<!tpu.dma_semaphore, #tpu.memory_space<semaphore_mem>>)
    }
    %scan3A_14 = arith.constant 20 : i32
    %dma_wait3A_15 = arith.constant 0 : i32
    %dma_wait3A_16 = arith.constant 0 : i32
    %dma_wait3A_17 = tpu.memref_slice %arg6[%dma_wait3A_15, %dma_wait3A_16] : memref<5000x16xf32, #tpu.memory_space<vmem>> -> memref<2500x16xf32, #tpu.memory_space<vmem>>
    %dma_wait3A_18 = arith.constant 0 : i32
    %dma_wait3A_19 = tpu.memref_slice %arg4[%mul3A_4, %dma_wait3A_18] : memref<160000x16xf32, #tpu.memory_space<hbm>> -> memref<2500x16xf32, #tpu.memory_space<hbm>>
    %dma_wait3A_20 = arith.constant 0 : i32
    %dma_wait3A_21 = arith.constant 0 : i32
    %dma_wait3A_22 = tpu.memref_slice %arg6[%dma_wait3A_20, %dma_wait3A_21] : memref<5000x16xf32, #tpu.memory_space<vmem>> -> memref<2500x16xf32, #tpu.memory_space<vmem>>
    %dma_wait3A_23 = arith.constant 0 : i32
    %dma_wait3A_24 = tpu.memref_slice %arg4[%mul3A_4, %dma_wait3A_23] : memref<160000x16xf32, #tpu.memory_space<hbm>> -> memref<2500x16xf32, #tpu.memory_space<hbm>>
    tpu.wait_dma2 semaphore(%arg8 : memref<!tpu.dma_semaphore, #tpu.memory_space<semaphore_mem>>) src(%dma_wait3A_24 : memref<2500x16xf32, #tpu.memory_space<hbm>>) dst(%dma_wait3A_22 : memref<2500x16xf32, #tpu.memory_space<vmem>>)
    %scan3A_25 = arith.constant 0 : i32
    %scan3A_26 = arith.constant 20 : i32
    %scan3A_27 = arith.addi %scan3A_25, %scan3A_26 : i32
    %scan3A_28 = arith.constant 1 : i32
    scf.for %scan3A_84 = %scan3A_25 to %scan3A_27 step %scan3A_28  : i32 {
      %mul3A_85 = arith.constant 1 : i32
      %mul3A_86 = arith.muli %scan3A_84, %mul3A_85 : i32
      %add3A_87 = arith.constant 20 : i32
      %add3A_88 = arith.addi %add3A_87, %mul3A_86 : i32
      %mul3A_89 = arith.constant 125 : i32
      %mul3A_90 = arith.muli %add3A_88, %mul3A_89 : i32
      %dma_start3A_91 = arith.constant 0 : i32
      %dma_start3A_92 = tpu.memref_slice %arg6[%mul3A_90, %dma_start3A_91] : memref<5000x16xf32, #tpu.memory_space<vmem>> -> memref<125x16xf32, #tpu.memory_space<vmem>>
      %dma_start3A_93 = arith.constant 0 : i32
      %dma_start3A_94 = tpu.memref_slice %arg5[%add3A_88, %dma_start3A_93] : memref<40x125xi32, #tpu.memory_space<vmem>> -> memref<1x125xi32, #tpu.memory_space<vmem>>
      %dma_start3A_95 = tpu.memref_squeeze %dma_start3A_94 : memref<1x125xi32, #tpu.memory_space<vmem>> -> memref<125xi32, #tpu.memory_space<vmem>>
      %dma_start3A_96 = arith.constant 0 : i32
      %dma_start3A_97 = arith.constant 0 : i32
      %dma_start3A_98 = tpu.memref_slice %arg2[%dma_start3A_96, %dma_start3A_97] : memref<10000x16xf32, #tpu.memory_space<hbm>> -> memref<10000x16xf32, #tpu.memory_space<hbm>>
      tpu.enqueue_indirect_dma source(%dma_start3A_98 : memref<10000x16xf32, #tpu.memory_space<hbm>>) target(%dma_start3A_92 : memref<125x16xf32, #tpu.memory_space<vmem>>) offsets(%dma_start3A_95 : memref<125xi32, #tpu.memory_space<vmem>>) semaphore(%arg8 : memref<!tpu.dma_semaphore, #tpu.memory_space<semaphore_mem>>)
    }
    %scan3A_29 = arith.constant 20 : i32
    %dma_start3A_30 = arith.constant 0 : i32
    %dma_start3A_31 = arith.constant 0 : i32
    %dma_start3A_32 = tpu.memref_slice %arg6[%dma_start3A_30, %dma_start3A_31] : memref<5000x16xf32, #tpu.memory_space<vmem>> -> memref<2500x16xf32, #tpu.memory_space<vmem>>
    %dma_start3A_33 = arith.constant 0 : i32
    %dma_start3A_34 = tpu.memref_slice %arg4[%mul3A_4, %dma_start3A_33] : memref<160000x16xf32, #tpu.memory_space<hbm>> -> memref<2500x16xf32, #tpu.memory_space<hbm>>
    %dma_start3A_35 = arith.constant 0 : i32
    %dma_start3A_36 = tpu.memref_slice %arg4[%mul3A_4, %dma_start3A_35] : memref<160000x16xf32, #tpu.memory_space<hbm>> -> memref<2500x16xf32, #tpu.memory_space<hbm>>
    %dma_start3A_37 = arith.constant 0 : i32
    %dma_start3A_38 = arith.constant 0 : i32
    %dma_start3A_39 = tpu.memref_slice %arg6[%dma_start3A_37, %dma_start3A_38] : memref<5000x16xf32, #tpu.memory_space<vmem>> -> memref<2500x16xf32, #tpu.memory_space<vmem>>
    tpu.enqueue_dma source(%dma_start3A_39 : memref<2500x16xf32, #tpu.memory_space<vmem>>) target(%dma_start3A_36 : memref<2500x16xf32, #tpu.memory_space<hbm>>) target_semaphore(%arg7 : memref<!tpu.dma_semaphore, #tpu.memory_space<semaphore_mem>>)
    %add3A_40 = arith.constant 2500 : i32
    %add3A_41 = arith.addi %mul3A_4, %add3A_40 : i32
    %dma_wait3A_42 = arith.constant 2500 : i32
    %dma_wait3A_43 = arith.constant 0 : i32
    %dma_wait3A_44 = tpu.memref_slice %arg6[%dma_wait3A_42, %dma_wait3A_43] : memref<5000x16xf32, #tpu.memory_space<vmem>> -> memref<2500x16xf32, #tpu.memory_space<vmem>>
    %dma_wait3A_45 = arith.constant 0 : i32
    %dma_wait3A_46 = tpu.memref_slice %arg4[%add3A_41, %dma_wait3A_45] : memref<160000x16xf32, #tpu.memory_space<hbm>> -> memref<2500x16xf32, #tpu.memory_space<hbm>>
    %dma_wait3A_47 = arith.constant 2500 : i32
    %dma_wait3A_48 = arith.constant 0 : i32
    %dma_wait3A_49 = tpu.memref_slice %arg6[%dma_wait3A_47, %dma_wait3A_48] : memref<5000x16xf32, #tpu.memory_space<vmem>> -> memref<2500x16xf32, #tpu.memory_space<vmem>>
    %dma_wait3A_50 = arith.constant 0 : i32
    %dma_wait3A_51 = tpu.memref_slice %arg4[%add3A_41, %dma_wait3A_50] : memref<160000x16xf32, #tpu.memory_space<hbm>> -> memref<2500x16xf32, #tpu.memory_space<hbm>>
    tpu.wait_dma2 semaphore(%arg8 : memref<!tpu.dma_semaphore, #tpu.memory_space<semaphore_mem>>) src(%dma_wait3A_51 : memref<2500x16xf32, #tpu.memory_space<hbm>>) dst(%dma_wait3A_49 : memref<2500x16xf32, #tpu.memory_space<vmem>>)
    %add3A_52 = arith.constant 2500 : i32
    %add3A_53 = arith.addi %mul3A_4, %add3A_52 : i32
    %dma_start3A_54 = arith.constant 2500 : i32
    %dma_start3A_55 = arith.constant 0 : i32
    %dma_start3A_56 = tpu.memref_slice %arg6[%dma_start3A_54, %dma_start3A_55] : memref<5000x16xf32, #tpu.memory_space<vmem>> -> memref<2500x16xf32, #tpu.memory_space<vmem>>
    %dma_start3A_57 = arith.constant 0 : i32
    %dma_start3A_58 = tpu.memref_slice %arg4[%add3A_53, %dma_start3A_57] : memref<160000x16xf32, #tpu.memory_space<hbm>> -> memref<2500x16xf32, #tpu.memory_space<hbm>>
    %dma_start3A_59 = arith.constant 0 : i32
    %dma_start3A_60 = tpu.memref_slice %arg4[%add3A_53, %dma_start3A_59] : memref<160000x16xf32, #tpu.memory_space<hbm>> -> memref<2500x16xf32, #tpu.memory_space<hbm>>
    %dma_start3A_61 = arith.constant 2500 : i32
    %dma_start3A_62 = arith.constant 0 : i32
    %dma_start3A_63 = tpu.memref_slice %arg6[%dma_start3A_61, %dma_start3A_62] : memref<5000x16xf32, #tpu.memory_space<vmem>> -> memref<2500x16xf32, #tpu.memory_space<vmem>>
    tpu.enqueue_dma source(%dma_start3A_63 : memref<2500x16xf32, #tpu.memory_space<vmem>>) target(%dma_start3A_60 : memref<2500x16xf32, #tpu.memory_space<hbm>>) target_semaphore(%arg7 : memref<!tpu.dma_semaphore, #tpu.memory_space<semaphore_mem>>)
    %dma_wait3A_64 = arith.constant 0 : i32
    %dma_wait3A_65 = arith.constant 0 : i32
    %dma_wait3A_66 = tpu.memref_slice %arg6[%dma_wait3A_64, %dma_wait3A_65] : memref<5000x16xf32, #tpu.memory_space<vmem>> -> memref<2500x16xf32, #tpu.memory_space<vmem>>
    %dma_wait3A_67 = arith.constant 0 : i32
    %dma_wait3A_68 = tpu.memref_slice %arg4[%mul3A_4, %dma_wait3A_67] : memref<160000x16xf32, #tpu.memory_space<hbm>> -> memref<2500x16xf32, #tpu.memory_space<hbm>>
    %dma_wait3A_69 = arith.constant 0 : i32
    %dma_wait3A_70 = tpu.memref_slice %arg4[%mul3A_4, %dma_wait3A_69] : memref<160000x16xf32, #tpu.memory_space<hbm>> -> memref<2500x16xf32, #tpu.memory_space<hbm>>
    %dma_wait3A_71 = arith.constant 0 : i32
    %dma_wait3A_72 = arith.constant 0 : i32
    %dma_wait3A_73 = tpu.memref_slice %arg6[%dma_wait3A_71, %dma_wait3A_72] : memref<5000x16xf32, #tpu.memory_space<vmem>> -> memref<2500x16xf32, #tpu.memory_space<vmem>>
    tpu.wait_dma2 semaphore(%arg7 : memref<!tpu.dma_semaphore, #tpu.memory_space<semaphore_mem>>) src(%dma_wait3A_73 : memref<2500x16xf32, #tpu.memory_space<vmem>>) dst(%dma_wait3A_70 : memref<2500x16xf32, #tpu.memory_space<hbm>>)
    %dma_wait3A_74 = arith.constant 2500 : i32
    %dma_wait3A_75 = arith.constant 0 : i32
    %dma_wait3A_76 = tpu.memref_slice %arg6[%dma_wait3A_74, %dma_wait3A_75] : memref<5000x16xf32, #tpu.memory_space<vmem>> -> memref<2500x16xf32, #tpu.memory_space<vmem>>
    %dma_wait3A_77 = arith.constant 0 : i32
    %dma_wait3A_78 = tpu.memref_slice %arg4[%add3A_53, %dma_wait3A_77] : memref<160000x16xf32, #tpu.memory_space<hbm>> -> memref<2500x16xf32, #tpu.memory_space<hbm>>
    %dma_wait3A_79 = arith.constant 0 : i32
    %dma_wait3A_80 = tpu.memref_slice %arg4[%add3A_53, %dma_wait3A_79] : memref<160000x16xf32, #tpu.memory_space<hbm>> -> memref<2500x16xf32, #tpu.memory_space<hbm>>
    %dma_wait3A_81 = arith.constant 2500 : i32
    %dma_wait3A_82 = arith.constant 0 : i32
    %dma_wait3A_83 = tpu.memref_slice %arg6[%dma_wait3A_81, %dma_wait3A_82] : memref<5000x16xf32, #tpu.memory_space<vmem>> -> memref<2500x16xf32, #tpu.memory_space<vmem>>
    tpu.wait_dma2 semaphore(%arg7 : memref<!tpu.dma_semaphore, #tpu.memory_space<semaphore_mem>>) src(%dma_wait3A_83 : memref<2500x16xf32, #tpu.memory_space<vmem>>) dst(%dma_wait3A_80 : memref<2500x16xf32, #tpu.memory_space<hbm>>)
    return
  }
}

#map = affine_map<(d0, d1) -> (0, 0)>
#map1 = affine_map<(d0, d1) -> (0, 0, 0)>
module attributes {stable_mosaic.version = 14 : i64} {
  func.func @k(%arg0: i32, %arg1: i32, %arg2: memref<160000x16xf32, #tpu.memory_space<hbm>>, %arg3: memref<1280x125xi32, #tpu.memory_space<hbm>>, %arg4: memref<10000x16xf32, #tpu.memory_space<hbm>>, %arg5: memref<2x10000x16xf32, #tpu.memory_space<hbm>>, %arg6: memref<40x125xi32, #tpu.memory_space<vmem>>, %arg7: memref<5000x16xf32, #tpu.memory_space<vmem>>, %arg8: memref<10000x16xf32, #tpu.memory_space<vmem_shared>>, %arg9: memref<!tpu.dma_semaphore, #tpu.memory_space<semaphore_mem>>, %arg10: memref<!tpu.dma_semaphore, #tpu.memory_space<semaphore_mem>>) attributes {dimension_semantics = [#tpu.dimension_semantics<core_parallel>, #tpu.dimension_semantics<subcore_parallel>], iteration_bounds = array<i64: 2, 16>, scalar_prefetch = 0 : i64, scratch_operands = 5 : i64, tpu.core_type = #tpu.core_type<sc_vector_subcore>, window_params = [{transform_indices = #map}, {transform_indices = #map}, {transform_indices = #map}, {transform_indices = #map1}]} {
    %mul3A = arith.constant 2 : i32
    %mul3A_0 = arith.muli %arg1, %mul3A : i32
    %add3A = arith.addi %mul3A_0, %arg0 : i32
    %mul3A_1 = arith.constant 40 : i32
    %mul3A_2 = arith.muli %add3A, %mul3A_1 : i32
    %mul3A_3 = arith.constant 5000 : i32
    %mul3A_4 = arith.muli %add3A, %mul3A_3 : i32
    %mul3A_5 = arith.constant 625 : i32
    %mul3A_6 = arith.muli %arg1, %mul3A_5 : i32
    %dma_start3A = arith.constant 0 : i32
    %dma_start3A_7 = tpu.memref_slice %arg8[%mul3A_6, %dma_start3A] : memref<10000x16xf32, #tpu.memory_space<vmem_shared>> -> memref<625x16xf32, #tpu.memory_space<vmem_shared>>
    %dma_start3A_8 = arith.constant 0 : i32
    %dma_start3A_9 = tpu.memref_slice %arg4[%mul3A_6, %dma_start3A_8] : memref<10000x16xf32, #tpu.memory_space<hbm>> -> memref<625x16xf32, #tpu.memory_space<hbm>>
    tpu.enqueue_dma source(%dma_start3A_9 : memref<625x16xf32, #tpu.memory_space<hbm>>) target(%dma_start3A_7 : memref<625x16xf32, #tpu.memory_space<vmem_shared>>) target_semaphore(%arg9 : memref<!tpu.dma_semaphore, #tpu.memory_space<semaphore_mem>>)
    %dma_start3A_10 = arith.constant 0 : i32
    %dma_start3A_11 = tpu.memref_slice %arg3[%mul3A_2, %dma_start3A_10] : memref<1280x125xi32, #tpu.memory_space<hbm>> -> memref<40x125xi32, #tpu.memory_space<hbm>>
    %dma_start3A_12 = arith.constant 0 : i32
    %dma_start3A_13 = tpu.memref_slice %arg3[%mul3A_2, %dma_start3A_12] : memref<1280x125xi32, #tpu.memory_space<hbm>> -> memref<40x125xi32, #tpu.memory_space<hbm>>
    tpu.enqueue_dma source(%dma_start3A_13 : memref<40x125xi32, #tpu.memory_space<hbm>>) target(%arg6 : memref<40x125xi32, #tpu.memory_space<vmem>>) target_semaphore(%arg10 : memref<!tpu.dma_semaphore, #tpu.memory_space<semaphore_mem>>)
    %dma_start3A_14 = arith.constant 0 : i32
    %dma_start3A_15 = tpu.memref_slice %arg2[%mul3A_4, %dma_start3A_14] : memref<160000x16xf32, #tpu.memory_space<hbm>> -> memref<5000x16xf32, #tpu.memory_space<hbm>>
    %dma_start3A_16 = arith.constant 0 : i32
    %dma_start3A_17 = tpu.memref_slice %arg2[%mul3A_4, %dma_start3A_16] : memref<160000x16xf32, #tpu.memory_space<hbm>> -> memref<5000x16xf32, #tpu.memory_space<hbm>>
    tpu.enqueue_dma source(%dma_start3A_17 : memref<5000x16xf32, #tpu.memory_space<hbm>>) target(%arg7 : memref<5000x16xf32, #tpu.memory_space<vmem>>) target_semaphore(%arg10 : memref<!tpu.dma_semaphore, #tpu.memory_space<semaphore_mem>>)
    %dma_wait3A = arith.constant 0 : i32
    %dma_wait3A_18 = tpu.memref_slice %arg8[%mul3A_6, %dma_wait3A] : memref<10000x16xf32, #tpu.memory_space<vmem_shared>> -> memref<625x16xf32, #tpu.memory_space<vmem_shared>>
    %dma_wait3A_19 = arith.constant 0 : i32
    %dma_wait3A_20 = tpu.memref_slice %arg4[%mul3A_6, %dma_wait3A_19] : memref<10000x16xf32, #tpu.memory_space<hbm>> -> memref<625x16xf32, #tpu.memory_space<hbm>>
    tpu.wait_dma2 semaphore(%arg9 : memref<!tpu.dma_semaphore, #tpu.memory_space<semaphore_mem>>) src(%dma_wait3A_20 : memref<625x16xf32, #tpu.memory_space<hbm>>) dst(%dma_wait3A_18 : memref<625x16xf32, #tpu.memory_space<vmem_shared>>)
    %dma_wait3A_21 = arith.constant 0 : i32
    %dma_wait3A_22 = tpu.memref_slice %arg3[%mul3A_2, %dma_wait3A_21] : memref<1280x125xi32, #tpu.memory_space<hbm>> -> memref<40x125xi32, #tpu.memory_space<hbm>>
    %dma_wait3A_23 = arith.constant 0 : i32
    %dma_wait3A_24 = tpu.memref_slice %arg3[%mul3A_2, %dma_wait3A_23] : memref<1280x125xi32, #tpu.memory_space<hbm>> -> memref<40x125xi32, #tpu.memory_space<hbm>>
    tpu.wait_dma2 semaphore(%arg10 : memref<!tpu.dma_semaphore, #tpu.memory_space<semaphore_mem>>) src(%dma_wait3A_24 : memref<40x125xi32, #tpu.memory_space<hbm>>) dst(%arg6 : memref<40x125xi32, #tpu.memory_space<vmem>>)
    %dma_wait3A_25 = arith.constant 0 : i32
    %dma_wait3A_26 = tpu.memref_slice %arg2[%mul3A_4, %dma_wait3A_25] : memref<160000x16xf32, #tpu.memory_space<hbm>> -> memref<5000x16xf32, #tpu.memory_space<hbm>>
    %dma_wait3A_27 = arith.constant 0 : i32
    %dma_wait3A_28 = tpu.memref_slice %arg2[%mul3A_4, %dma_wait3A_27] : memref<160000x16xf32, #tpu.memory_space<hbm>> -> memref<5000x16xf32, #tpu.memory_space<hbm>>
    tpu.wait_dma2 semaphore(%arg10 : memref<!tpu.dma_semaphore, #tpu.memory_space<semaphore_mem>>) src(%dma_wait3A_28 : memref<5000x16xf32, #tpu.memory_space<hbm>>) dst(%arg7 : memref<5000x16xf32, #tpu.memory_space<vmem>>)
    %barrier3A = arith.constant 0 : index
    tpu.barrier barrier_id(%barrier3A)
    %scan3A = arith.constant 0 : i32
    %scan3A_29 = arith.constant 40 : i32
    %scan3A_30 = arith.addi %scan3A, %scan3A_29 : i32
    %scan3A_31 = arith.constant 1 : i32
    scf.for %scan3A_38 = %scan3A to %scan3A_30 step %scan3A_31  : i32 {
      %mul3A_39 = arith.constant 1 : i32
      %mul3A_40 = arith.muli %scan3A_38, %mul3A_39 : i32
      %add3A_41 = arith.constant 0 : i32
      %add3A_42 = arith.addi %add3A_41, %mul3A_40 : i32
      %mul3A_43 = arith.constant 125 : i32
      %mul3A_44 = arith.muli %add3A_42, %mul3A_43 : i32
      %dma_start3A_45 = arith.constant 0 : i32
      %dma_start3A_46 = tpu.memref_slice %arg7[%mul3A_44, %dma_start3A_45] : memref<5000x16xf32, #tpu.memory_space<vmem>> -> memref<125x16xf32, #tpu.memory_space<vmem>>
      %dma_start3A_47 = arith.constant 0 : i32
      %dma_start3A_48 = tpu.memref_slice %arg6[%add3A_42, %dma_start3A_47] : memref<40x125xi32, #tpu.memory_space<vmem>> -> memref<1x125xi32, #tpu.memory_space<vmem>>
      %dma_start3A_49 = tpu.memref_squeeze %dma_start3A_48 : memref<1x125xi32, #tpu.memory_space<vmem>> -> memref<125xi32, #tpu.memory_space<vmem>>
      %dma_start3A_50 = arith.constant 0 : i32
      %dma_start3A_51 = arith.constant 0 : i32
      %dma_start3A_52 = tpu.memref_slice %arg8[%dma_start3A_50, %dma_start3A_51] : memref<10000x16xf32, #tpu.memory_space<vmem_shared>> -> memref<10000x16xf32, #tpu.memory_space<vmem_shared>>
      tpu.enqueue_indirect_dma source(%dma_start3A_46 : memref<125x16xf32, #tpu.memory_space<vmem>>) target(%dma_start3A_52 : memref<10000x16xf32, #tpu.memory_space<vmem_shared>>) offsets(%dma_start3A_49 : memref<125xi32, #tpu.memory_space<vmem>>) semaphore(%arg9 : memref<!tpu.dma_semaphore, #tpu.memory_space<semaphore_mem>>) {add = true}
    }
    %scan3A_32 = arith.constant 40 : i32
    %dma_wait3A_33 = arith.constant 0 : i32
    %dma_wait3A_34 = tpu.memref_slice %arg2[%mul3A_4, %dma_wait3A_33] : memref<160000x16xf32, #tpu.memory_space<hbm>> -> memref<5000x16xf32, #tpu.memory_space<hbm>>
    %dma_wait3A_35 = arith.constant 0 : i32
    %dma_wait3A_36 = tpu.memref_slice %arg2[%mul3A_4, %dma_wait3A_35] : memref<160000x16xf32, #tpu.memory_space<hbm>> -> memref<5000x16xf32, #tpu.memory_space<hbm>>
    tpu.wait_dma2 semaphore(%arg9 : memref<!tpu.dma_semaphore, #tpu.memory_space<semaphore_mem>>) src(%dma_wait3A_36 : memref<5000x16xf32, #tpu.memory_space<hbm>>) dst(%arg7 : memref<5000x16xf32, #tpu.memory_space<vmem>>)
    %barrier3A_37 = arith.constant 0 : index
    tpu.barrier barrier_id(%barrier3A_37)
    "tpu.region"() ({
      %run_scoped3A = tpu.sem_alloc : memref<!tpu.dma_semaphore, #tpu.memory_space<semaphore_mem>>
      %dma_start3A_38 = arith.constant 0 : i32
      %dma_start3A_39 = tpu.memref_slice %arg5[%arg0, %mul3A_6, %dma_start3A_38] : memref<2x10000x16xf32, #tpu.memory_space<hbm>> -> memref<1x625x16xf32, #tpu.memory_space<hbm>>
      %dma_start3A_40 = tpu.memref_squeeze %dma_start3A_39 : memref<1x625x16xf32, #tpu.memory_space<hbm>> -> memref<625x16xf32, #tpu.memory_space<hbm>>
      %dma_start3A_41 = arith.constant 0 : i32
      %dma_start3A_42 = tpu.memref_slice %arg8[%mul3A_6, %dma_start3A_41] : memref<10000x16xf32, #tpu.memory_space<vmem_shared>> -> memref<625x16xf32, #tpu.memory_space<vmem_shared>>
      tpu.enqueue_dma source(%dma_start3A_42 : memref<625x16xf32, #tpu.memory_space<vmem_shared>>) target(%dma_start3A_40 : memref<625x16xf32, #tpu.memory_space<hbm>>) target_semaphore(%run_scoped3A : memref<!tpu.dma_semaphore, #tpu.memory_space<semaphore_mem>>)
      %dma_wait3A_43 = arith.constant 0 : i32
      %dma_wait3A_44 = tpu.memref_slice %arg5[%arg0, %mul3A_6, %dma_wait3A_43] : memref<2x10000x16xf32, #tpu.memory_space<hbm>> -> memref<1x625x16xf32, #tpu.memory_space<hbm>>
      %dma_wait3A_45 = tpu.memref_squeeze %dma_wait3A_44 : memref<1x625x16xf32, #tpu.memory_space<hbm>> -> memref<625x16xf32, #tpu.memory_space<hbm>>
      %dma_wait3A_46 = arith.constant 0 : i32
      %dma_wait3A_47 = tpu.memref_slice %arg8[%mul3A_6, %dma_wait3A_46] : memref<10000x16xf32, #tpu.memory_space<vmem_shared>> -> memref<625x16xf32, #tpu.memory_space<vmem_shared>>
      tpu.wait_dma2 semaphore(%run_scoped3A : memref<!tpu.dma_semaphore, #tpu.memory_space<semaphore_mem>>) src(%dma_wait3A_47 : memref<625x16xf32, #tpu.memory_space<vmem_shared>>) dst(%dma_wait3A_45 : memref<625x16xf32, #tpu.memory_space<hbm>>)
      tpu.yield
    }) : () -> ()
    return
  }
}

module attributes {stable_mosaic.version = 14 : i64} {
  func.func @body(%arg0: i32, %arg1: memref<1250x1024xf32, #tpu.memory_space<vmem>>, %arg2: memref<1024x512xf32, #tpu.memory_space<vmem>>, %arg3: memref<1x512xf32, #tpu.memory_space<vmem>>, %arg4: memref<512x512xf32, #tpu.memory_space<vmem>>, %arg5: memref<1x512xf32, #tpu.memory_space<vmem>>, %arg6: memref<512x128xf32, #tpu.memory_space<vmem>>, %arg7: memref<1x128xf32, #tpu.memory_space<vmem>>, %arg8: memref<1250x128xf32, #tpu.memory_space<vmem>>) attributes {dimension_semantics = [#tpu.dimension_semantics<arbitrary>], iteration_bounds = array<i64: 1>, scalar_prefetch = 0 : i64, scratch_operands = 0 : i64, tpu.core_type = #tpu.core_type<tc>, window_params = [{pipeline_mode = #tpu.pipeline_mode<synchronous>, transform_indices = @transform_0, window_bounds = array<i64: 1250, 1024>}, {pipeline_mode = #tpu.pipeline_mode<synchronous>, transform_indices = @transform_1, window_bounds = array<i64: 1024, 512>}, {pipeline_mode = #tpu.pipeline_mode<synchronous>, transform_indices = @transform_2, window_bounds = array<i64: 1, 512>}, {pipeline_mode = #tpu.pipeline_mode<synchronous>, transform_indices = @transform_3, window_bounds = array<i64: 512, 512>}, {pipeline_mode = #tpu.pipeline_mode<synchronous>, transform_indices = @transform_4, window_bounds = array<i64: 1, 512>}, {pipeline_mode = #tpu.pipeline_mode<synchronous>, transform_indices = @transform_5, window_bounds = array<i64: 512, 128>}, {pipeline_mode = #tpu.pipeline_mode<synchronous>, transform_indices = @transform_6, window_bounds = array<i64: 1, 128>}, {pipeline_mode = #tpu.pipeline_mode<synchronous>, transform_indices = @transform_7, window_bounds = array<i64: 1250, 128>}]} {
    %get3A = arith.constant 0 : index
    %get3A_0 = arith.constant 0 : index
    %get3A_1 = vector.load %arg1[%get3A, %get3A_0] : memref<1250x1024xf32, #tpu.memory_space<vmem>>, vector<1250x1024xf32>
    %get3A_2 = arith.constant 0 : index
    %get3A_3 = arith.constant 0 : index
    %get3A_4 = vector.load %arg2[%get3A_2, %get3A_3] : memref<1024x512xf32, #tpu.memory_space<vmem>>, vector<1024x512xf32>
    %dot_general3A = arith.constant dense<0.000000e+00> : vector<1250x512xf32>
    %dot_general3A_5 = tpu.matmul %get3A_1, %get3A_4, %dot_general3A {dimension_numbers = #tpu.dot_dimension_numbers<[1], [0], [0], [1], [0, 0, 1, 1], [], []>, transpose_lhs_hint = false} : vector<1250x1024xf32>, vector<1024x512xf32>, vector<1250x512xf32> -> vector<1250x512xf32>
    %get3A_6 = arith.constant 0 : index
    %get3A_7 = arith.constant 0 : index
    %get3A_8 = vector.load %arg3[%get3A_6, %get3A_7] : memref<1x512xf32, #tpu.memory_space<vmem>>, vector<1x512xf32>
    %add3A = vector.broadcast %get3A_8 : vector<1x512xf32> to vector<1250x512xf32>
    %add3A_9 = arith.addf %dot_general3A_5, %add3A : vector<1250x512xf32>
    %max3A = arith.constant 0.000000e+00 : f32
    %max3A_10 = vector.broadcast %max3A : f32 to vector<1250x512xf32>
    %max3A_11 = arith.maximumf %add3A_9, %max3A_10 : vector<1250x512xf32>
    %get3A_12 = arith.constant 0 : index
    %get3A_13 = arith.constant 0 : index
    %get3A_14 = vector.load %arg4[%get3A_12, %get3A_13] : memref<512x512xf32, #tpu.memory_space<vmem>>, vector<512x512xf32>
    %dot_general3A_15 = arith.constant dense<0.000000e+00> : vector<1250x512xf32>
    %dot_general3A_16 = tpu.matmul %max3A_11, %get3A_14, %dot_general3A_15 {dimension_numbers = #tpu.dot_dimension_numbers<[1], [0], [0], [1], [0, 0, 1, 1], [], []>, transpose_lhs_hint = false} : vector<1250x512xf32>, vector<512x512xf32>, vector<1250x512xf32> -> vector<1250x512xf32>
    %get3A_17 = arith.constant 0 : index
    %get3A_18 = arith.constant 0 : index
    %get3A_19 = vector.load %arg5[%get3A_17, %get3A_18] : memref<1x512xf32, #tpu.memory_space<vmem>>, vector<1x512xf32>
    %add3A_20 = vector.broadcast %get3A_19 : vector<1x512xf32> to vector<1250x512xf32>
    %add3A_21 = arith.addf %dot_general3A_16, %add3A_20 : vector<1250x512xf32>
    %max3A_22 = arith.constant 0.000000e+00 : f32
    %max3A_23 = vector.broadcast %max3A_22 : f32 to vector<1250x512xf32>
    %max3A_24 = arith.maximumf %add3A_21, %max3A_23 : vector<1250x512xf32>
    %get3A_25 = arith.constant 0 : index
    %get3A_26 = arith.constant 0 : index
    %get3A_27 = vector.load %arg6[%get3A_25, %get3A_26] : memref<512x128xf32, #tpu.memory_space<vmem>>, vector<512x128xf32>
    %dot_general3A_28 = arith.constant dense<0.000000e+00> : vector<1250x128xf32>
    %dot_general3A_29 = tpu.matmul %max3A_24, %get3A_27, %dot_general3A_28 {dimension_numbers = #tpu.dot_dimension_numbers<[1], [0], [0], [1], [0, 0, 1, 1], [], []>, transpose_lhs_hint = false} : vector<1250x512xf32>, vector<512x128xf32>, vector<1250x128xf32> -> vector<1250x128xf32>
    %get3A_30 = arith.constant 0 : index
    %get3A_31 = arith.constant 0 : index
    %get3A_32 = vector.load %arg7[%get3A_30, %get3A_31] : memref<1x128xf32, #tpu.memory_space<vmem>>, vector<1x128xf32>
    %add3A_33 = vector.broadcast %get3A_32 : vector<1x128xf32> to vector<1250x128xf32>
    %add3A_34 = arith.addf %dot_general3A_29, %add3A_33 : vector<1250x128xf32>
    %swap3A = arith.constant 0 : index
    %swap3A_35 = arith.constant 0 : index
    %swap3A_36 = vector.load %arg8[%swap3A, %swap3A_35] : memref<1250x128xf32, #tpu.memory_space<vmem>>, vector<1250x128xf32>
    tpu.vector_store %arg8[%swap3A, %swap3A_35], %add3A_34 {strides = array<i32>} : memref<1250x128xf32, #tpu.memory_space<vmem>>, vector<1250x128xf32>,
    return
  }
  func.func @transform_0(%arg0: i32) -> (i32, i32) {
    %c0_i32 = arith.constant 0 : i32
    %c0_i32_0 = arith.constant 0 : i32
    %c0_i32_1 = arith.constant 0 : i32
    return %c0_i32, %c0_i32_0 : i32, i32
  }
  func.func @transform_1(%arg0: i32) -> (i32, i32) {
    %c0_i32 = arith.constant 0 : i32
    %c0_i32_0 = arith.constant 0 : i32
    %c0_i32_1 = arith.constant 0 : i32
    return %c0_i32, %c0_i32_0 : i32, i32
  }
  func.func @transform_2(%arg0: i32) -> (i32, i32) {
    %c0_i32 = arith.constant 0 : i32
    %c0_i32_0 = arith.constant 0 : i32
    %c0_i32_1 = arith.constant 0 : i32
    return %c0_i32, %c0_i32_0 : i32, i32
  }
  func.func @transform_3(%arg0: i32) -> (i32, i32) {
    %c0_i32 = arith.constant 0 : i32
    %c0_i32_0 = arith.constant 0 : i32
    %c0_i32_1 = arith.constant 0 : i32
    return %c0_i32, %c0_i32_0 : i32, i32
  }
  func.func @transform_4(%arg0: i32) -> (i32, i32) {
    %c0_i32 = arith.constant 0 : i32
    %c0_i32_0 = arith.constant 0 : i32
    %c0_i32_1 = arith.constant 0 : i32
    return %c0_i32, %c0_i32_0 : i32, i32
  }
  func.func @transform_5(%arg0: i32) -> (i32, i32) {
    %c0_i32 = arith.constant 0 : i32
    %c0_i32_0 = arith.constant 0 : i32
    %c0_i32_1 = arith.constant 0 : i32
    return %c0_i32, %c0_i32_0 : i32, i32
  }
  func.func @transform_6(%arg0: i32) -> (i32, i32) {
    %c0_i32 = arith.constant 0 : i32
    %c0_i32_0 = arith.constant 0 : i32
    %c0_i32_1 = arith.constant 0 : i32
    return %c0_i32, %c0_i32_0 : i32, i32
  }
  func.func @transform_7(%arg0: i32) -> (i32, i32) {
    %c0_i32 = arith.constant 0 : i32
    %c0_i32_0 = arith.constant 0 : i32
    %c0_i32_1 = arith.constant 0 : i32
    return %c0_i32, %c0_i32_0 : i32, i32
  }
}

module attributes {stable_mosaic.version = 14 : i64} {
  func.func @body(%arg0: i32, %arg1: memref<2000x128xf32, #tpu.memory_space<vmem>>, %arg2: memref<2000x128xf32, #tpu.memory_space<vmem>>, %arg3: memref<128x128xf32, #tpu.memory_space<vmem>>, %arg4: memref<1x128xf32, #tpu.memory_space<vmem>>, %arg5: memref<128x128xf32, #tpu.memory_space<vmem>>, %arg6: memref<1x128xf32, #tpu.memory_space<vmem>>, %arg7: memref<128x2048xf32, #tpu.memory_space<vmem>>, %arg8: memref<128x128xf32, #tpu.memory_space<vmem>>, %arg9: memref<128x2048xf32, #tpu.memory_space<vmem>>, %arg10: memref<2048x128xf32, #tpu.memory_space<vmem>>, %arg11: memref<2000x128xf32, #tpu.memory_space<vmem>>) attributes {dimension_semantics = [#tpu.dimension_semantics<arbitrary>], iteration_bounds = array<i64: 10>, scalar_prefetch = 0 : i64, scratch_operands = 0 : i64, tpu.core_type = #tpu.core_type<tc>, window_params = [{transform_indices = @transform_0, window_bounds = array<i64: 2000, 128>}, {transform_indices = @transform_1, window_bounds = array<i64: 2000, 128>}, {pipeline_mode = #tpu.pipeline_mode<synchronous>, transform_indices = @transform_2, window_bounds = array<i64: 128, 128>}, {pipeline_mode = #tpu.pipeline_mode<synchronous>, transform_indices = @transform_3, window_bounds = array<i64: 1, 128>}, {pipeline_mode = #tpu.pipeline_mode<synchronous>, transform_indices = @transform_4, window_bounds = array<i64: 128, 128>}, {pipeline_mode = #tpu.pipeline_mode<synchronous>, transform_indices = @transform_5, window_bounds = array<i64: 1, 128>}, {pipeline_mode = #tpu.pipeline_mode<synchronous>, transform_indices = @transform_6, window_bounds = array<i64: 128, 2048>}, {pipeline_mode = #tpu.pipeline_mode<synchronous>, transform_indices = @transform_7, window_bounds = array<i64: 128, 128>}, {pipeline_mode = #tpu.pipeline_mode<synchronous>, transform_indices = @transform_8, window_bounds = array<i64: 128, 2048>}, {pipeline_mode = #tpu.pipeline_mode<synchronous>, transform_indices = @transform_9, window_bounds = array<i64: 2048, 128>}, {transform_indices = @transform_10, window_bounds = array<i64: 2000, 128>}]} {
    %get3A = arith.constant 0 : index
    %get3A_0 = arith.constant 0 : index
    %get3A_1 = vector.load %arg2[%get3A, %get3A_0] : memref<2000x128xf32, #tpu.memory_space<vmem>>, vector<2000x128xf32>
    %get3A_2 = arith.constant 0 : index
    %get3A_3 = arith.constant 0 : index
    %get3A_4 = vector.load %arg1[%get3A_2, %get3A_3] : memref<2000x128xf32, #tpu.memory_space<vmem>>, vector<2000x128xf32>
    %get3A_5 = arith.constant 0 : index
    %get3A_6 = arith.constant 0 : index
    %get3A_7 = vector.load %arg3[%get3A_5, %get3A_6] : memref<128x128xf32, #tpu.memory_space<vmem>>, vector<128x128xf32>
    %dot_general3A = arith.constant dense<0.000000e+00> : vector<2000x128xf32>
    %dot_general3A_8 = tpu.matmul %get3A_4, %get3A_7, %dot_general3A {dimension_numbers = #tpu.dot_dimension_numbers<[1], [0], [0], [1], [0, 0, 1, 1], [], []>, transpose_lhs_hint = false} : vector<2000x128xf32>, vector<128x128xf32>, vector<2000x128xf32> -> vector<2000x128xf32>
    %get3A_9 = arith.constant 0 : index
    %get3A_10 = arith.constant 0 : index
    %get3A_11 = vector.load %arg4[%get3A_9, %get3A_10] : memref<1x128xf32, #tpu.memory_space<vmem>>, vector<1x128xf32>
    %add3A = vector.broadcast %get3A_11 : vector<1x128xf32> to vector<2000x128xf32>
    %add3A_12 = arith.addf %dot_general3A_8, %add3A : vector<2000x128xf32>
    %max3A = arith.constant 0.000000e+00 : f32
    %max3A_13 = vector.broadcast %max3A : f32 to vector<2000x128xf32>
    %max3A_14 = arith.maximumf %add3A_12, %max3A_13 : vector<2000x128xf32>
    %get3A_15 = arith.constant 0 : index
    %get3A_16 = arith.constant 0 : index
    %get3A_17 = vector.load %arg5[%get3A_15, %get3A_16] : memref<128x128xf32, #tpu.memory_space<vmem>>, vector<128x128xf32>
    %dot_general3A_18 = arith.constant dense<0.000000e+00> : vector<2000x128xf32>
    %dot_general3A_19 = tpu.matmul %max3A_14, %get3A_17, %dot_general3A_18 {dimension_numbers = #tpu.dot_dimension_numbers<[1], [0], [0], [1], [0, 0, 1, 1], [], []>, transpose_lhs_hint = false} : vector<2000x128xf32>, vector<128x128xf32>, vector<2000x128xf32> -> vector<2000x128xf32>
    %get3A_20 = arith.constant 0 : index
    %get3A_21 = arith.constant 0 : index
    %get3A_22 = vector.load %arg6[%get3A_20, %get3A_21] : memref<1x128xf32, #tpu.memory_space<vmem>>, vector<1x128xf32>
    %add3A_23 = vector.broadcast %get3A_22 : vector<1x128xf32> to vector<2000x128xf32>
    %add3A_24 = arith.addf %dot_general3A_19, %add3A_23 : vector<2000x128xf32>
    %max3A_25 = arith.constant 0.000000e+00 : f32
    %max3A_26 = vector.broadcast %max3A_25 : f32 to vector<2000x128xf32>
    %max3A_27 = arith.maximumf %add3A_24, %max3A_26 : vector<2000x128xf32>
    %get3A_28 = arith.constant 0 : index
    %get3A_29 = arith.constant 0 : index
    %get3A_30 = vector.load %arg7[%get3A_28, %get3A_29] : memref<128x2048xf32, #tpu.memory_space<vmem>>, vector<128x2048xf32>
    %dot_general3A_31 = arith.constant dense<0.000000e+00> : vector<2000x2048xf32>
    %dot_general3A_32 = tpu.matmul %max3A_27, %get3A_30, %dot_general3A_31 {dimension_numbers = #tpu.dot_dimension_numbers<[1], [0], [0], [1], [0, 0, 1, 1], [], []>, transpose_lhs_hint = false} : vector<2000x128xf32>, vector<128x2048xf32>, vector<2000x2048xf32> -> vector<2000x2048xf32>
    %get3A_33 = arith.constant 0 : index
    %get3A_34 = arith.constant 0 : index
    %get3A_35 = vector.load %arg9[%get3A_33, %get3A_34] : memref<128x2048xf32, #tpu.memory_space<vmem>>, vector<128x2048xf32>
    %dot_general3A_36 = arith.constant dense<0.000000e+00> : vector<2000x2048xf32>
    %dot_general3A_37 = tpu.matmul %get3A_1, %get3A_35, %dot_general3A_36 {dimension_numbers = #tpu.dot_dimension_numbers<[1], [0], [0], [1], [0, 0, 1, 1], [], []>, transpose_lhs_hint = false} : vector<2000x128xf32>, vector<128x2048xf32>, vector<2000x2048xf32> -> vector<2000x2048xf32>
    %mul3A = arith.mulf %dot_general3A_37, %dot_general3A_32 : vector<2000x2048xf32>
    %get3A_38 = arith.constant 0 : index
    %get3A_39 = arith.constant 0 : index
    %get3A_40 = vector.load %arg10[%get3A_38, %get3A_39] : memref<2048x128xf32, #tpu.memory_space<vmem>>, vector<2048x128xf32>
    %dot_general3A_41 = arith.constant dense<0.000000e+00> : vector<2000x128xf32>
    %dot_general3A_42 = tpu.matmul %mul3A, %get3A_40, %dot_general3A_41 {dimension_numbers = #tpu.dot_dimension_numbers<[1], [0], [0], [1], [0, 0, 1, 1], [], []>, transpose_lhs_hint = false} : vector<2000x2048xf32>, vector<2048x128xf32>, vector<2000x128xf32> -> vector<2000x128xf32>
    %get3A_43 = arith.constant 0 : index
    %get3A_44 = arith.constant 0 : index
    %get3A_45 = vector.load %arg8[%get3A_43, %get3A_44] : memref<128x128xf32, #tpu.memory_space<vmem>>, vector<128x128xf32>
    %dot_general3A_46 = arith.constant dense<0.000000e+00> : vector<2000x128xf32>
    %dot_general3A_47 = tpu.matmul %get3A_1, %get3A_45, %dot_general3A_46 {dimension_numbers = #tpu.dot_dimension_numbers<[1], [0], [0], [1], [0, 0, 1, 1], [], []>, transpose_lhs_hint = false} : vector<2000x128xf32>, vector<128x128xf32>, vector<2000x128xf32> -> vector<2000x128xf32>
    %add3A_48 = arith.addf %dot_general3A_42, %dot_general3A_47 : vector<2000x128xf32>
    %swap3A = arith.constant 0 : index
    %swap3A_49 = arith.constant 0 : index
    %swap3A_50 = vector.load %arg11[%swap3A, %swap3A_49] : memref<2000x128xf32, #tpu.memory_space<vmem>>, vector<2000x128xf32>
    tpu.vector_store %arg11[%swap3A, %swap3A_49], %add3A_48 {strides = array<i32>} : memref<2000x128xf32, #tpu.memory_space<vmem>>, vector<2000x128xf32>,
    return
  }
  func.func @transform_0(%arg0: i32) -> (i32, i32) {
    %c0_i32 = arith.constant 0 : i32
    %c0_i32_0 = arith.constant 0 : i32
    return %arg0, %c0_i32 : i32, i32
  }
  func.func @transform_1(%arg0: i32) -> (i32, i32) {
    %c0_i32 = arith.constant 0 : i32
    %c0_i32_0 = arith.constant 0 : i32
    return %arg0, %c0_i32 : i32, i32
  }
  func.func @transform_2(%arg0: i32) -> (i32, i32) {
    %c0_i32 = arith.constant 0 : i32
    %c0_i32_0 = arith.constant 0 : i32
    %c0_i32_1 = arith.constant 0 : i32
    return %c0_i32, %c0_i32_0 : i32, i32
  }
  func.func @transform_3(%arg0: i32) -> (i32, i32) {
    %c0_i32 = arith.constant 0 : i32
    %c0_i32_0 = arith.constant 0 : i32
    %c0_i32_1 = arith.constant 0 : i32
    return %c0_i32, %c0_i32_0 : i32, i32
  }
  func.func @transform_4(%arg0: i32) -> (i32, i32) {
    %c0_i32 = arith.constant 0 : i32
    %c0_i32_0 = arith.constant 0 : i32
    %c0_i32_1 = arith.constant 0 : i32
    return %c0_i32, %c0_i32_0 : i32, i32
  }
  func.func @transform_5(%arg0: i32) -> (i32, i32) {
    %c0_i32 = arith.constant 0 : i32
    %c0_i32_0 = arith.constant 0 : i32
    %c0_i32_1 = arith.constant 0 : i32
    return %c0_i32, %c0_i32_0 : i32, i32
  }
  func.func @transform_6(%arg0: i32) -> (i32, i32) {
    %c0_i32 = arith.constant 0 : i32
    %c0_i32_0 = arith.constant 0 : i32
    %c0_i32_1 = arith.constant 0 : i32
    return %c0_i32, %c0_i32_0 : i32, i32
  }
  func.func @transform_7(%arg0: i32) -> (i32, i32) {
    %c0_i32 = arith.constant 0 : i32
    %c0_i32_0 = arith.constant 0 : i32
    %c0_i32_1 = arith.constant 0 : i32
    return %c0_i32, %c0_i32_0 : i32, i32
  }
  func.func @transform_8(%arg0: i32) -> (i32, i32) {
    %c0_i32 = arith.constant 0 : i32
    %c0_i32_0 = arith.constant 0 : i32
    %c0_i32_1 = arith.constant 0 : i32
    return %c0_i32, %c0_i32_0 : i32, i32
  }
  func.func @transform_9(%arg0: i32) -> (i32, i32) {
    %c0_i32 = arith.constant 0 : i32
    %c0_i32_0 = arith.constant 0 : i32
    %c0_i32_1 = arith.constant 0 : i32
    return %c0_i32, %c0_i32_0 : i32, i32
  }
  func.func @transform_10(%arg0: i32) -> (i32, i32) {
    %c0_i32 = arith.constant 0 : i32
    %c0_i32_0 = arith.constant 0 : i32
    return %arg0, %c0_i32 : i32, i32
  }
}

module attributes {stable_mosaic.version = 14 : i64} {
  func.func @body(%arg0: i32, %arg1: memref<2x1250x128xf32, #tpu.memory_space<vmem>>, %arg2: memref<2x1250x128xf32, #tpu.memory_space<vmem>>, %arg3: memref<1250x128xf32, #tpu.memory_space<vmem>>, %arg4: memref<128x128xf32, #tpu.memory_space<vmem>>, %arg5: memref<1x128xf32, #tpu.memory_space<vmem>>, %arg6: memref<1250x128xf32, #tpu.memory_space<vmem>>) attributes {dimension_semantics = [#tpu.dimension_semantics<arbitrary>], iteration_bounds = array<i64: 1>, scalar_prefetch = 0 : i64, scratch_operands = 0 : i64, tpu.core_type = #tpu.core_type<tc>, window_params = [{pipeline_mode = #tpu.pipeline_mode<synchronous>, transform_indices = @transform_0, window_bounds = array<i64: 2, 1250, 128>}, {pipeline_mode = #tpu.pipeline_mode<synchronous>, transform_indices = @transform_1, window_bounds = array<i64: 2, 1250, 128>}, {pipeline_mode = #tpu.pipeline_mode<synchronous>, transform_indices = @transform_2, window_bounds = array<i64: 1250, 128>}, {pipeline_mode = #tpu.pipeline_mode<synchronous>, transform_indices = @transform_3, window_bounds = array<i64: 128, 128>}, {pipeline_mode = #tpu.pipeline_mode<synchronous>, transform_indices = @transform_4, window_bounds = array<i64: 1, 128>}, {pipeline_mode = #tpu.pipeline_mode<synchronous>, transform_indices = @transform_5, window_bounds = array<i64: 1250, 128>}]} {
    %get3A = arith.constant 0 : index
    %get3A_0 = arith.constant 0 : index
    %get3A_1 = arith.constant 0 : index
    %get3A_2 = vector.load %arg1[%get3A, %get3A_0, %get3A_1] : memref<2x1250x128xf32, #tpu.memory_space<vmem>>, vector<1x1250x128xf32>
    %get3A_3 = vector.shape_cast %get3A_2 : vector<1x1250x128xf32> to vector<1250x128xf32>
    %get3A_4 = arith.constant 1 : index
    %get3A_5 = arith.constant 0 : index
    %get3A_6 = arith.constant 0 : index
    %get3A_7 = vector.load %arg1[%get3A_4, %get3A_5, %get3A_6] : memref<2x1250x128xf32, #tpu.memory_space<vmem>>, vector<1x1250x128xf32>
    %get3A_8 = vector.shape_cast %get3A_7 : vector<1x1250x128xf32> to vector<1250x128xf32>
    %add3A = arith.addf %get3A_3, %get3A_8 : vector<1250x128xf32>
    %get3A_9 = arith.constant 0 : index
    %get3A_10 = arith.constant 0 : index
    %get3A_11 = arith.constant 0 : index
    %get3A_12 = vector.load %arg2[%get3A_9, %get3A_10, %get3A_11] : memref<2x1250x128xf32, #tpu.memory_space<vmem>>, vector<1x1250x128xf32>
    %get3A_13 = vector.shape_cast %get3A_12 : vector<1x1250x128xf32> to vector<1250x128xf32>
    %get3A_14 = arith.constant 1 : index
    %get3A_15 = arith.constant 0 : index
    %get3A_16 = arith.constant 0 : index
    %get3A_17 = vector.load %arg2[%get3A_14, %get3A_15, %get3A_16] : memref<2x1250x128xf32, #tpu.memory_space<vmem>>, vector<1x1250x128xf32>
    %get3A_18 = vector.shape_cast %get3A_17 : vector<1x1250x128xf32> to vector<1250x128xf32>
    %add3A_19 = arith.addf %get3A_13, %get3A_18 : vector<1250x128xf32>
    %max3A = arith.constant 1.000000e+00 : f32
    %max3A_20 = vector.broadcast %max3A : f32 to vector<1250x128xf32>
    %max3A_21 = arith.maximumf %add3A_19, %max3A_20 : vector<1250x128xf32>
    %div3A = arith.divf %add3A, %max3A_21 : vector<1250x128xf32>
    %get3A_22 = arith.constant 0 : index
    %get3A_23 = arith.constant 0 : index
    %get3A_24 = vector.load %arg3[%get3A_22, %get3A_23] : memref<1250x128xf32, #tpu.memory_space<vmem>>, vector<1250x128xf32>
    %get3A_25 = arith.constant 0 : index
    %get3A_26 = arith.constant 0 : index
    %get3A_27 = vector.load %arg4[%get3A_25, %get3A_26] : memref<128x128xf32, #tpu.memory_space<vmem>>, vector<128x128xf32>
    %dot_general3A = arith.constant dense<0.000000e+00> : vector<1250x128xf32>
    %dot_general3A_28 = tpu.matmul %get3A_24, %get3A_27, %dot_general3A {dimension_numbers = #tpu.dot_dimension_numbers<[1], [0], [0], [1], [0, 0, 1, 1], [], []>, transpose_lhs_hint = false} : vector<1250x128xf32>, vector<128x128xf32>, vector<1250x128xf32> -> vector<1250x128xf32>
    %add3A_29 = arith.addf %div3A, %dot_general3A_28 : vector<1250x128xf32>
    %get3A_30 = arith.constant 0 : index
    %get3A_31 = arith.constant 0 : index
    %get3A_32 = vector.load %arg5[%get3A_30, %get3A_31] : memref<1x128xf32, #tpu.memory_space<vmem>>, vector<1x128xf32>
    %add3A_33 = vector.broadcast %get3A_32 : vector<1x128xf32> to vector<1250x128xf32>
    %add3A_34 = arith.addf %add3A_29, %add3A_33 : vector<1250x128xf32>
    %max3A_35 = arith.constant 0.000000e+00 : f32
    %max3A_36 = vector.broadcast %max3A_35 : f32 to vector<1250x128xf32>
    %max3A_37 = arith.maximumf %add3A_34, %max3A_36 : vector<1250x128xf32>
    %swap3A = arith.constant 0 : index
    %swap3A_38 = arith.constant 0 : index
    %swap3A_39 = vector.load %arg6[%swap3A, %swap3A_38] : memref<1250x128xf32, #tpu.memory_space<vmem>>, vector<1250x128xf32>
    tpu.vector_store %arg6[%swap3A, %swap3A_38], %max3A_37 {strides = array<i32>} : memref<1250x128xf32, #tpu.memory_space<vmem>>, vector<1250x128xf32>,
    return
  }
  func.func @transform_0(%arg0: i32) -> (i32, i32, i32) {
    %c0_i32 = arith.constant 0 : i32
    %c0_i32_0 = arith.constant 0 : i32
    %c0_i32_1 = arith.constant 0 : i32
    %c0_i32_2 = arith.constant 0 : i32
    return %c0_i32, %c0_i32_0, %c0_i32_1 : i32, i32, i32
  }
  func.func @transform_1(%arg0: i32) -> (i32, i32, i32) {
    %c0_i32 = arith.constant 0 : i32
    %c0_i32_0 = arith.constant 0 : i32
    %c0_i32_1 = arith.constant 0 : i32
    %c0_i32_2 = arith.constant 0 : i32
    return %c0_i32, %c0_i32_0, %c0_i32_1 : i32, i32, i32
  }
  func.func @transform_2(%arg0: i32) -> (i32, i32) {
    %c0_i32 = arith.constant 0 : i32
    %c0_i32_0 = arith.constant 0 : i32
    %c0_i32_1 = arith.constant 0 : i32
    return %c0_i32, %c0_i32_0 : i32, i32
  }
  func.func @transform_3(%arg0: i32) -> (i32, i32) {
    %c0_i32 = arith.constant 0 : i32
    %c0_i32_0 = arith.constant 0 : i32
    %c0_i32_1 = arith.constant 0 : i32
    return %c0_i32, %c0_i32_0 : i32, i32
  }
  func.func @transform_4(%arg0: i32) -> (i32, i32) {
    %c0_i32 = arith.constant 0 : i32
    %c0_i32_0 = arith.constant 0 : i32
    %c0_i32_1 = arith.constant 0 : i32
    return %c0_i32, %c0_i32_0 : i32, i32
  }
  func.func @transform_5(%arg0: i32) -> (i32, i32) {
    %c0_i32 = arith.constant 0 : i32
    %c0_i32_0 = arith.constant 0 : i32
    %c0_i32_1 = arith.constant 0 : i32
    return %c0_i32, %c0_i32_0 : i32, i32
  }
}

</mosaic_0001>

<sc_bundles>
// kernel: kernel.16.cloned.1.call-start
scs
__scs_entry_jumppad:
0x0: {  	(pc) =	sbr.rel $0x88, $3  }
0x1: {  	(tag) =	ssettag $0x0;
	lr =	simm.s32 $0x1  }
0x2: {  	[smem:$0x3F80] =	sst lr;
	_ =	strace $0xD0000000  }
0x3: {  	_ = 	snop  }
0x4: {  	_ = 	snop  }
0x5: {  	_ = 	snop  }
0x6: {  	_ = 	snop  }
0x7: {  	_ = 	snop  }
__scs_overlays_trampoline_lowered:
0x8: {  	[smem:$0x3F8F] =	sst s0  }
0x9: {  	[smem:$0x3F90] =	sst s1  }
0xa: {  	[smem:$0x3F91] =	sst s2  }
0xb: {  	[smem:$0x3F92] =	sst s3  }
0xc: {  	[smem:$0x3F93] =	sst s4  }
0xd: {  	[smem:$0x3F94] =	sst s5  }
0xe: {  	[smem:$0x3F95] =	sst s6  }
0xf: {  	[smem:$0x3F96] =	sst s7  }
0x10: {  	[smem:$0x3F97] =	sst s8  }
0x11: {  	[smem:$0x3F98] =	sst s9;
	s0 =	simm.s32 @!p0 $0x0  }
0x12: {  	s1 =	sld [smem:$0x3F7E];
	s0 =	simm.s32 @p0 $0x1  }
0x13: {  	[smem:$0x3F99] =	sst s0;
	s0 =	simm.s32 @!p1 $0x0  }
0x14: {  	s2 =	sld [smem:$0x3F7D];
	s0 =	simm.s32 @p1 $0x1  }
0x15: {  	[smem:$0x3F9A] =	sst s0;
	s0 =	simm.s32 @!p2 $0x0  }
0x16: {  	s3 =	sld [smem:$0x3FDB];
	s0 =	simm.s32 @p2 $0x1  }
0x17: {  	s4 =	simm.s32 $0x1BF5;
	[smem:$0x3F9C] =	sst s0  }
0x18: {  	s0 =	sld [smem:$0x3F7F];
	_ =	swait.ge [sflag:s4], $0x0  }
0x19: {  	s7 =	sld [smem:$0x3F80]  }
0x1a: {  	s8 =	sadd.s32 $0xFFFFE003, lr  }
0x1b: {  	s9 =	sadd.s32 $0xFFFFFEF7, lr;
	s5 =	simm.s32 $0xFFFFFFFF;
	p2 =	slt.u32 s8, $0xFFFFF086  }
0x1c: {  	p1 =	slt.u32 s9, $0xF7A;
	s5 =	simm.s32 @!p2 $0x0  }
0x1d: {  	s5 =	simm.s32 @p1 $0x1;
	p0 =	seq.s32 s7, s2  }
0x1e: {  	s7 =	smul.u32 @!p0 $0xF7A, s2;
	p2 =	seq.s32 @!p0 s5, $0x0  }
0x1f: {  	s9 =	smul.u32 $0xF7A, s1;
	s8 =	simm.s32 @!p0 $0x1BF5;
	p2 =	por !p2, p0  }
0x20: {  	[sflag:s8] =	ssyncset.s32 @!p0 $0xFFFFF086;
	s6 =	sadd.s32 @!p0 s3, s7;
	s7 =	simm.s32 @!p0 $0x108  }
0x21: {  	s3 =	sadd.s32 s3, s9;
	s6 =	sadd.s32 @!p0 $0x88, s6;
	s7 =	simm.s32 @p2 $0x1082  }
0x22: {  	[simem:s7], [sflag:s8] =	dma.local @!p0 [hbm:s6], $0xF7A  }
0x23: {  	s9 =	sor.u32 $0xD0000000, s2;
	s6 =	simm.s32 $0x108;
	_ =	swait.ge @!p0 [sflag:s8], $0x0  }
0x24: {  	s3 =	sadd.s32 $0x88, s3;
	s6 =	simm.s32 @!p1 $0x1082;
	[sflag:s4] =	ssyncset.s32 $0xFFFFF086  }
0x25: {  	[simem:s6], [sflag:s4] =	dma.local [hbm:s3], $0xF7A  }
0x26: {  	[smem:$0x3F80] =	sst s1;
	(tag) =	ssettag s2;
	_ =	strace s9  }
0x27: {  	s1 =	sld [smem:$0x3F90]  }
0x28: {  	s2 =	sld [smem:$0x3F91]  }
0x29: {  	s4 =	sld [smem:$0x3F93]  }
0x2a: {  	p0 =	seq.s32 s5, $0x0;
	s5 =	sld [smem:$0x3F94]  }
0x2b: {  	s6 =	sld [smem:$0x3F95]  }
0x2c: {  	s7 =	sld [smem:$0x3F96]  }
0x2d: {  	s3 =	simm.s32 $0x108;
	s8 =	sld [smem:$0x3F97]  }
0x2e: {  	s3 =	simm.s32 @!p0 $0x1082;
	s9 =	sld [smem:$0x3F98]  }
0x2f: {  	lr =	sadd.s32 s0, s3;
	s0 =	sld [smem:$0x3F8F]  }
0x30: {  	s3 =	sld [smem:$0x3F92]  }
0x31: {  	[smem:$0x3F9B] =	sst s10  }
0x32: {  	s10 =	sld [smem:$0x3F99];
	_ =	sdelay $0x3  }
0x33: {  	p0 =	seq.s32 s10, $0x1;
	s10 =	sld [smem:$0x3F9B];
	_ =	sdelay $0x3  }
0x34: {  	[smem:$0x3F9B] =	sst s10  }
0x35: {  	s10 =	sld [smem:$0x3F9A];
	_ =	sdelay $0x3  }
0x36: {  	p1 =	seq.s32 s10, $0x1;
	s10 =	sld [smem:$0x3F9B];
	_ =	sdelay $0x3  }
0x37: {  	[smem:$0x3F9B] =	sst s10  }
0x38: {  	s10 =	sld [smem:$0x3F9C]  }
0x39: {  	_ = 	snop;
	(pc) =	sbr.ind lr, $3  }
0x3a: {  	_ = 	snop  }
0x3b: {  	_ = 	snop  }
0x3c: {  	p2 =	seq.s32 s10, $0x1;
	s10 =	sld [smem:$0x3F9B]  }
0x3d: {  	_ =	shalt  }
0x3e: {  	_ =	shalt  }
0x3f: {  	_ =	shalt  }
0x40: {  	_ =	shalt  }
0x41: {  	_ =	shalt  }
0x42: {  	_ =	shalt  }
0x43: {  	_ =	shalt  }
0x44: {  	_ =	shalt  }
0x45: {  	_ =	shalt  }
0x46: {  	_ =	shalt  }
0x47: {  	_ =	shalt  }
0x48: {  	_ =	shalt  }
0x49: {  	_ =	shalt  }
0x4a: {  	_ =	shalt  }
0x4b: {  	_ =	shalt  }
0x4c: {  	_ =	shalt  }
0x4d: {  	_ =	shalt  }
0x4e: {  	_ =	shalt  }
0x4f: {  	_ =	shalt  }
0x50: {  	_ =	shalt  }
0x51: {  	_ =	shalt  }
0x52: {  	_ =	shalt  }
0x53: {  	_ =	shalt  }
0x54: {  	_ =	shalt  }
0x55: {  	_ =	shalt  }
0x56: {  	_ =	shalt  }
0x57: {  	_ =	shalt  }
0x58: {  	_ =	shalt  }
0x59: {  	_ =	shalt  }
0x5a: {  	_ =	shalt  }
0x5b: {  	_ =	shalt  }
0x5c: {  	_ =	shalt  }
0x5d: {  	_ =	shalt  }
0x5e: {  	_ =	shalt  }
0x5f: {  	_ =	shalt  }
0x60: {  	_ =	shalt  }
0x61: {  	_ =	shalt  }
0x62: {  	_ =	shalt  }
0x63: {  	_ =	shalt  }
0x64: {  	_ =	shalt  }
0x65: {  	_ =	shalt  }
0x66: {  	_ =	shalt  }
0x67: {  	_ =	shalt  }
0x68: {  	_ =	shalt  }
0x69: {  	_ =	shalt  }
0x6a: {  	_ =	shalt  }
0x6b: {  	_ =	shalt  }
0x6c: {  	_ =	shalt  }
0x6d: {  	_ =	shalt  }
0x6e: {  	_ =	shalt  }
0x6f: {  	_ =	shalt  }
0x70: {  	_ =	shalt  }
0x71: {  	_ =	shalt  }
0x72: {  	_ =	shalt  }
0x73: {  	_ =	shalt  }
0x74: {  	_ =	shalt  }
0x75: {  	_ =	shalt  }
0x76: {  	_ =	shalt  }
0x77: {  	_ =	shalt  }
0x78: {  	_ =	shalt  }
0x79: {  	_ =	shalt  }
0x7a: {  	_ =	shalt  }
0x7b: {  	_ =	shalt  }
0x7c: {  	_ =	shalt  }
0x7d: {  	_ =	shalt  }
0x7e: {  	_ =	shalt  }
0x7f: {  	_ =	shalt  }
0x80: {  	_ =	shalt  }
0x81: {  	_ =	shalt  }
0x82: {  	_ =	shalt  }
0x83: {  	_ =	shalt  }
0x84: {  	_ =	shalt  }
0x85: {  	_ =	shalt  }
0x86: {  	_ =	shalt  }
0x87: {  	_ =	shalt  }
.Lfunc_end0:
.L_simem_size_0:
called_computation_lowered:
.L_overlay_start_0:
0x88: {  	s2 =	sld [smem:$0x3FD9]  }
0x89: {  	s3 =	sld [smem:$0x3FFE];
	_ =	sdelay $0x1  }
0x8a: {  	s1 =	srdreg.scid  }
0x8b: {  	s0 =	sand.u32 $0x1, s1  }
0x8c: {  	s17 =	sshll.u32 s0, $0xA;
	s2 =	sadd.s32 s3, s2  }
0x8d: {  	s2 =	sadd.s32 s2, s17  }
0x8e: {  	[smem:$0x3FA7] =	sst s2  }
0x8f: {  	_ = 	snop  }
0x90: {  	(tm) =	ssettm $0x1  }
0x91: {  	s18 =	sld [smem:$0x3FFB];
	_ =	sdelay $0x3  }
0x92: {  	_ =	strace s18  }
0x93: {  	s2 =	sld [smem:$0x3FFC];
	_ =	sdelay $0x3  }
0x94: {  	_ =	strace s2  }
0x95: {  	s2 =	sld [smem:$0x3FFD];
	_ =	sdelay $0x3  }
0x96: {  	_ =	strace s2  }
0x97: {  	_ =	strace $0x8FFFFFFF  }
0x98: {  	s19 =	sld [smem:$0x3FDB];
	_ =	sdelay $0x1  }
0x99: {  	s20 =	simm.s32 $_scs_section_size  }
0x9a: {  	s4 =	simm.s32 $_size__tile_overlayer_lowered;
	s5 =	simm.s32 $_tile_overlayer_lowered  }
0x9b: {  	s6 =	simm.s32 $0x1BFF;
	s21 =	sshll.u32 s5, $0x1;
	s3 =	sadd.s32 s20, s19  }
0x9c: {  	s22 =	simm.s32 $0x0;
	s4 =	sshll.u32 s4, $0x1;
	s5 =	sadd.s32 s21, s3  }
0x9d: {  	[timem:s22], [sflag:s6] =	dma.local [hbm:s5], s4  }
0x9e: {  	_ =	swait.ge [sflag:s6], s4  }
0x9f: {  	s4 =	ssub.s32 $0x0, s4;
	[sflag:s6] =	ssyncset.done $0x0  }
0xa0: {  	[sflag:s6] =	ssyncadd.s32 s4;
	_ =	sdelay $0x1  }
0xa1: {  	s23 =	simm.s32 $0x1B8B  }
0xa2: {  	_ =	swait.ge [sflag:s23], $0x1  }
0xa3: {  	[sflag:s23] =	ssyncset.done $0x0  }
0xa4: {  	[sflag:s23] =	ssyncadd.s32 $0xFFFFFFFF  }
0xa5: {  	s4 =	sld [smem:$0x0]  }
0xa6: {  	s5 =	sand.u32 $0xFFFFFFFE, s1  }
0xa7: {  	p0 =	sne.s32 s1, s5  }
0xa8: {  	s5 =	sshll.u32 @p0 s5, $0xE  }
0xa9: {  	s5 =	sadd.s32 @p0 $0x11B8D, s5;
	s6 =	sshll.u32 @p0 s4, $0x11  }
0xaa: {  	s5 =	sor.u32 @p0 s6, s5  }
0xab: {  	[sflag:s5] =	ssyncadd.remote.s32 @p0 $0x1;
	_ =	sdelay $0x1  }
0xac: {  	s5 =	simm.s32 @p0 $0x1B8D  }
0xad: {  	_ =	swait.eq @p0 [sflag:s5], $0x1  }
0xae: {  	[sflag:s5] =	ssyncadd.s32 @p0 $0xFFFFFFFF  }
0xaf: {  	s6 =	sshll.u32 @!p0 s1, $0xE  }
0xb0: {  	s6 =	sor.u32 @!p0 $0x4000, s6;
	s5 =	simm.s32 @!p0 $0x1B8D  }
0xb1: {  	s4 =	sshll.u32 @!p0 s4, $0x11;
	s6 =	sadd.s32 @!p0 $0x11B8D, s6;
	_ =	swait.eq @!p0 [sflag:s5], $0x1  }
0xb2: {  	s4 =	sor.u32 @!p0 s4, s6;
	[sflag:s5] =	ssyncadd.s32 @!p0 $0xFFFFFFFF  }
0xb3: {  	s25 =	simm.s32 $0x1B8E;
	s24 =	sld [smem:$0x3FFE];
	[sflag:s4] =	ssyncadd.remote.s32 @!p0 $0x1  }
0xb4: {  	s26 =	simm.s32 $execute0_lowered;
	[smem:$0x3FD2] =	sst s25  }
0xb5: {  	s5 =	sshll.u32 s26, $0x1;
	_ =	strace $0x80000049;
	[dreg:$0x1] =	wrdreg $0xFFFFFFFF  }
0xb6: {  	s28 =	simm.s32 $_size_execute0_lowered;
	s3 =	sadd.s32 s3, s5;
	[dreg:$0x0] =	wrdreg $0x0  }
0xb7: {  	s5 =	sshll.u32 s28, $0x1;
	[dreg:$0x2] =	wrdreg s3  }
0xb8: {  	[dreg:$0x3] =	wrdreg s5  }
0xb9: {  	[dreg:$0x4] =	wrdreg $0xC0  }
0xba: {  	_ =	task [dreg:s22], $0x5FFFF  }
0xbb: {  	[dreg:$0x1] =	wrdreg $0xFFFFFFFF  }
0xbc: {  	[dreg:$0x0] =	wrdreg $0x60  }
0xbd: {  	[dreg:$0x2] =	wrdreg s24  }
0xbe: {  	[dreg:$0x3] =	wrdreg $0x1BD00  }
0xbf: {  	[dreg:$0x4] =	wrdreg $0x9  }
0xc0: {  	_ =	task.clear_ibuf [dreg:s22], $0x5FFFF;
	_ =	strace $0x90000049  }
0xc1: {  	s29 =	simm.s32 $0x9;
	_ =	strace $0x8000004B  }
0xc2: {  	_ =	swait.ge [sflag:s29], $0x1  }
0xc3: {  	[sflag:s29] =	ssyncadd.s32 $0xFFFFFFFF  }
0xc4: {  	_ =	strace $0x9000004B  }
0xc5: {  	_ =	sfence  }
0xc6: {  	s30 =	sld [smem:$0x0];
	_ =	sdelay $0x2  }
0xc7: {  	s31 =	sshll.u32 s1, $0xD;
	s1 =	sshrl.u32 s1, $0x2  }
0xc8: {  	s4 =	sand.u32 $0x4000, s31;
	s1 =	sadd.s32 s1, s30  }
0xc9: {  	s0 =	sor.u32 s4, s0;
	s1 =	sshll.u32 s1, $0x11  }
0xca: {  	s0 =	sor.u32 s1, s0  }
0xcb: {  	s0 =	sadd.s32 $0x8F2B, s0  }
0xcc: {  	[sflag:s0] =	ssyncadd.remote.s32 $0x1  }
0xcd: {  	_ =	sfence.sel $0xFFFF  }
0xce: {  	[dreg:$0x0] =	wrdreg $0xFFFFFFFF;
	(pc) =	sbr.abs _section_cstart, $3  }
0xcf: {  	[dreg:$0x1] =	wrdreg $0xFFFFFFFF  }
0xd0: {  	_ =	task.clear_ibuf [dreg:s22], $0x2FFFF;
	_ =	strace $0x9FFFFFFF  }
0xd1: {  	(tm) =	ssettm $0x7FFFFFFF  }
tec
execute0_lowered:
.L_overlay_start_1:
0x0: {  	(tag) =	ssettag $0x1  }
0x1: {  	s1 =	srdreg.scid;
	s5 =	rddreg [dreg:$0x0]  }
0x2: {  	s0 =	stileid.u32;
	s2 =	rddreg [dreg:$0x1]  }
0x3: {  	s3 =	simm.s32 $0x0;
	s12 =	simm.s32 $0x1400;
	s13 =	simm.s32 $0x2  }
0x4: {  	s15 =	simm.s32 $0x0;
	s4 =	sand.u32 $0x1, s1;
	s30 =	sshll.u32 s0, $0x1  }
0x5: {  	s7 =	smul.u32 $0x2710, s0;
	[smem:$0x7FF] =	sst s3;
	s14 =	sshll.u32 s0, $0x6  }
0x6: {  	s1 =	sor.u32 s4, s30;
	s8 =	smul.u32 $0x27100, s4;
	s4 =	ssub.s32 $0x2, s4  }
0x7: {  	s6 =	smul.u32 $0x280, s1;
	s1 =	rddreg [dreg:$0x2];
	_ =	strace $0x8000004A  }
0x8: {  	s9 =	sshrl.u32 s7, $0x3;
	s31 =	sshrl.u32 s4, $0x1;
	s11 =	sadd.s32 s7, s2  }
0x9: {  	s8 =	sadd.s32 s7, s8;
	s9 =	sadd.s32 s9, s5;
	s10 =	ssub.s32 s4, s31  }
0xa: {  	s6 =	sadd.s32 s6, s5;
	s8 =	sshrl.u32 s8, $0x3;
	s4 =	sadd.s32 $0x5F600, s9  }
0xb: {  	s9 =	sshrl.u32 s11, $0x3;
	s11 =	simm.s32 $0x7D;
	s8 =	sadd.s32 s8, s5  }
0xc: {  	s5 =	sor.u32 $0x1C01, s14;
	s6 =	sadd.s32 $0x5A600, s6;
	s14 =	sor.u32 $0x1C02, s14  }
0xd: {  	v0 =	vimm.f32 $1.000000000e+00;
	s7 =	sadd.s32 $0x64600, s8;
	s8 =	smax.u32 s10, $0x1;
	s10 =	simm.s32 $0x1  }
.LBB2_1:
0xe: {  	[spmem:s9], [sflag:s5] =	dma.local [hbm:s4], $0x4E2  }
0xf: {  	s16 =	simm.s32 $0x40;
	s17 =	simm.s32 $0x0  }
0x10: {  	[tilespmem:s3], [sflag:$0x1] =	stream.linear.gather [hbm4b:s6+s3], $0x1400, $0x38;
	[tilespmem:$0x42E0] =	vst v63  }
.LBB2_2:
0x11: {  	p0 =	sne.s32 s16, $0x1F00;
	[tilespmem:s17+$0x1400] =	vst v0;
	s17 =	smov.u32 s16;
	s16 =	sadd.s32 $0x40, s16  }
.Ltmp0:
0x12: {  	(pc) =	sbr.rel @p0 .LBB2_2-.Ltmp0, $2  }
0x13: {  	_ =	sdelay $0x2  }
0x14: {  	s17 =	sshra.s32 s17, $0x2  }
0x15: {  	[tilespmem:s17+$0x1400] =	vst v0  }
0x16: {  	_ =	swait.ge [sflag:s10], $0x4E2  }
0x17: {  	[sflag:s10] =	ssyncset.done $0x0  }
0x18: {  	[sflag:s10] =	ssyncadd.s32 $0xFFFFFB1E  }
0x19: {  	_ =	swait.ge [sflag:s10], $0x1400  }
0x1a: {  	[sflag:s10] =	ssyncset.done $0x0  }
0x1b: {  	[sflag:s10] =	ssyncadd.s32 $0xFFFFEC00  }
0x1c: {  	s16 =	simm.s32 $0x0;
	[bflag:$0x0] =	sbarrier.arrive $0xFFFF  }
0x1d: {  	[spmem:s2] =	stream.indirect.scatter.add.f32 [tilespmem:s12], [sflag:$0x2], $0x10, s16, s11, $0xb8;
	[tilespmem:$0x42E0] =	vst v63  }
0x1e: {  	_ =	swait.ge [sflag:s13], $0x7D0  }
0x1f: {  	s16 =	simm.s32 $0x200;
	[sflag:s13] =	ssyncset.done $0x0  }
.LBB2_4:
0x20: {  	s17 =	sshra.s32 s16, $0x2;
	[sflag:s13] =	ssyncadd.s32 $0xFFFFF830;
	p0 =	sne.s32 s16, $0x4E00  }
0x21: {  	[spmem:s2] =	stream.indirect.scatter.add.f32 [tilespmem:s12], [sflag:$0x2], $0x10, s17, s11, $0xb8;
	[tilespmem:$0x42E0] =	vst v63  }
.Ltmp1:
0x22: {  	_ = 	snop;
	(pc) =	sbr.rel @p0 .LBB2_4-.Ltmp1, $4  }
0x23: {  	_ = 	snop  }
0x24: {  	s16 =	sadd.s32 $0x200, s16  }
0x25: {  	_ =	swait.ge [sflag:s13], $0x7D0  }
0x26: {  	[sflag:s13] =	ssyncset.done $0x0  }
0x27: {  	s15 =	sadd.s32 $0x1, s15  }
0x28: {  	[sflag:s13] =	ssyncadd.s32 $0xFFFFF830;
	p0 =	sne.s32 s15, s8  }
.Ltmp2:
0x29: {  	[bflag:$0x0] =	sbarrier.arrive $0xFFFF;
	(pc) =	sbr.rel @p0 .LBB2_1-.Ltmp2, $4  }
0x2a: {  	[hbm:s7], [sflag:s14] =	dma.local [spmem:s9], $0x4E2  }
0x2b: {  	_ =	swait.ge [sflag:s13], $0x4E2  }
0x2c: {  	[sflag:s13] =	ssyncset.done $0x0  }
0x2d: {  	[sflag:s13] =	ssyncadd.s32 $0xFFFFFB1E  }
0x2e: {  	_ =	sfence.sel $0x180000  }
0x2f: {  	[bflag:$0x0] =	sbarrier.arrive $0xFFFF  }
0x30: {  	p0 =	sne.s32 s0, $0x0;
	_ =	strace $0x9000004A  }
0x31: {  	s0 =	sadd.s32 @!p0 $0x100000, s1;
	[bflag:$0x2] =	sbarrier.arrive $0xFFFF  }
0x32: {  	[sflag:s0] =	ssyncadd.tile.s32 @!p0 $0x1;
	_ =	shalt  }
.Lfunc_end2:
_tile_overlayer_lowered:
.L_overlay_start_2:
0x33: {  	(tag) =	ssettag $0x2  }
0x34: {  	s0 =	rddreg [dreg:$0x0];
	s2 =	stileid.u32  }
0x35: {  	s1 =	rddreg [dreg:$0x1];
	p0 =	sne.s32 s2, $0x0  }
0x36: {  	s3 =	rddreg [dreg:$0x2];
	[bflag:$0x3] =	sbarrier.arrive $0xFFFF;
	s2 =	simm.s32 @!p0 $0x1C02  }
0x37: {  	[timem:s3], [sflag:s2] =	dma.local @!p0 [hbm:s0], s1  }
0x38: {  	s0 =	simm.s32 @!p0 $0x2  }
0x39: {  	_ =	swait.ge @!p0 [sflag:s0], s1  }
0x3a: {  	s1 =	ssub.s32 @!p0 $0x0, s1;
	[sflag:s0] =	ssyncset.done @!p0 $0x0  }
0x3b: {  	[sflag:s0] =	ssyncadd.s32 @!p0 s1  }
0x3c: {  	[bflag:$0x3] =	sbarrier.arrive $0xFFFF  }
0x3d: {  	_ =	shalt  }

// kernel: kernel.19.cloned.1.call-start
scs
__scs_entry_jumppad:
0x0: {  	(pc) =	sbr.rel $0x88, $3  }
0x1: {  	(tag) =	ssettag $0x0;
	lr =	simm.s32 $0x1  }
0x2: {  	[smem:$0x3F80] =	sst lr;
	_ =	strace $0xD0000000  }
0x3: {  	_ = 	snop  }
0x4: {  	_ = 	snop  }
0x5: {  	_ = 	snop  }
0x6: {  	_ = 	snop  }
0x7: {  	_ = 	snop  }
__scs_overlays_trampoline_lowered:
0x8: {  	[smem:$0x3F8F] =	sst s0  }
0x9: {  	[smem:$0x3F90] =	sst s1  }
0xa: {  	[smem:$0x3F91] =	sst s2  }
0xb: {  	[smem:$0x3F92] =	sst s3  }
0xc: {  	[smem:$0x3F93] =	sst s4  }
0xd: {  	[smem:$0x3F94] =	sst s5  }
0xe: {  	[smem:$0x3F95] =	sst s6  }
0xf: {  	[smem:$0x3F96] =	sst s7  }
0x10: {  	[smem:$0x3F97] =	sst s8  }
0x11: {  	[smem:$0x3F98] =	sst s9;
	s0 =	simm.s32 @!p0 $0x0  }
0x12: {  	s1 =	sld [smem:$0x3F7E];
	s0 =	simm.s32 @p0 $0x1  }
0x13: {  	[smem:$0x3F99] =	sst s0;
	s0 =	simm.s32 @!p1 $0x0  }
0x14: {  	s2 =	sld [smem:$0x3F7D];
	s0 =	simm.s32 @p1 $0x1  }
0x15: {  	[smem:$0x3F9A] =	sst s0;
	s0 =	simm.s32 @!p2 $0x0  }
0x16: {  	s3 =	sld [smem:$0x3FDB];
	s0 =	simm.s32 @p2 $0x1  }
0x17: {  	s4 =	simm.s32 $0x1BF5;
	[smem:$0x3F9C] =	sst s0  }
0x18: {  	s0 =	sld [smem:$0x3F7F];
	_ =	swait.ge [sflag:s4], $0x0  }
0x19: {  	s7 =	sld [smem:$0x3F80]  }
0x1a: {  	s8 =	sadd.s32 $0xFFFFE003, lr  }
0x1b: {  	s9 =	sadd.s32 $0xFFFFFEF7, lr;
	s5 =	simm.s32 $0xFFFFFFFF;
	p2 =	slt.u32 s8, $0xFFFFF086  }
0x1c: {  	p1 =	slt.u32 s9, $0xF7A;
	s5 =	simm.s32 @!p2 $0x0  }
0x1d: {  	s5 =	simm.s32 @p1 $0x1;
	p0 =	seq.s32 s7, s2  }
0x1e: {  	s7 =	smul.u32 @!p0 $0xF7A, s2;
	p2 =	seq.s32 @!p0 s5, $0x0  }
0x1f: {  	s9 =	smul.u32 $0xF7A, s1;
	s8 =	simm.s32 @!p0 $0x1BF5;
	p2 =	por !p2, p0  }
0x20: {  	[sflag:s8] =	ssyncset.s32 @!p0 $0xFFFFF086;
	s6 =	sadd.s32 @!p0 s3, s7;
	s7 =	simm.s32 @!p0 $0x108  }
0x21: {  	s3 =	sadd.s32 s3, s9;
	s6 =	sadd.s32 @!p0 $0x88, s6;
	s7 =	simm.s32 @p2 $0x1082  }
0x22: {  	[simem:s7], [sflag:s8] =	dma.local @!p0 [hbm:s6], $0xF7A  }
0x23: {  	s9 =	sor.u32 $0xD0000000, s2;
	s6 =	simm.s32 $0x108;
	_ =	swait.ge @!p0 [sflag:s8], $0x0  }
0x24: {  	s3 =	sadd.s32 $0x88, s3;
	s6 =	simm.s32 @!p1 $0x1082;
	[sflag:s4] =	ssyncset.s32 $0xFFFFF086  }
0x25: {  	[simem:s6], [sflag:s4] =	dma.local [hbm:s3], $0xF7A  }
0x26: {  	[smem:$0x3F80] =	sst s1;
	(tag) =	ssettag s2;
	_ =	strace s9  }
0x27: {  	s1 =	sld [smem:$0x3F90]  }
0x28: {  	s2 =	sld [smem:$0x3F91]  }
0x29: {  	s4 =	sld [smem:$0x3F93]  }
0x2a: {  	p0 =	seq.s32 s5, $0x0;
	s5 =	sld [smem:$0x3F94]  }
0x2b: {  	s6 =	sld [smem:$0x3F95]  }
0x2c: {  	s7 =	sld [smem:$0x3F96]  }
0x2d: {  	s3 =	simm.s32 $0x108;
	s8 =	sld [smem:$0x3F97]  }
0x2e: {  	s3 =	simm.s32 @!p0 $0x1082;
	s9 =	sld [smem:$0x3F98]  }
0x2f: {  	lr =	sadd.s32 s0, s3;
	s0 =	sld [smem:$0x3F8F]  }
0x30: {  	s3 =	sld [smem:$0x3F92]  }
0x31: {  	[smem:$0x3F9B] =	sst s10  }
0x32: {  	s10 =	sld [smem:$0x3F99];
	_ =	sdelay $0x3  }
0x33: {  	p0 =	seq.s32 s10, $0x1;
	s10 =	sld [smem:$0x3F9B];
	_ =	sdelay $0x3  }
0x34: {  	[smem:$0x3F9B] =	sst s10  }
0x35: {  	s10 =	sld [smem:$0x3F9A];
	_ =	sdelay $0x3  }
0x36: {  	p1 =	seq.s32 s10, $0x1;
	s10 =	sld [smem:$0x3F9B];
	_ =	sdelay $0x3  }
0x37: {  	[smem:$0x3F9B] =	sst s10  }
0x38: {  	s10 =	sld [smem:$0x3F9C]  }
0x39: {  	_ = 	snop;
	(pc) =	sbr.ind lr, $3  }
0x3a: {  	_ = 	snop  }
0x3b: {  	_ = 	snop  }
0x3c: {  	p2 =	seq.s32 s10, $0x1;
	s10 =	sld [smem:$0x3F9B]  }
0x3d: {  	_ =	shalt  }
0x3e: {  	_ =	shalt  }
0x3f: {  	_ =	shalt  }
0x40: {  	_ =	shalt  }
0x41: {  	_ =	shalt  }
0x42: {  	_ =	shalt  }
0x43: {  	_ =	shalt  }
0x44: {  	_ =	shalt  }
0x45: {  	_ =	shalt  }
0x46: {  	_ =	shalt  }
0x47: {  	_ =	shalt  }
0x48: {  	_ =	shalt  }
0x49: {  	_ =	shalt  }
0x4a: {  	_ =	shalt  }
0x4b: {  	_ =	shalt  }
0x4c: {  	_ =	shalt  }
0x4d: {  	_ =	shalt  }
0x4e: {  	_ =	shalt  }
0x4f: {  	_ =	shalt  }
0x50: {  	_ =	shalt  }
0x51: {  	_ =	shalt  }
0x52: {  	_ =	shalt  }
0x53: {  	_ =	shalt  }
0x54: {  	_ =	shalt  }
0x55: {  	_ =	shalt  }
0x56: {  	_ =	shalt  }
0x57: {  	_ =	shalt  }
0x58: {  	_ =	shalt  }
0x59: {  	_ =	shalt  }
0x5a: {  	_ =	shalt  }
0x5b: {  	_ =	shalt  }
0x5c: {  	_ =	shalt  }
0x5d: {  	_ =	shalt  }
0x5e: {  	_ =	shalt  }
0x5f: {  	_ =	shalt  }
0x60: {  	_ =	shalt  }
0x61: {  	_ =	shalt  }
0x62: {  	_ =	shalt  }
0x63: {  	_ =	shalt  }
0x64: {  	_ =	shalt  }
0x65: {  	_ =	shalt  }
0x66: {  	_ =	shalt  }
0x67: {  	_ =	shalt  }
0x68: {  	_ =	shalt  }
0x69: {  	_ =	shalt  }
0x6a: {  	_ =	shalt  }
0x6b: {  	_ =	shalt  }
0x6c: {  	_ =	shalt  }
0x6d: {  	_ =	shalt  }
0x6e: {  	_ =	shalt  }
0x6f: {  	_ =	shalt  }
0x70: {  	_ =	shalt  }
0x71: {  	_ =	shalt  }
0x72: {  	_ =	shalt  }
0x73: {  	_ =	shalt  }
0x74: {  	_ =	shalt  }
0x75: {  	_ =	shalt  }
0x76: {  	_ =	shalt  }
0x77: {  	_ =	shalt  }
0x78: {  	_ =	shalt  }
0x79: {  	_ =	shalt  }
0x7a: {  	_ =	shalt  }
0x7b: {  	_ =	shalt  }
0x7c: {  	_ =	shalt  }
0x7d: {  	_ =	shalt  }
0x7e: {  	_ =	shalt  }
0x7f: {  	_ =	shalt  }
0x80: {  	_ =	shalt  }
0x81: {  	_ =	shalt  }
0x82: {  	_ =	shalt  }
0x83: {  	_ =	shalt  }
0x84: {  	_ =	shalt  }
0x85: {  	_ =	shalt  }
0x86: {  	_ =	shalt  }
0x87: {  	_ =	shalt  }
.Lfunc_end0:
.L_simem_size_0:
called_computation.1_lowered:
.L_overlay_start_0:
0x88: {  	s2 =	sld [smem:$0x3FD9]  }
0x89: {  	s3 =	sld [smem:$0x3FFE];
	_ =	sdelay $0x1  }
0x8a: {  	s1 =	srdreg.scid  }
0x8b: {  	s0 =	sand.u32 $0x1, s1  }
0x8c: {  	s17 =	sshll.u32 s0, $0xA;
	s2 =	sadd.s32 s3, s2  }
0x8d: {  	s2 =	sadd.s32 s2, s17  }
0x8e: {  	[smem:$0x3FA7] =	sst s2  }
0x8f: {  	_ = 	snop  }
0x90: {  	s2 =	sld [smem:$0x3FD0];
	(tm) =	ssettm $0x1  }
0x91: {  	s18 =	sld [smem:$0x3FFB];
	_ =	sdelay $0x3  }
0x92: {  	_ =	strace s18  }
0x93: {  	s3 =	sld [smem:$0x3FFC];
	_ =	sdelay $0x3  }
0x94: {  	_ =	strace s3  }
0x95: {  	s3 =	sld [smem:$0x3FFD];
	_ =	sdelay $0x3  }
0x96: {  	_ =	strace s3  }
0x97: {  	_ =	strace $0x8FFFFFFF  }
0x98: {  	s19 =	sld [smem:$0x3FDB];
	_ =	sdelay $0x1  }
0x99: {  	s4 =	simm.s32 $_scs_section_size  }
0x9a: {  	s5 =	simm.s32 $_size__tile_overlayer_lowered;
	s6 =	simm.s32 $_tile_overlayer_lowered  }
0x9b: {  	s22 =	simm.s32 $0x1BFF;
	s21 =	sshll.u32 s6, $0x1;
	s3 =	sadd.s32 s4, s19  }
0x9c: {  	s7 =	simm.s32 $0x0;
	s20 =	sshll.u32 s5, $0x1;
	s5 =	sadd.s32 s21, s3  }
0x9d: {  	[timem:s7], [sflag:s22] =	dma.local [hbm:s5], s20  }
0x9e: {  	_ =	swait.ge [sflag:s22], s20  }
0x9f: {  	s4 =	ssub.s32 $0x0, s20;
	[sflag:s22] =	ssyncset.done $0x0  }
0xa0: {  	[sflag:s22] =	ssyncadd.s32 s4;
	_ =	sdelay $0x1  }
0xa1: {  	s23 =	simm.s32 $0x1B8B  }
0xa2: {  	_ =	swait.ge [sflag:s23], $0x1  }
0xa3: {  	[sflag:s23] =	ssyncset.done $0x0  }
0xa4: {  	s25 =	simm.s32 $0x1B8E;
	s24 =	sld [smem:$0x3FFE];
	[sflag:s23] =	ssyncadd.s32 $0xFFFFFFFF  }
0xa5: {  	s26 =	simm.s32 $execute0_lowered;
	[smem:$0x3FD2] =	sst s25  }
0xa6: {  	s5 =	sshll.u32 s26, $0x1;
	_ =	strace $0x80000046;
	[dreg:$0x1] =	wrdreg $0xFFFFFFFF  }
0xa7: {  	s28 =	simm.s32 $_size_execute0_lowered;
	s3 =	sadd.s32 s3, s5;
	[dreg:$0x0] =	wrdreg $0x0  }
0xa8: {  	s5 =	sshll.u32 s28, $0x1;
	[dreg:$0x2] =	wrdreg s3  }
0xa9: {  	[dreg:$0x3] =	wrdreg s5  }
0xaa: {  	[dreg:$0x4] =	wrdreg $0xC0  }
0xab: {  	_ =	task [dreg:s7], $0x5FFFF  }
0xac: {  	[dreg:$0x1] =	wrdreg $0xFFFFFFFF  }
0xad: {  	[dreg:$0x0] =	wrdreg $0x60  }
0xae: {  	[dreg:$0x2] =	wrdreg s2  }
0xaf: {  	[dreg:$0x3] =	wrdreg s24  }
0xb0: {  	[dreg:$0x4] =	wrdreg $0xA  }
0xb1: {  	_ =	task.clear_ibuf [dreg:s7], $0x5FFFF;
	_ =	strace $0x90000046  }
0xb2: {  	s29 =	simm.s32 $0xA;
	_ =	strace $0x80000048  }
0xb3: {  	_ =	swait.ge [sflag:s29], $0x1  }
0xb4: {  	[sflag:s29] =	ssyncadd.s32 $0xFFFFFFFF  }
0xb5: {  	_ =	strace $0x90000048  }
0xb6: {  	_ =	sfence  }
0xb7: {  	s30 =	sld [smem:$0x0];
	_ =	sdelay $0x2  }
0xb8: {  	s31 =	sshll.u32 s1, $0xD;
	s1 =	sshrl.u32 s1, $0x2  }
0xb9: {  	s3 =	sand.u32 $0x4000, s31;
	s1 =	sadd.s32 s1, s30  }
0xba: {  	s0 =	sor.u32 s3, s0;
	s1 =	sshll.u32 s1, $0x11  }
0xbb: {  	s0 =	sor.u32 s1, s0  }
0xbc: {  	s0 =	sadd.s32 $0x8F2B, s0  }
0xbd: {  	[sflag:s0] =	ssyncadd.remote.s32 $0x1  }
0xbe: {  	_ =	sfence.sel $0xFFFF  }
0xbf: {  	[dreg:$0x0] =	wrdreg $0xFFFFFFFF;
	(pc) =	sbr.abs _section_cstart, $3  }
0xc0: {  	[dreg:$0x1] =	wrdreg $0xFFFFFFFF  }
0xc1: {  	_ =	task.clear_ibuf [dreg:s7], $0x2FFFF;
	_ =	strace $0x9FFFFFFF  }
0xc2: {  	(tm) =	ssettm $0x7FFFFFFF  }
0xc3: {  	_ =	shalt  }
tec
execute0_lowered:
.L_overlay_start_1:
0x0: {  	(tag) =	ssettag $0x1  }
0x1: {  	s3 =	stileid.u32;
	s2 =	rddreg [dreg:$0x0]  }
0x2: {  	s4 =	rddreg [dreg:$0x1];
	s15 =	sshll.u32 s3, $0x1;
	s3 =	simm.s32 $0x0  }
0x3: {  	s17 =	simm.s32 $0x80;
	[smem:$0x7FF] =	sst s3  }
0x4: {  	s18 =	simm.s32 $0x1BD0;
	_ =	strace $0x80000047;
	[dreg:$0x6] =	wrdreg s17  }
0x5: {  	s19 =	simm.s32 $0x100;
	[dreg:$0x7] =	wrdreg s18  }
0x6: {  	s20 =	simm.s32 $0x23A0;
	[dreg:$0x8] =	wrdreg s19  }
0x7: {  	s21 =	simm.s32 $0x180;
	[dreg:$0x9] =	wrdreg s20  }
0x8: {  	s22 =	simm.s32 $0x2B70;
	[dreg:$0xa] =	wrdreg s21  }
0x9: {  	s23 =	simm.s32 $0x200;
	[dreg:$0xb] =	wrdreg s22  }
0xa: {  	s24 =	simm.s32 $0x3340;
	[dreg:$0xc] =	wrdreg s23  }
0xb: {  	s25 =	simm.s32 $0x280;
	[dreg:$0xd] =	wrdreg s24  }
0xc: {  	s26 =	simm.s32 $0x3B10;
	[dreg:$0xe] =	wrdreg s25  }
0xd: {  	s28 =	simm.s32 $0x300;
	[dreg:$0xf] =	wrdreg s26  }
0xe: {  	s29 =	simm.s32 $0x42E0;
	[dreg:$0x10] =	wrdreg s28  }
0xf: {  	s7 =	simm.s32 $0x5280;
	[dreg:$0x11] =	wrdreg s29  }
0x10: {  	s8 =	simm.s32 $0x480;
	[dreg:$0x15] =	wrdreg s7  }
0x11: {  	s9 =	simm.s32 $0x5A50;
	[dreg:$0x16] =	wrdreg s8  }
0x12: {  	s10 =	simm.s32 $0x500;
	[dreg:$0x17] =	wrdreg s9  }
0x13: {  	s11 =	simm.s32 $0x6220;
	[dreg:$0x18] =	wrdreg s10  }
0x14: {  	s12 =	simm.s32 $0x580;
	[dreg:$0x19] =	wrdreg s11  }
0x15: {  	s0 =	srdreg.scid;
	s13 =	simm.s32 $0x69F0;
	[dreg:$0x1a] =	wrdreg s12  }
0x16: {  	s14 =	simm.s32 $0x600;
	s1 =	sand.u32 $0x1, s0;
	[dreg:$0x1b] =	wrdreg s13  }
0x17: {  	s0 =	sor.u32 s1, s15;
	s15 =	simm.s32 $0x71C0;
	[dreg:$0x1c] =	wrdreg s14  }
0x18: {  	[dreg:$0x1d] =	wrdreg s15;
	s17 =	simm.s32 $0x7990  }
0x19: {  	s18 =	simm.s32 $0x700;
	[dreg:$0x1f] =	wrdreg s17  }
0x1a: {  	s19 =	simm.s32 $0x8160;
	[smem:$0x7E3] =	sst s18  }
0x1b: {  	s20 =	simm.s32 $0x780;
	[smem:$0x7E2] =	sst s19  }
0x1c: {  	s21 =	simm.s32 $0x8930;
	[smem:$0x7E5] =	sst s20  }
0x1d: {  	s22 =	simm.s32 $0x800;
	[smem:$0x7E4] =	sst s21  }
0x1e: {  	s23 =	simm.s32 $0x9100;
	[smem:$0x7E6] =	sst s22  }
0x1f: {  	s24 =	simm.s32 $0x880;
	[smem:$0x7E1] =	sst s23  }
0x20: {  	s25 =	simm.s32 $0x98D0;
	[smem:$0x7E8] =	sst s24  }
0x21: {  	s26 =	simm.s32 $0x900;
	[smem:$0x7E7] =	sst s25  }
0x22: {  	s28 =	simm.s32 $0xA0A0;
	[smem:$0x7E9] =	sst s26  }
0x23: {  	s29 =	simm.s32 $0x980;
	[smem:$0x7EA] =	sst s28  }
0x24: {  	s7 =	simm.s32 $0xB810;
	[smem:$0x7EB] =	sst s29  }
0x25: {  	s8 =	simm.s32 $0xB00;
	[smem:$0x7F5] =	sst s7  }
0x26: {  	s9 =	simm.s32 $0xBFE0;
	[smem:$0x7EE] =	sst s8  }
0x27: {  	s10 =	simm.s32 $0xB80;
	[smem:$0x7F1] =	sst s9  }
0x28: {  	s11 =	simm.s32 $0xC7B0;
	[smem:$0x7F3] =	sst s10  }
0x29: {  	s12 =	simm.s32 $0xC00;
	[smem:$0x7F0] =	sst s11  }
0x2a: {  	s13 =	simm.s32 $0xCF80;
	[smem:$0x7F8] =	sst s12  }
0x2b: {  	s14 =	simm.s32 $0xC80;
	[smem:$0x7F7] =	sst s13  }
0x2c: {  	s15 =	simm.s32 $0xD750;
	[smem:$0x7F9] =	sst s14  }
0x2d: {  	[smem:$0x7F6] =	sst s15;
	s17 =	simm.s32 $0xDF20  }
0x2e: {  	s5 =	smul.u32 $0x280, s0;
	s18 =	simm.s32 $0xD80;
	[smem:$0x7EF] =	sst s17  }
0x2f: {  	s6 =	smul.u32 $0x13880, s0;
	s19 =	simm.s32 $0xE6F0;
	[smem:$0x7FB] =	sst s18  }
0x30: {  	s0 =	smul.u32 $0x2710, s0;
	s20 =	simm.s32 $0xE00;
	[smem:$0x7ED] =	sst s19  }
0x31: {  	s21 =	simm.s32 $0xEEC0;
	s5 =	sadd.s32 s5, s4;
	[smem:$0x7FC] =	sst s20  }
0x32: {  	s4 =	sadd.s32 $0xC400, s4;
	[smem:$0x7FD] =	sst s21;
	s5 =	sadd.s32 $0x7400, s5  }
0x33: {  	s6 =	sshrl.u32 s6, $0x3;
	s0 =	sadd.s32 s4, s0;
	[dreg:$0x3] =	wrdreg s5  }
0x34: {  	s4 =	sadd.s32 s4, s6;
	s6 =	simm.s32 $0x400;
	[dreg:$0x4] =	wrdreg s0  }
0x35: {  	s16 =	sadd.s32 $0x1388, s4;
	[dreg:$0x14] =	wrdreg s6  }
0x36: {  	s4 =	simm.s32 $0x380;
	[dreg:$0x5] =	wrdreg s16  }
0x37: {  	s5 =	simm.s32 $0x4AB0;
	[dreg:$0x12] =	wrdreg s4  }
0x38: {  	s6 =	simm.s32 $0xA80;
	[dreg:$0x13] =	wrdreg s5  }
0x39: {  	s16 =	simm.s32 $0x680;
	[smem:$0x7F2] =	sst s6  }
0x3a: {  	s4 =	simm.s32 $0xA870;
	[dreg:$0x1e] =	wrdreg s16  }
0x3b: {  	s5 =	simm.s32 $0xA00;
	[smem:$0x7EC] =	sst s4  }
0x3c: {  	[smem:$0x7F4] =	sst s5  }
0x3d: {  	s16 =	simm.s32 $0xD00;
	s5 =	rddreg [dreg:$0x3]  }
0x3e: {  	s4 =	simm.s32 $0x1;
	[smem:$0x7FA] =	sst s16  }
0x3f: {  	[tilespmem:s3], [sflag:$0x1] =	stream.linear.gather [hbm4b:s5+s3], $0x1400, $0x38;
	[tilespmem:$0x14C80] =	vst v63  }
0x40: {  	_ =	swait.ge [sflag:s4], $0x1400  }
0x41: {  	s0 =	rddreg [dreg:$0x12]  }
0x42: {  	s7 =	rddreg [dreg:$0x13]  }
0x43: {  	s8 =	rddreg [dreg:$0x10]  }
0x44: {  	s9 =	sld [smem:$0x7E1]  }
0x45: {  	s10 =	rddreg [dreg:$0xe]  }
0x46: {  	s11 =	sld [smem:$0x7E2]  }
0x47: {  	s12 =	rddreg [dreg:$0xf]  }
0x48: {  	s13 =	rddreg [dreg:$0x1d]  }
0x49: {  	s14 =	rddreg [dreg:$0xc]  }
0x4a: {  	s15 =	rddreg [dreg:$0x19]  }
0x4b: {  	s16 =	rddreg [dreg:$0xb]  }
0x4c: {  	s17 =	rddreg [dreg:$0x15]  }
0x4d: {  	s18 =	rddreg [dreg:$0x11]  }
0x4e: {  	s19 =	rddreg [dreg:$0xd]  }
0x4f: {  	s20 =	rddreg [dreg:$0x8]  }
0x50: {  	s21 =	rddreg [dreg:$0x6]  }
0x51: {  	s22 =	rddreg [dreg:$0x7]  }
0x52: {  	s23 =	rddreg [dreg:$0x9]  }
0x53: {  	s6 =	simm.s32 $0x1400;
	[sflag:s4] =	ssyncset.done $0x0;
	s24 =	rddreg [dreg:$0x14]  }
0x54: {  	s5 =	simm.s32 $0x7D;
	s25 =	rddreg [dreg:$0x16];
	[sflag:s4] =	ssyncadd.s32 $0xFFFFEC00  }
0x55: {  	[tilespmem:s6], [sflag:$0x2] =	stream.indirect.gather [hbm4b:s2+s5], $0x10, s3, s5, $0xb8;
	[tilespmem:$0x14C80] =	vst v63  }
0x56: {  	s26 =	rddreg [dreg:$0x18]  }
0x57: {  	[tilespmem:s22], [sflag:$0x2] =	stream.indirect.gather [hbm4b:s2+s5], $0x10, s21, s5, $0xb8;
	[tilespmem:$0x14C80] =	vst v63  }
0x58: {  	s28 =	rddreg [dreg:$0x1b]  }
0x59: {  	[tilespmem:s23], [sflag:$0x2] =	stream.indirect.gather [hbm4b:s2+s5], $0x10, s20, s5, $0xb8;
	[tilespmem:$0x14C80] =	vst v63  }
0x5a: {  	s22 =	rddreg [dreg:$0xa]  }
0x5b: {  	[tilespmem:s16], [sflag:$0x2] =	stream.indirect.gather [hbm4b:s2+s5], $0x10, s22, s5, $0xb8;
	[tilespmem:$0x14C80] =	vst v63  }
0x5c: {  	s29 =	rddreg [dreg:$0x1a]  }
0x5d: {  	[tilespmem:s19], [sflag:$0x2] =	stream.indirect.gather [hbm4b:s2+s5], $0x10, s14, s5, $0xb8;
	[tilespmem:$0x14C80] =	vst v63  }
0x5e: {  	s23 =	rddreg [dreg:$0x17]  }
0x5f: {  	[tilespmem:s12], [sflag:$0x2] =	stream.indirect.gather [hbm4b:s2+s5], $0x10, s10, s5, $0xb8;
	[tilespmem:$0x14C80] =	vst v63  }
0x60: {  	s16 =	sld [smem:$0x7EB]  }
0x61: {  	[tilespmem:s18], [sflag:$0x2] =	stream.indirect.gather [hbm4b:s2+s5], $0x10, s8, s5, $0xb8;
	[tilespmem:$0x14C80] =	vst v63  }
0x62: {  	s19 =	rddreg [dreg:$0x1e]  }
0x63: {  	[tilespmem:s7], [sflag:$0x2] =	stream.indirect.gather [hbm4b:s2+s5], $0x10, s0, s5, $0xb8;
	[tilespmem:$0x14C80] =	vst v63  }
0x64: {  	s12 =	rddreg [dreg:$0x1c]  }
0x65: {  	[tilespmem:s17], [sflag:$0x2] =	stream.indirect.gather [hbm4b:s2+s5], $0x10, s24, s5, $0xb8;
	[tilespmem:$0x14C80] =	vst v63  }
0x66: {  	s18 =	rddreg [dreg:$0x1f]  }
0x67: {  	[tilespmem:s23], [sflag:$0x2] =	stream.indirect.gather [hbm4b:s2+s5], $0x10, s25, s5, $0xb8;
	[tilespmem:$0x14C80] =	vst v63  }
0x68: {  	s8 =	sld [smem:$0x7E8]  }
0x69: {  	[tilespmem:s15], [sflag:$0x2] =	stream.indirect.gather [hbm4b:s2+s5], $0x10, s26, s5, $0xb8;
	[tilespmem:$0x14C80] =	vst v63  }
0x6a: {  	s24 =	sld [smem:$0x7E3]  }
0x6b: {  	[tilespmem:s28], [sflag:$0x2] =	stream.indirect.gather [hbm4b:s2+s5], $0x10, s29, s5, $0xb8;
	[tilespmem:$0x14C80] =	vst v63  }
0x6c: {  	s25 =	sld [smem:$0x7E4]  }
0x6d: {  	[tilespmem:s13], [sflag:$0x2] =	stream.indirect.gather [hbm4b:s2+s5], $0x10, s12, s5, $0xb8;
	[tilespmem:$0x14C80] =	vst v63  }
0x6e: {  	s26 =	sld [smem:$0x7E5]  }
0x6f: {  	[tilespmem:s18], [sflag:$0x2] =	stream.indirect.gather [hbm4b:s2+s5], $0x10, s19, s5, $0xb8;
	[tilespmem:$0x14C80] =	vst v63  }
0x70: {  	s15 =	sld [smem:$0x7EA]  }
0x71: {  	[tilespmem:s11], [sflag:$0x2] =	stream.indirect.gather [hbm4b:s2+s5], $0x10, s24, s5, $0xb8;
	[tilespmem:$0x14C80] =	vst v63  }
0x72: {  	s28 =	sld [smem:$0x7E6]  }
0x73: {  	[tilespmem:s25], [sflag:$0x2] =	stream.indirect.gather [hbm4b:s2+s5], $0x10, s26, s5, $0xb8;
	[tilespmem:$0x14C80] =	vst v63  }
0x74: {  	s29 =	sld [smem:$0x7E7]  }
0x75: {  	[tilespmem:s9], [sflag:$0x2] =	stream.indirect.gather [hbm4b:s2+s5], $0x10, s28, s5, $0xb8;
	[tilespmem:$0x14C80] =	vst v63  }
0x76: {  	s13 =	sld [smem:$0x7E9]  }
0x77: {  	[tilespmem:s29], [sflag:$0x2] =	stream.indirect.gather [hbm4b:s2+s5], $0x10, s8, s5, $0xb8;
	[tilespmem:$0x14C80] =	vst v63  }
0x78: {  	s17 =	sld [smem:$0x7EC]  }
0x79: {  	[tilespmem:s15], [sflag:$0x2] =	stream.indirect.gather [hbm4b:s2+s5], $0x10, s13, s5, $0xb8;
	[tilespmem:$0x14C80] =	vst v63  }
0x7a: {  	s7 =	simm.s32 $0x2  }
0x7b: {  	[tilespmem:s17], [sflag:$0x2] =	stream.indirect.gather [hbm4b:s2+s5], $0x10, s16, s5, $0xb8;
	[tilespmem:$0x14C80] =	vst v63  }
0x7c: {  	_ =	swait.ge [sflag:s7], $0x9C40  }
0x7d: {  	s0 =	sld [smem:$0x7ED]  }
0x7e: {  	s18 =	sld [smem:$0x7EE]  }
0x7f: {  	s10 =	sld [smem:$0x7EF]  }
0x80: {  	s19 =	sld [smem:$0x7F0]  }
0x81: {  	s20 =	sld [smem:$0x7F1]  }
0x82: {  	s21 =	sld [smem:$0x7F2]  }
0x83: {  	s22 =	sld [smem:$0x7F3]  }
0x84: {  	s23 =	sld [smem:$0x7F4]  }
0x85: {  	[sflag:s7] =	ssyncset.done $0x0;
	s24 =	sld [smem:$0x7F5]  }
0x86: {  	s8 =	simm.s32 $0xB040;
	s25 =	sld [smem:$0x7F6];
	[sflag:s7] =	ssyncadd.s32 $0xFFFF63C0  }
0x87: {  	[tilespmem:s8], [sflag:$0x2] =	stream.indirect.gather [hbm4b:s2+s5], $0x10, s23, s5, $0xb8;
	[tilespmem:$0x14C80] =	vst v63  }
0x88: {  	s26 =	sld [smem:$0x7F7]  }
0x89: {  	[tilespmem:s24], [sflag:$0x2] =	stream.indirect.gather [hbm4b:s2+s5], $0x10, s21, s5, $0xb8;
	[tilespmem:$0x14C80] =	vst v63  }
0x8a: {  	s29 =	sld [smem:$0x7F8]  }
0x8b: {  	[tilespmem:s20], [sflag:$0x2] =	stream.indirect.gather [hbm4b:s2+s5], $0x10, s18, s5, $0xb8;
	[tilespmem:$0x14C80] =	vst v63  }
0x8c: {  	s18 =	sld [smem:$0x7F9]  }
0x8d: {  	[tilespmem:s19], [sflag:$0x2] =	stream.indirect.gather [hbm4b:s2+s5], $0x10, s22, s5, $0xb8;
	[tilespmem:$0x14C80] =	vst v63  }
0x8e: {  	s19 =	sld [smem:$0x7FA]  }
0x8f: {  	[tilespmem:s26], [sflag:$0x2] =	stream.indirect.gather [hbm4b:s2+s5], $0x10, s29, s5, $0xb8;
	[tilespmem:$0x14C80] =	vst v63  }
0x90: {  	s1 =	ssub.s32 $0x2, s1;
	s22 =	sld [smem:$0x7FB]  }
0x91: {  	[tilespmem:s25], [sflag:$0x2] =	stream.indirect.gather [hbm4b:s2+s5], $0x10, s18, s5, $0xb8;
	[tilespmem:$0x14C80] =	vst v63  }
0x92: {  	s28 =	sshrl.u32 s1, $0x1;
	s29 =	sld [smem:$0x7FD]  }
0x93: {  	[tilespmem:s10], [sflag:$0x2] =	stream.indirect.gather [hbm4b:s2+s5], $0x10, s19, s5, $0xb8;
	[tilespmem:$0x14C80] =	vst v63  }
0x94: {  	s1 =	ssub.s32 s1, s28;
	s25 =	sld [smem:$0x7FC]  }
0x95: {  	[tilespmem:s0], [sflag:$0x2] =	stream.indirect.gather [hbm4b:s2+s5], $0x10, s22, s5, $0xb8;
	[tilespmem:$0x14C80] =	vst v63  }
0x96: {  	s1 =	smax.u32 s1, $0x1  }
0x97: {  	[tilespmem:s29], [sflag:$0x2] =	stream.indirect.gather [hbm4b:s2+s5], $0x10, s25, s5, $0xb8;
	[tilespmem:$0x14C80] =	vst v63  }
0x98: {  	p0 =	sne.s32 s1, $0x1;
	s21 =	simm.s32 $0xF690;
	s20 =	simm.s32 $0xE80  }
0x99: {  	[tilespmem:s21], [sflag:$0x2] =	stream.indirect.gather [hbm4b:s2+s5], $0x10, s20, s5, $0xb8;
	[tilespmem:$0x14C80] =	vst v63  }
.Ltmp0:
0x9a: {  	s30 =	simm.s32 $0xF80;
	(pc) =	sbr.rel @!p0 .LBB2_2-.Ltmp0, $4  }
0x9b: {  	s31 =	simm.s32 $0x10630;
	s23 =	simm.s32 $0xF00;
	s24 =	simm.s32 $0xFE60  }
0x9c: {  	[tilespmem:s24], [sflag:$0x2] =	stream.indirect.gather [hbm4b:s2+s5], $0x10, s23, s5, $0xb8;
	[tilespmem:$0x14C80] =	vst v63  }
0x9d: {  	s28 =	simm.s32 $0x10630;
	s1 =	sadd.s32 $0xFFFFFFFF, s1;
	s26 =	simm.s32 $0xF80  }
0x9e: {  	[tilespmem:s28], [sflag:$0x2] =	stream.indirect.gather [hbm4b:s2+s5], $0x10, s26, s5, $0xb8;
	[tilespmem:$0x14C80] =	vst v63  }
.LBB2_1:
0x9f: {  	s0 =	simm.s32 $0x1000;
	s9 =	simm.s32 $0x10E00  }
0xa0: {  	[tilespmem:s9], [sflag:$0x2] =	stream.indirect.gather [hbm4b:s2+s5], $0x10, s0, s5, $0xb8;
	[tilespmem:$0x14C80] =	vst v63  }
0xa1: {  	s10 =	simm.s32 $0x1080;
	s11 =	simm.s32 $0x115D0  }
0xa2: {  	[tilespmem:s11], [sflag:$0x2] =	stream.indirect.gather [hbm4b:s2+s5], $0x10, s10, s5, $0xb8;
	[tilespmem:$0x14C80] =	vst v63  }
0xa3: {  	s12 =	simm.s32 $0x1100;
	s13 =	simm.s32 $0x11DA0  }
0xa4: {  	[tilespmem:s13], [sflag:$0x2] =	stream.indirect.gather [hbm4b:s2+s5], $0x10, s12, s5, $0xb8;
	[tilespmem:$0x14C80] =	vst v63  }
0xa5: {  	s14 =	simm.s32 $0x1180;
	s15 =	simm.s32 $0x12570  }
0xa6: {  	[tilespmem:s15], [sflag:$0x2] =	stream.indirect.gather [hbm4b:s2+s5], $0x10, s14, s5, $0xb8;
	[tilespmem:$0x14C80] =	vst v63  }
0xa7: {  	s16 =	simm.s32 $0x1200;
	s17 =	simm.s32 $0x12D40  }
0xa8: {  	[tilespmem:s17], [sflag:$0x2] =	stream.indirect.gather [hbm4b:s2+s5], $0x10, s16, s5, $0xb8;
	[tilespmem:$0x14C80] =	vst v63  }
0xa9: {  	s18 =	simm.s32 $0x1280;
	s19 =	simm.s32 $0x13510  }
0xaa: {  	[tilespmem:s19], [sflag:$0x2] =	stream.indirect.gather [hbm4b:s2+s5], $0x10, s18, s5, $0xb8;
	[tilespmem:$0x14C80] =	vst v63  }
0xab: {  	s21 =	simm.s32 $0x1300;
	s10 =	simm.s32 $0x13CE0  }
0xac: {  	[tilespmem:s10], [sflag:$0x2] =	stream.indirect.gather [hbm4b:s2+s5], $0x10, s21, s5, $0xb8;
	[tilespmem:$0x14C80] =	vst v63  }
0xad: {  	s22 =	simm.s32 $0x1380;
	s23 =	simm.s32 $0x144B0  }
0xae: {  	[tilespmem:s23], [sflag:$0x2] =	stream.indirect.gather [hbm4b:s2+s5], $0x10, s22, s5, $0xb8;
	[tilespmem:$0x14C80] =	vst v63  }
0xaf: {  	s20 =	rddreg [dreg:$0x4]  }
0xb0: {  	[hbm4b:s20+s3] =	stream.linear.scatter [tilespmem:s6], [sflag:$0x1], $0x9C40, $0x38;
	[tilespmem:$0x14C80] =	vst v63  }
0xb1: {  	_ =	swait.ge [sflag:s7], $0x9C40  }
0xb2: {  	[sflag:s7] =	ssyncset.done $0x0  }
0xb3: {  	s24 =	rddreg [dreg:$0x5];
	[sflag:s7] =	ssyncadd.s32 $0xFFFF63C0  }
0xb4: {  	[hbm4b:s24+s3] =	stream.linear.scatter [tilespmem:s8], [sflag:$0x1], $0x9C40, $0x38;
	[tilespmem:$0x14C80] =	vst v63  }
0xb5: {  	_ =	swait.ge [sflag:s4], $0x9C40  }
0xb6: {  	[sflag:s4] =	ssyncset.done $0x0  }
0xb7: {  	[sflag:s4] =	ssyncadd.s32 $0xFFFF63C0  }
0xb8: {  	_ =	swait.ge [sflag:s4], $0x9C40  }
0xb9: {  	[sflag:s4] =	ssyncset.done $0x0  }
0xba: {  	s25 =	rddreg [dreg:$0x3];
	[sflag:s4] =	ssyncadd.s32 $0xFFFF63C0  }
0xbb: {  	[tilespmem:s3], [sflag:$0x1] =	stream.linear.gather [hbm4b:s25+s3], $0x1400, $0x38;
	[tilespmem:$0x14C80] =	vst v63  }
0xbc: {  	_ =	swait.ge [sflag:s4], $0x1400  }
0xbd: {  	s11 =	rddreg [dreg:$0x12]  }
0xbe: {  	s12 =	rddreg [dreg:$0x13]  }
0xbf: {  	s14 =	rddreg [dreg:$0x10]  }
0xc0: {  	s0 =	sld [smem:$0x7E1]  }
0xc1: {  	s15 =	rddreg [dreg:$0xe]  }
0xc2: {  	s9 =	sld [smem:$0x7E2]  }
0xc3: {  	s16 =	rddreg [dreg:$0xf]  }
0xc4: {  	s10 =	rddreg [dreg:$0x1d]  }
0xc5: {  	s17 =	rddreg [dreg:$0xc]  }
0xc6: {  	s13 =	rddreg [dreg:$0x19]  }
0xc7: {  	s18 =	rddreg [dreg:$0xb]  }
0xc8: {  	s19 =	rddreg [dreg:$0x15]  }
0xc9: {  	s20 =	rddreg [dreg:$0x11]  }
0xca: {  	s21 =	rddreg [dreg:$0xd]  }
0xcb: {  	s22 =	rddreg [dreg:$0xa]  }
0xcc: {  	s23 =	rddreg [dreg:$0x8]  }
0xcd: {  	s24 =	rddreg [dreg:$0x9]  }
0xce: {  	s25 =	rddreg [dreg:$0x6]  }
0xcf: {  	[sflag:s4] =	ssyncset.done $0x0;
	s26 =	rddreg [dreg:$0x7]  }
0xd0: {  	s28 =	rddreg [dreg:$0x14];
	[sflag:s4] =	ssyncadd.s32 $0xFFFFEC00  }
0xd1: {  	[tilespmem:s6], [sflag:$0x2] =	stream.indirect.gather [hbm4b:s2+s5], $0x10, s3, s5, $0xb8;
	[tilespmem:$0x14C80] =	vst v63  }
0xd2: {  	s29 =	rddreg [dreg:$0x17]  }
0xd3: {  	[tilespmem:s26], [sflag:$0x2] =	stream.indirect.gather [hbm4b:s2+s5], $0x10, s25, s5, $0xb8;
	[tilespmem:$0x14C80] =	vst v63  }
0xd4: {  	s25 =	rddreg [dreg:$0x16]  }
0xd5: {  	[tilespmem:s24], [sflag:$0x2] =	stream.indirect.gather [hbm4b:s2+s5], $0x10, s23, s5, $0xb8;
	[tilespmem:$0x14C80] =	vst v63  }
0xd6: {  	s26 =	rddreg [dreg:$0x18]  }
0xd7: {  	[tilespmem:s18], [sflag:$0x2] =	stream.indirect.gather [hbm4b:s2+s5], $0x10, s22, s5, $0xb8;
	[tilespmem:$0x14C80] =	vst v63  }
0xd8: {  	s24 =	sld [smem:$0x7E3]  }
0xd9: {  	[tilespmem:s21], [sflag:$0x2] =	stream.indirect.gather [hbm4b:s2+s5], $0x10, s17, s5, $0xb8;
	[tilespmem:$0x14C80] =	vst v63  }
0xda: {  	s18 =	rddreg [dreg:$0x1b]  }
0xdb: {  	[tilespmem:s16], [sflag:$0x2] =	stream.indirect.gather [hbm4b:s2+s5], $0x10, s15, s5, $0xb8;
	[tilespmem:$0x14C80] =	vst v63  }
0xdc: {  	s22 =	rddreg [dreg:$0x1e]  }
0xdd: {  	[tilespmem:s20], [sflag:$0x2] =	stream.indirect.gather [hbm4b:s2+s5], $0x10, s14, s5, $0xb8;
	[tilespmem:$0x14C80] =	vst v63  }
0xde: {  	s17 =	rddreg [dreg:$0x1a]  }
0xdf: {  	[tilespmem:s12], [sflag:$0x2] =	stream.indirect.gather [hbm4b:s2+s5], $0x10, s11, s5, $0xb8;
	[tilespmem:$0x14C80] =	vst v63  }
0xe0: {  	s21 =	rddreg [dreg:$0x1f]  }
0xe1: {  	[tilespmem:s19], [sflag:$0x2] =	stream.indirect.gather [hbm4b:s2+s5], $0x10, s28, s5, $0xb8;
	[tilespmem:$0x14C80] =	vst v63  }
0xe2: {  	s16 =	rddreg [dreg:$0x1c]  }
0xe3: {  	[tilespmem:s29], [sflag:$0x2] =	stream.indirect.gather [hbm4b:s2+s5], $0x10, s25, s5, $0xb8;
	[tilespmem:$0x14C80] =	vst v63  }
0xe4: {  	s15 =	sld [smem:$0x7E9]  }
0xe5: {  	[tilespmem:s13], [sflag:$0x2] =	stream.indirect.gather [hbm4b:s2+s5], $0x10, s26, s5, $0xb8;
	[tilespmem:$0x14C80] =	vst v63  }
0xe6: {  	s14 =	sld [smem:$0x7E8]  }
0xe7: {  	[tilespmem:s18], [sflag:$0x2] =	stream.indirect.gather [hbm4b:s2+s5], $0x10, s17, s5, $0xb8;
	[tilespmem:$0x14C80] =	vst v63  }
0xe8: {  	s20 =	sld [smem:$0x7EC]  }
0xe9: {  	[tilespmem:s10], [sflag:$0x2] =	stream.indirect.gather [hbm4b:s2+s5], $0x10, s16, s5, $0xb8;
	[tilespmem:$0x14C80] =	vst v63  }
0xea: {  	s25 =	sld [smem:$0x7E4]  }
0xeb: {  	[tilespmem:s21], [sflag:$0x2] =	stream.indirect.gather [hbm4b:s2+s5], $0x10, s22, s5, $0xb8;
	[tilespmem:$0x14C80] =	vst v63  }
0xec: {  	s26 =	sld [smem:$0x7E5]  }
0xed: {  	[tilespmem:s9], [sflag:$0x2] =	stream.indirect.gather [hbm4b:s2+s5], $0x10, s24, s5, $0xb8;
	[tilespmem:$0x14C80] =	vst v63  }
0xee: {  	s28 =	sld [smem:$0x7E6]  }
0xef: {  	[tilespmem:s25], [sflag:$0x2] =	stream.indirect.gather [hbm4b:s2+s5], $0x10, s26, s5, $0xb8;
	[tilespmem:$0x14C80] =	vst v63  }
0xf0: {  	s29 =	sld [smem:$0x7E7]  }
0xf1: {  	[tilespmem:s0], [sflag:$0x2] =	stream.indirect.gather [hbm4b:s2+s5], $0x10, s28, s5, $0xb8;
	[tilespmem:$0x14C80] =	vst v63  }
0xf2: {  	s18 =	sld [smem:$0x7EA]  }
0xf3: {  	[tilespmem:s29], [sflag:$0x2] =	stream.indirect.gather [hbm4b:s2+s5], $0x10, s14, s5, $0xb8;
	[tilespmem:$0x14C80] =	vst v63  }
0xf4: {  	s19 =	sld [smem:$0x7EB]  }
0xf5: {  	[tilespmem:s18], [sflag:$0x2] =	stream.indirect.gather [hbm4b:s2+s5], $0x10, s15, s5, $0xb8;
	[tilespmem:$0x14C80] =	vst v63  }
0xf6: {  	_ = 	snop  }
0xf7: {  	[tilespmem:s20], [sflag:$0x2] =	stream.indirect.gather [hbm4b:s2+s5], $0x10, s19, s5, $0xb8;
	[tilespmem:$0x14C80] =	vst v63  }
0xf8: {  	_ =	swait.ge [sflag:s7], $0x9C40  }
0xf9: {  	s0 =	sld [smem:$0x7ED]  }
0xfa: {  	s21 =	sld [smem:$0x7EE]  }
0xfb: {  	s10 =	sld [smem:$0x7EF]  }
0xfc: {  	s22 =	sld [smem:$0x7F0]  }
0xfd: {  	s23 =	sld [smem:$0x7F1]  }
0xfe: {  	s24 =	sld [smem:$0x7F2]  }
0xff: {  	s25 =	sld [smem:$0x7F3]  }
0x100: {  	s26 =	sld [smem:$0x7F4]  }
0x101: {  	[sflag:s7] =	ssyncset.done $0x0;
	s28 =	sld [smem:$0x7F5]  }
0x102: {  	s29 =	sld [smem:$0x7F6];
	[sflag:s7] =	ssyncadd.s32 $0xFFFF63C0  }
0x103: {  	[tilespmem:s8], [sflag:$0x2] =	stream.indirect.gather [hbm4b:s2+s5], $0x10, s26, s5, $0xb8;
	[tilespmem:$0x14C80] =	vst v63  }
0x104: {  	s18 =	sld [smem:$0x7F7]  }
0x105: {  	[tilespmem:s28], [sflag:$0x2] =	stream.indirect.gather [hbm4b:s2+s5], $0x10, s24, s5, $0xb8;
	[tilespmem:$0x14C80] =	vst v63  }
0x106: {  	s19 =	sld [smem:$0x7F8]  }
0x107: {  	[tilespmem:s23], [sflag:$0x2] =	stream.indirect.gather [hbm4b:s2+s5], $0x10, s21, s5, $0xb8;
	[tilespmem:$0x14C80] =	vst v63  }
0x108: {  	s20 =	sld [smem:$0x7F9]  }
0x109: {  	[tilespmem:s22], [sflag:$0x2] =	stream.indirect.gather [hbm4b:s2+s5], $0x10, s25, s5, $0xb8;
	[tilespmem:$0x14C80] =	vst v63  }
0x10a: {  	s24 =	sld [smem:$0x7FD]  }
0x10b: {  	[tilespmem:s18], [sflag:$0x2] =	stream.indirect.gather [hbm4b:s2+s5], $0x10, s19, s5, $0xb8;
	[tilespmem:$0x14C80] =	vst v63  }
0x10c: {  	s21 =	sld [smem:$0x7FA]  }
0x10d: {  	[tilespmem:s29], [sflag:$0x2] =	stream.indirect.gather [hbm4b:s2+s5], $0x10, s20, s5, $0xb8;
	[tilespmem:$0x14C80] =	vst v63  }
0x10e: {  	s22 =	sld [smem:$0x7FB]  }
0x10f: {  	[tilespmem:s10], [sflag:$0x2] =	stream.indirect.gather [hbm4b:s2+s5], $0x10, s21, s5, $0xb8;
	[tilespmem:$0x14C80] =	vst v63  }
0x110: {  	s23 =	sld [smem:$0x7FC]  }
0x111: {  	[tilespmem:s0], [sflag:$0x2] =	stream.indirect.gather [hbm4b:s2+s5], $0x10, s22, s5, $0xb8;
	[tilespmem:$0x14C80] =	vst v63  }
0x112: {  	_ = 	snop  }
0x113: {  	[tilespmem:s24], [sflag:$0x2] =	stream.indirect.gather [hbm4b:s2+s5], $0x10, s23, s5, $0xb8;
	[tilespmem:$0x14C80] =	vst v63  }
0x114: {  	p0 =	sne.s32 s1, $0x1;
	s26 =	simm.s32 $0xF690;
	s25 =	simm.s32 $0xE80  }
0x115: {  	[tilespmem:s26], [sflag:$0x2] =	stream.indirect.gather [hbm4b:s2+s5], $0x10, s25, s5, $0xb8;
	[tilespmem:$0x14C80] =	vst v63  }
.Ltmp1:
0x116: {  	_ = 	snop;
	(pc) =	sbr.rel @p0 .LBB2_1-.Ltmp1, $4  }
0x117: {  	s28 =	simm.s32 $0xF00;
	s29 =	simm.s32 $0xFE60  }
0x118: {  	[tilespmem:s29], [sflag:$0x2] =	stream.indirect.gather [hbm4b:s2+s5], $0x10, s28, s5, $0xb8;
	[tilespmem:$0x14C80] =	vst v63  }
0x119: {  	s1 =	sadd.s32 $0xFFFFFFFF, s1  }
0x11a: {  	[tilespmem:s31], [sflag:$0x2] =	stream.indirect.gather [hbm4b:s2+s5], $0x10, s30, s5, $0xb8;
	[tilespmem:$0x14C80] =	vst v63  }
.LBB2_2:
0x11b: {  	s0 =	simm.s32 $0x1000;
	s1 =	simm.s32 $0x10E00  }
0x11c: {  	[tilespmem:s1], [sflag:$0x2] =	stream.indirect.gather [hbm4b:s2+s5], $0x10, s0, s5, $0xb8;
	[tilespmem:$0x14C80] =	vst v63  }
0x11d: {  	s15 =	simm.s32 $0x1080;
	s16 =	simm.s32 $0x115D0  }
0x11e: {  	[tilespmem:s16], [sflag:$0x2] =	stream.indirect.gather [hbm4b:s2+s5], $0x10, s15, s5, $0xb8;
	[tilespmem:$0x14C80] =	vst v63  }
0x11f: {  	s17 =	simm.s32 $0x1100;
	s18 =	simm.s32 $0x11DA0  }
0x120: {  	[tilespmem:s18], [sflag:$0x2] =	stream.indirect.gather [hbm4b:s2+s5], $0x10, s17, s5, $0xb8;
	[tilespmem:$0x14C80] =	vst v63  }
0x121: {  	s19 =	simm.s32 $0x1180;
	s20 =	simm.s32 $0x12570  }
0x122: {  	[tilespmem:s20], [sflag:$0x2] =	stream.indirect.gather [hbm4b:s2+s5], $0x10, s19, s5, $0xb8;
	[tilespmem:$0x14C80] =	vst v63  }
0x123: {  	s21 =	simm.s32 $0x1200;
	s22 =	simm.s32 $0x12D40  }
0x124: {  	[tilespmem:s22], [sflag:$0x2] =	stream.indirect.gather [hbm4b:s2+s5], $0x10, s21, s5, $0xb8;
	[tilespmem:$0x14C80] =	vst v63  }
0x125: {  	s23 =	simm.s32 $0x1280;
	s24 =	simm.s32 $0x13510  }
0x126: {  	[tilespmem:s24], [sflag:$0x2] =	stream.indirect.gather [hbm4b:s2+s5], $0x10, s23, s5, $0xb8;
	[tilespmem:$0x14C80] =	vst v63  }
0x127: {  	s25 =	simm.s32 $0x1300;
	s26 =	simm.s32 $0x13CE0  }
0x128: {  	[tilespmem:s26], [sflag:$0x2] =	stream.indirect.gather [hbm4b:s2+s5], $0x10, s25, s5, $0xb8;
	[tilespmem:$0x14C80] =	vst v63  }
0x129: {  	s29 =	simm.s32 $0x1380;
	s9 =	simm.s32 $0x144B0  }
0x12a: {  	[tilespmem:s9], [sflag:$0x2] =	stream.indirect.gather [hbm4b:s2+s5], $0x10, s29, s5, $0xb8;
	[tilespmem:$0x14C80] =	vst v63  }
0x12b: {  	s28 =	rddreg [dreg:$0x4]  }
0x12c: {  	[hbm4b:s28+s3] =	stream.linear.scatter [tilespmem:s6], [sflag:$0x1], $0x9C40, $0x38;
	[tilespmem:$0x14C80] =	vst v63  }
0x12d: {  	_ =	swait.ge [sflag:s7], $0x9C40  }
0x12e: {  	[sflag:s7] =	ssyncset.done $0x0  }
0x12f: {  	s30 =	rddreg [dreg:$0x5];
	[sflag:s7] =	ssyncadd.s32 $0xFFFF63C0  }
0x130: {  	[hbm4b:s30+s3] =	stream.linear.scatter [tilespmem:s8], [sflag:$0x1], $0x9C40, $0x38;
	[tilespmem:$0x14C80] =	vst v63  }
0x131: {  	_ =	swait.ge [sflag:s4], $0x9C40  }
0x132: {  	[sflag:s4] =	ssyncset.done $0x0  }
0x133: {  	[sflag:s4] =	ssyncadd.s32 $0xFFFF63C0  }
0x134: {  	_ =	swait.ge [sflag:s4], $0x9C40  }
0x135: {  	[sflag:s4] =	ssyncset.done $0x0  }
0x136: {  	[sflag:s4] =	ssyncadd.s32 $0xFFFF63C0  }
0x137: {  	_ =	sfence.sel $0x180000  }
0x138: {  	[bflag:$0x0] =	sbarrier.arrive $0xFFFF  }
0x139: {  	_ =	strace $0x90000047  }
0x13a: {  	s31 =	stileid.u32;
	[bflag:$0x2] =	sbarrier.arrive $0xFFFF  }
0x13b: {  	p0 =	sne.s32 s31, $0x0;
	s0 =	rddreg [dreg:$0x2]  }
0x13c: {  	s0 =	sadd.s32 @!p0 $0x100000, s0  }
0x13d: {  	[sflag:s0] =	ssyncadd.tile.s32 @!p0 $0x1;
	_ =	shalt  }
.Lfunc_end2:
_tile_overlayer_lowered:
.L_overlay_start_2:
0x13e: {  	(tag) =	ssettag $0x2  }
0x13f: {  	s0 =	rddreg [dreg:$0x0];
	s2 =	stileid.u32  }
0x140: {  	s1 =	rddreg [dreg:$0x1];
	p0 =	sne.s32 s2, $0x0  }
0x141: {  	s3 =	rddreg [dreg:$0x2];
	[bflag:$0x3] =	sbarrier.arrive $0xFFFF;
	s2 =	simm.s32 @!p0 $0x1C03  }
0x142: {  	[timem:s3], [sflag:s2] =	dma.local @!p0 [hbm:s0], s1  }
0x143: {  	s0 =	simm.s32 @!p0 $0x3  }
0x144: {  	_ =	swait.ge @!p0 [sflag:s0], s1  }
0x145: {  	s1 =	ssub.s32 @!p0 $0x0, s1;
	[sflag:s0] =	ssyncset.done @!p0 $0x0  }
0x146: {  	[sflag:s0] =	ssyncadd.s32 @!p0 s1  }
0x147: {  	[bflag:$0x3] =	sbarrier.arrive $0xFFFF  }
0x148: {  	_ =	shalt  }

// kernel: kernel.22.cloned.1.call-start
scs
__scs_entry_jumppad:
0x0: {  	(pc) =	sbr.rel $0x88, $3  }
0x1: {  	(tag) =	ssettag $0x0;
	lr =	simm.s32 $0x1  }
0x2: {  	[smem:$0x3F80] =	sst lr;
	_ =	strace $0xD0000000  }
0x3: {  	_ = 	snop  }
0x4: {  	_ = 	snop  }
0x5: {  	_ = 	snop  }
0x6: {  	_ = 	snop  }
0x7: {  	_ = 	snop  }
__scs_overlays_trampoline_lowered:
0x8: {  	[smem:$0x3F8F] =	sst s0  }
0x9: {  	[smem:$0x3F90] =	sst s1  }
0xa: {  	[smem:$0x3F91] =	sst s2  }
0xb: {  	[smem:$0x3F92] =	sst s3  }
0xc: {  	[smem:$0x3F93] =	sst s4  }
0xd: {  	[smem:$0x3F94] =	sst s5  }
0xe: {  	[smem:$0x3F95] =	sst s6  }
0xf: {  	[smem:$0x3F96] =	sst s7  }
0x10: {  	[smem:$0x3F97] =	sst s8  }
0x11: {  	[smem:$0x3F98] =	sst s9;
	s0 =	simm.s32 @!p0 $0x0  }
0x12: {  	s1 =	sld [smem:$0x3F7E];
	s0 =	simm.s32 @p0 $0x1  }
0x13: {  	[smem:$0x3F99] =	sst s0;
	s0 =	simm.s32 @!p1 $0x0  }
0x14: {  	s2 =	sld [smem:$0x3F7D];
	s0 =	simm.s32 @p1 $0x1  }
0x15: {  	[smem:$0x3F9A] =	sst s0;
	s0 =	simm.s32 @!p2 $0x0  }
0x16: {  	s3 =	sld [smem:$0x3FDB];
	s0 =	simm.s32 @p2 $0x1  }
0x17: {  	s4 =	simm.s32 $0x1BF5;
	[smem:$0x3F9C] =	sst s0  }
0x18: {  	s0 =	sld [smem:$0x3F7F];
	_ =	swait.ge [sflag:s4], $0x0  }
0x19: {  	s7 =	sld [smem:$0x3F80]  }
0x1a: {  	s8 =	sadd.s32 $0xFFFFE003, lr  }
0x1b: {  	s9 =	sadd.s32 $0xFFFFFEF7, lr;
	s5 =	simm.s32 $0xFFFFFFFF;
	p2 =	slt.u32 s8, $0xFFFFF086  }
0x1c: {  	p1 =	slt.u32 s9, $0xF7A;
	s5 =	simm.s32 @!p2 $0x0  }
0x1d: {  	s5 =	simm.s32 @p1 $0x1;
	p0 =	seq.s32 s7, s2  }
0x1e: {  	s7 =	smul.u32 @!p0 $0xF7A, s2;
	p2 =	seq.s32 @!p0 s5, $0x0  }
0x1f: {  	s9 =	smul.u32 $0xF7A, s1;
	s8 =	simm.s32 @!p0 $0x1BF5;
	p2 =	por !p2, p0  }
0x20: {  	[sflag:s8] =	ssyncset.s32 @!p0 $0xFFFFF086;
	s6 =	sadd.s32 @!p0 s3, s7;
	s7 =	simm.s32 @!p0 $0x108  }
0x21: {  	s3 =	sadd.s32 s3, s9;
	s6 =	sadd.s32 @!p0 $0x88, s6;
	s7 =	simm.s32 @p2 $0x1082  }
0x22: {  	[simem:s7], [sflag:s8] =	dma.local @!p0 [hbm:s6], $0xF7A  }
0x23: {  	s9 =	sor.u32 $0xD0000000, s2;
	s6 =	simm.s32 $0x108;
	_ =	swait.ge @!p0 [sflag:s8], $0x0  }
0x24: {  	s3 =	sadd.s32 $0x88, s3;
	s6 =	simm.s32 @!p1 $0x1082;
	[sflag:s4] =	ssyncset.s32 $0xFFFFF086  }
0x25: {  	[simem:s6], [sflag:s4] =	dma.local [hbm:s3], $0xF7A  }
0x26: {  	[smem:$0x3F80] =	sst s1;
	(tag) =	ssettag s2;
	_ =	strace s9  }
0x27: {  	s1 =	sld [smem:$0x3F90]  }
0x28: {  	s2 =	sld [smem:$0x3F91]  }
0x29: {  	s4 =	sld [smem:$0x3F93]  }
0x2a: {  	p0 =	seq.s32 s5, $0x0;
	s5 =	sld [smem:$0x3F94]  }
0x2b: {  	s6 =	sld [smem:$0x3F95]  }
0x2c: {  	s7 =	sld [smem:$0x3F96]  }
0x2d: {  	s3 =	simm.s32 $0x108;
	s8 =	sld [smem:$0x3F97]  }
0x2e: {  	s3 =	simm.s32 @!p0 $0x1082;
	s9 =	sld [smem:$0x3F98]  }
0x2f: {  	lr =	sadd.s32 s0, s3;
	s0 =	sld [smem:$0x3F8F]  }
0x30: {  	s3 =	sld [smem:$0x3F92]  }
0x31: {  	[smem:$0x3F9B] =	sst s10  }
0x32: {  	s10 =	sld [smem:$0x3F99];
	_ =	sdelay $0x3  }
0x33: {  	p0 =	seq.s32 s10, $0x1;
	s10 =	sld [smem:$0x3F9B];
	_ =	sdelay $0x3  }
0x34: {  	[smem:$0x3F9B] =	sst s10  }
0x35: {  	s10 =	sld [smem:$0x3F9A];
	_ =	sdelay $0x3  }
0x36: {  	p1 =	seq.s32 s10, $0x1;
	s10 =	sld [smem:$0x3F9B];
	_ =	sdelay $0x3  }
0x37: {  	[smem:$0x3F9B] =	sst s10  }
0x38: {  	s10 =	sld [smem:$0x3F9C]  }
0x39: {  	_ = 	snop;
	(pc) =	sbr.ind lr, $3  }
0x3a: {  	_ = 	snop  }
0x3b: {  	_ = 	snop  }
0x3c: {  	p2 =	seq.s32 s10, $0x1;
	s10 =	sld [smem:$0x3F9B]  }
0x3d: {  	_ =	shalt  }
0x3e: {  	_ =	shalt  }
0x3f: {  	_ =	shalt  }
0x40: {  	_ =	shalt  }
0x41: {  	_ =	shalt  }
0x42: {  	_ =	shalt  }
0x43: {  	_ =	shalt  }
0x44: {  	_ =	shalt  }
0x45: {  	_ =	shalt  }
0x46: {  	_ =	shalt  }
0x47: {  	_ =	shalt  }
0x48: {  	_ =	shalt  }
0x49: {  	_ =	shalt  }
0x4a: {  	_ =	shalt  }
0x4b: {  	_ =	shalt  }
0x4c: {  	_ =	shalt  }
0x4d: {  	_ =	shalt  }
0x4e: {  	_ =	shalt  }
0x4f: {  	_ =	shalt  }
0x50: {  	_ =	shalt  }
0x51: {  	_ =	shalt  }
0x52: {  	_ =	shalt  }
0x53: {  	_ =	shalt  }
0x54: {  	_ =	shalt  }
0x55: {  	_ =	shalt  }
0x56: {  	_ =	shalt  }
0x57: {  	_ =	shalt  }
0x58: {  	_ =	shalt  }
0x59: {  	_ =	shalt  }
0x5a: {  	_ =	shalt  }
0x5b: {  	_ =	shalt  }
0x5c: {  	_ =	shalt  }
0x5d: {  	_ =	shalt  }
0x5e: {  	_ =	shalt  }
0x5f: {  	_ =	shalt  }
0x60: {  	_ =	shalt  }
0x61: {  	_ =	shalt  }
0x62: {  	_ =	shalt  }
0x63: {  	_ =	shalt  }
0x64: {  	_ =	shalt  }
0x65: {  	_ =	shalt  }
0x66: {  	_ =	shalt  }
0x67: {  	_ =	shalt  }
0x68: {  	_ =	shalt  }
0x69: {  	_ =	shalt  }
0x6a: {  	_ =	shalt  }
0x6b: {  	_ =	shalt  }
0x6c: {  	_ =	shalt  }
0x6d: {  	_ =	shalt  }
0x6e: {  	_ =	shalt  }
0x6f: {  	_ =	shalt  }
0x70: {  	_ =	shalt  }
0x71: {  	_ =	shalt  }
0x72: {  	_ =	shalt  }
0x73: {  	_ =	shalt  }
0x74: {  	_ =	shalt  }
0x75: {  	_ =	shalt  }
0x76: {  	_ =	shalt  }
0x77: {  	_ =	shalt  }
0x78: {  	_ =	shalt  }
0x79: {  	_ =	shalt  }
0x7a: {  	_ =	shalt  }
0x7b: {  	_ =	shalt  }
0x7c: {  	_ =	shalt  }
0x7d: {  	_ =	shalt  }
0x7e: {  	_ =	shalt  }
0x7f: {  	_ =	shalt  }
0x80: {  	_ =	shalt  }
0x81: {  	_ =	shalt  }
0x82: {  	_ =	shalt  }
0x83: {  	_ =	shalt  }
0x84: {  	_ =	shalt  }
0x85: {  	_ =	shalt  }
0x86: {  	_ =	shalt  }
0x87: {  	_ =	shalt  }
.Lfunc_end0:
.L_simem_size_0:
called_computation.2_lowered:
.L_overlay_start_0:
0x88: {  	s2 =	sld [smem:$0x3FD9]  }
0x89: {  	s3 =	sld [smem:$0x3FFE];
	_ =	sdelay $0x1  }
0x8a: {  	s1 =	srdreg.scid  }
0x8b: {  	s0 =	sand.u32 $0x1, s1  }
0x8c: {  	s17 =	sshll.u32 s0, $0xA;
	s2 =	sadd.s32 s3, s2  }
0x8d: {  	s2 =	sadd.s32 s2, s17  }
0x8e: {  	[smem:$0x3FA7] =	sst s2  }
0x8f: {  	_ = 	snop  }
0x90: {  	(tm) =	ssettm $0x1  }
0x91: {  	s18 =	sld [smem:$0x3FFB];
	_ =	sdelay $0x3  }
0x92: {  	_ =	strace s18  }
0x93: {  	s2 =	sld [smem:$0x3FFC];
	_ =	sdelay $0x3  }
0x94: {  	_ =	strace s2  }
0x95: {  	s2 =	sld [smem:$0x3FFD];
	_ =	sdelay $0x3  }
0x96: {  	_ =	strace s2  }
0x97: {  	_ =	strace $0x8FFFFFFF  }
0x98: {  	s19 =	sld [smem:$0x3FDB];
	_ =	sdelay $0x1  }
0x99: {  	s20 =	simm.s32 $_scs_section_size  }
0x9a: {  	s4 =	simm.s32 $_size__tile_overlayer_lowered;
	s5 =	simm.s32 $_tile_overlayer_lowered  }
0x9b: {  	s6 =	simm.s32 $0x1BFF;
	s21 =	sshll.u32 s5, $0x1;
	s3 =	sadd.s32 s20, s19  }
0x9c: {  	s22 =	simm.s32 $0x0;
	s4 =	sshll.u32 s4, $0x1;
	s5 =	sadd.s32 s21, s3  }
0x9d: {  	[timem:s22], [sflag:s6] =	dma.local [hbm:s5], s4  }
0x9e: {  	_ =	swait.ge [sflag:s6], s4  }
0x9f: {  	s4 =	ssub.s32 $0x0, s4;
	[sflag:s6] =	ssyncset.done $0x0  }
0xa0: {  	[sflag:s6] =	ssyncadd.s32 s4;
	_ =	sdelay $0x1  }
0xa1: {  	s23 =	simm.s32 $0x1B8B  }
0xa2: {  	_ =	swait.ge [sflag:s23], $0x1  }
0xa3: {  	[sflag:s23] =	ssyncset.done $0x0  }
0xa4: {  	[sflag:s23] =	ssyncadd.s32 $0xFFFFFFFF  }
0xa5: {  	s4 =	sld [smem:$0x0]  }
0xa6: {  	s5 =	sand.u32 $0xFFFFFFFE, s1  }
0xa7: {  	p0 =	sne.s32 s1, s5  }
0xa8: {  	s5 =	sshll.u32 @p0 s5, $0xE  }
0xa9: {  	s5 =	sadd.s32 @p0 $0x11B8D, s5;
	s6 =	sshll.u32 @p0 s4, $0x11  }
0xaa: {  	s5 =	sor.u32 @p0 s6, s5  }
0xab: {  	[sflag:s5] =	ssyncadd.remote.s32 @p0 $0x1;
	_ =	sdelay $0x1  }
0xac: {  	s5 =	simm.s32 @p0 $0x1B8D  }
0xad: {  	_ =	swait.eq @p0 [sflag:s5], $0x1  }
0xae: {  	[sflag:s5] =	ssyncadd.s32 @p0 $0xFFFFFFFF  }
0xaf: {  	s6 =	sshll.u32 @!p0 s1, $0xE  }
0xb0: {  	s6 =	sor.u32 @!p0 $0x4000, s6;
	s5 =	simm.s32 @!p0 $0x1B8D  }
0xb1: {  	s4 =	sshll.u32 @!p0 s4, $0x11;
	s6 =	sadd.s32 @!p0 $0x11B8D, s6;
	_ =	swait.eq @!p0 [sflag:s5], $0x1  }
0xb2: {  	s4 =	sor.u32 @!p0 s4, s6;
	[sflag:s5] =	ssyncadd.s32 @!p0 $0xFFFFFFFF  }
0xb3: {  	s25 =	simm.s32 $0x1B8E;
	s24 =	sld [smem:$0x3FFE];
	[sflag:s4] =	ssyncadd.remote.s32 @!p0 $0x1  }
0xb4: {  	s26 =	simm.s32 $execute0_lowered;
	[smem:$0x3FD2] =	sst s25  }
0xb5: {  	s5 =	sshll.u32 s26, $0x1;
	_ =	strace $0x8000004C;
	[dreg:$0x1] =	wrdreg $0xFFFFFFFF  }
0xb6: {  	s28 =	simm.s32 $_size_execute0_lowered;
	s3 =	sadd.s32 s3, s5;
	[dreg:$0x0] =	wrdreg $0x0  }
0xb7: {  	s5 =	sshll.u32 s28, $0x1;
	[dreg:$0x2] =	wrdreg s3  }
0xb8: {  	[dreg:$0x3] =	wrdreg s5  }
0xb9: {  	[dreg:$0x4] =	wrdreg $0xC0  }
0xba: {  	_ =	task [dreg:s22], $0x5FFFF  }
0xbb: {  	[dreg:$0x1] =	wrdreg $0xFFFFFFFF  }
0xbc: {  	[dreg:$0x0] =	wrdreg $0x60  }
0xbd: {  	[dreg:$0x2] =	wrdreg s24  }
0xbe: {  	[dreg:$0x3] =	wrdreg $0x14C800  }
0xbf: {  	[dreg:$0x4] =	wrdreg $0xA  }
0xc0: {  	_ =	task.clear_ibuf [dreg:s22], $0x5FFFF;
	_ =	strace $0x9000004C  }
0xc1: {  	s29 =	simm.s32 $0xA;
	_ =	strace $0x8000004E  }
0xc2: {  	_ =	swait.ge [sflag:s29], $0x1  }
0xc3: {  	[sflag:s29] =	ssyncadd.s32 $0xFFFFFFFF  }
0xc4: {  	_ =	strace $0x9000004E  }
0xc5: {  	_ =	sfence  }
0xc6: {  	s30 =	sld [smem:$0x0];
	_ =	sdelay $0x2  }
0xc7: {  	s31 =	sshll.u32 s1, $0xD;
	s1 =	sshrl.u32 s1, $0x2  }
0xc8: {  	s4 =	sand.u32 $0x4000, s31;
	s1 =	sadd.s32 s1, s30  }
0xc9: {  	s0 =	sor.u32 s4, s0;
	s1 =	sshll.u32 s1, $0x11  }
0xca: {  	s0 =	sor.u32 s1, s0  }
0xcb: {  	s0 =	sadd.s32 $0x8F2B, s0  }
0xcc: {  	[sflag:s0] =	ssyncadd.remote.s32 $0x1  }
0xcd: {  	_ =	sfence.sel $0xFFFF  }
0xce: {  	[dreg:$0x0] =	wrdreg $0xFFFFFFFF;
	(pc) =	sbr.abs _section_cstart, $3  }
0xcf: {  	[dreg:$0x1] =	wrdreg $0xFFFFFFFF  }
0xd0: {  	_ =	task.clear_ibuf [dreg:s22], $0x2FFFF;
	_ =	strace $0x9FFFFFFF  }
0xd1: {  	(tm) =	ssettm $0x7FFFFFFF  }
tec
execute0_lowered:
.L_overlay_start_1:
0x0: {  	(tag) =	ssettag $0x1  }
0x1: {  	s1 =	srdreg.scid;
	s5 =	rddreg [dreg:$0x0]  }
0x2: {  	s0 =	stileid.u32;
	s2 =	rddreg [dreg:$0x1]  }
0x3: {  	s3 =	simm.s32 $0x0;
	s15 =	simm.s32 $0x3;
	s16 =	simm.s32 $0x0  }
0x4: {  	s4 =	sand.u32 $0x1, s1;
	s28 =	sshll.u32 s0, $0x1;
	s8 =	smul.u32 $0x2710, s0  }
0x5: {  	[smem:$0x7FF] =	sst s3;
	s1 =	sor.u32 s4, s28;
	s9 =	smul.u32 $0x27100, s4  }
0x6: {  	s14 =	sshll.u32 s0, $0x6;
	s4 =	ssub.s32 $0x2, s4;
	s6 =	smul.u32 $0x2710, s1  }
0x7: {  	s7 =	smul.u32 $0x280, s1;
	s1 =	rddreg [dreg:$0x2];
	_ =	strace $0x8000004D  }
0x8: {  	s31 =	sshrl.u32 s8, $0x3;
	s11 =	sshrl.u32 s4, $0x1;
	s13 =	sadd.s32 s8, s2  }
0x9: {  	s30 =	sadd.s32 s8, s9;
	s9 =	sadd.s32 s31, s5;
	s11 =	ssub.s32 s4, s11  }
0xa: {  	s10 =	sadd.s32 s6, s5;
	s29 =	sadd.s32 s7, s5;
	s7 =	sshrl.u32 s30, $0x3  }
0xb: {  	s4 =	sadd.s32 $0x5F600, s9;
	s9 =	smax.u32 s11, $0x1;
	s11 =	simm.s32 $0x1  }
0xc: {  	s12 =	sadd.s32 s7, s5;
	s5 =	sor.u32 $0x1C01, s14;
	s6 =	sadd.s32 $0x5A600, s29  }
0xd: {  	s7 =	sadd.s32 $0xC400, s10;
	s10 =	sshrl.u32 s13, $0x3;
	s13 =	simm.s32 $0x7D  }
0xe: {  	s14 =	sor.u32 $0x1C03, s14;
	s8 =	sadd.s32 $0x6E400, s12;
	s12 =	simm.s32 $0x2  }
.LBB2_1:
0xf: {  	[spmem:s10], [sflag:s5] =	dma.local [hbm:s4], $0x4E2  }
0x10: {  	[tilespmem:s3], [sflag:$0x2] =	stream.linear.gather [hbm4b:s6+s3], $0x1400, $0x38;
	[tilespmem:$0x17390] =	vst v63  }
0x11: {  	s17 =	simm.s32 $0x1400  }
0x12: {  	[tilespmem:s17], [sflag:$0x2] =	stream.linear.gather [hbm4b:s7+s3], $0x13880, $0x38;
	[tilespmem:$0x17390] =	vst v63  }
0x13: {  	_ =	swait.ge [sflag:s11], $0x4E2  }
0x14: {  	[sflag:s11] =	ssyncset.done $0x0  }
0x15: {  	[sflag:s11] =	ssyncadd.s32 $0xFFFFFB1E  }
0x16: {  	_ =	swait.ge [sflag:s12], $0x1400  }
0x17: {  	[sflag:s12] =	ssyncset.done $0x0  }
0x18: {  	[sflag:s12] =	ssyncadd.s32 $0xFFFFEC00  }
0x19: {  	_ =	swait.ge [sflag:s12], $0x13880  }
0x1a: {  	[sflag:s12] =	ssyncset.done $0x0  }
0x1b: {  	s18 =	simm.s32 $0x200;
	[sflag:s12] =	ssyncadd.s32 $0xFFFEC780  }
0x1c: {  	s20 =	simm.s32 $0x0;
	s19 =	simm.s32 $0x1BD0;
	[bflag:$0x0] =	sbarrier.arrive $0xFFFF  }
.LBB2_2:
0x1d: {  	[spmem:s2] =	stream.indirect.scatter.add.f32 [tilespmem:s17], [sflag:$0x1], $0x10, s20, s13, $0xb8;
	[tilespmem:$0x17390] =	vst v63  }
0x1e: {  	s20 =	smov.u32 s18;
	s17 =	smov.u32 s19;
	p0 =	sne.s32 s18, $0x4E00  }
.Ltmp0:
0x1f: {  	s18 =	sadd.s32 $0x200, s18;
	(pc) =	sbr.rel @p0 .LBB2_2-.Ltmp0, $2  }
0x20: {  	_ =	sdelay $0x2  }
0x21: {  	s19 =	sadd.s32 $0x7D0, s19;
	s20 =	sshra.s32 s20, $0x2  }
0x22: {  	[spmem:s2] =	stream.indirect.scatter.add.f32 [tilespmem:s17], [sflag:$0x1], $0x10, s20, s13, $0xb8;
	[tilespmem:$0x17390] =	vst v63  }
0x23: {  	_ =	swait.ge [sflag:s11], $0x13880  }
0x24: {  	s16 =	sadd.s32 $0x1, s16;
	[sflag:s11] =	ssyncset.done $0x0  }
0x25: {  	p0 =	sne.s32 s16, s9;
	[sflag:s11] =	ssyncadd.s32 $0xFFFEC780  }
.Ltmp1:
0x26: {  	[bflag:$0x0] =	sbarrier.arrive $0xFFFF;
	(pc) =	sbr.rel @p0 .LBB2_1-.Ltmp1, $4  }
0x27: {  	[hbm:s8], [sflag:s14] =	dma.local [spmem:s10], $0x4E2  }
0x28: {  	_ =	swait.ge [sflag:s15], $0x4E2  }
0x29: {  	[sflag:s15] =	ssyncset.done $0x0  }
0x2a: {  	[sflag:s15] =	ssyncadd.s32 $0xFFFFFB1E  }
0x2b: {  	_ =	sfence.sel $0x180000  }
0x2c: {  	[bflag:$0x0] =	sbarrier.arrive $0xFFFF  }
0x2d: {  	p0 =	sne.s32 s0, $0x0;
	_ =	strace $0x9000004D  }
0x2e: {  	s0 =	sadd.s32 @!p0 $0x100000, s1;
	[bflag:$0x2] =	sbarrier.arrive $0xFFFF  }
0x2f: {  	[sflag:s0] =	ssyncadd.tile.s32 @!p0 $0x1;
	_ =	shalt  }
.Lfunc_end2:
_tile_overlayer_lowered:
.L_overlay_start_2:
0x30: {  	(tag) =	ssettag $0x2  }
0x31: {  	s0 =	rddreg [dreg:$0x0];
	s2 =	stileid.u32  }
0x32: {  	s1 =	rddreg [dreg:$0x1];
	p0 =	sne.s32 s2, $0x0  }
0x33: {  	s3 =	rddreg [dreg:$0x2];
	[bflag:$0x3] =	sbarrier.arrive $0xFFFF;
	s2 =	simm.s32 @!p0 $0x1C03  }
0x34: {  	[timem:s3], [sflag:s2] =	dma.local @!p0 [hbm:s0], s1  }
0x35: {  	s0 =	simm.s32 @!p0 $0x3  }
0x36: {  	_ =	swait.ge @!p0 [sflag:s0], s1  }
0x37: {  	s1 =	ssub.s32 @!p0 $0x0, s1;
	[sflag:s0] =	ssyncset.done @!p0 $0x0  }
0x38: {  	[sflag:s0] =	ssyncadd.s32 @!p0 s1  }
0x39: {  	[bflag:$0x3] =	sbarrier.arrive $0xFFFF  }
0x3a: {  	_ =	shalt  }

// kernel: kernel.25.cloned.1.call-start
scs
__scs_entry_jumppad:
0x0: {  	(pc) =	sbr.rel $0x88, $3  }
0x1: {  	(tag) =	ssettag $0x0;
	lr =	simm.s32 $0x1  }
0x2: {  	[smem:$0x3F80] =	sst lr;
	_ =	strace $0xD0000000  }
0x3: {  	_ = 	snop  }
0x4: {  	_ = 	snop  }
0x5: {  	_ = 	snop  }
0x6: {  	_ = 	snop  }
0x7: {  	_ = 	snop  }
__scs_overlays_trampoline_lowered:
0x8: {  	[smem:$0x3F8F] =	sst s0  }
0x9: {  	[smem:$0x3F90] =	sst s1  }
0xa: {  	[smem:$0x3F91] =	sst s2  }
0xb: {  	[smem:$0x3F92] =	sst s3  }
0xc: {  	[smem:$0x3F93] =	sst s4  }
0xd: {  	[smem:$0x3F94] =	sst s5  }
0xe: {  	[smem:$0x3F95] =	sst s6  }
0xf: {  	[smem:$0x3F96] =	sst s7  }
0x10: {  	[smem:$0x3F97] =	sst s8  }
0x11: {  	[smem:$0x3F98] =	sst s9;
	s0 =	simm.s32 @!p0 $0x0  }
0x12: {  	s1 =	sld [smem:$0x3F7E];
	s0 =	simm.s32 @p0 $0x1  }
0x13: {  	[smem:$0x3F99] =	sst s0;
	s0 =	simm.s32 @!p1 $0x0  }
0x14: {  	s2 =	sld [smem:$0x3F7D];
	s0 =	simm.s32 @p1 $0x1  }
0x15: {  	[smem:$0x3F9A] =	sst s0;
	s0 =	simm.s32 @!p2 $0x0  }
0x16: {  	s3 =	sld [smem:$0x3FDB];
	s0 =	simm.s32 @p2 $0x1  }
0x17: {  	s4 =	simm.s32 $0x1BF5;
	[smem:$0x3F9C] =	sst s0  }
0x18: {  	s0 =	sld [smem:$0x3F7F];
	_ =	swait.ge [sflag:s4], $0x0  }
0x19: {  	s7 =	sld [smem:$0x3F80]  }
0x1a: {  	s8 =	sadd.s32 $0xFFFFE003, lr  }
0x1b: {  	s9 =	sadd.s32 $0xFFFFFEF7, lr;
	s5 =	simm.s32 $0xFFFFFFFF;
	p2 =	slt.u32 s8, $0xFFFFF086  }
0x1c: {  	p1 =	slt.u32 s9, $0xF7A;
	s5 =	simm.s32 @!p2 $0x0  }
0x1d: {  	s5 =	simm.s32 @p1 $0x1;
	p0 =	seq.s32 s7, s2  }
0x1e: {  	s7 =	smul.u32 @!p0 $0xF7A, s2;
	p2 =	seq.s32 @!p0 s5, $0x0  }
0x1f: {  	s9 =	smul.u32 $0xF7A, s1;
	s8 =	simm.s32 @!p0 $0x1BF5;
	p2 =	por !p2, p0  }
0x20: {  	[sflag:s8] =	ssyncset.s32 @!p0 $0xFFFFF086;
	s6 =	sadd.s32 @!p0 s3, s7;
	s7 =	simm.s32 @!p0 $0x108  }
0x21: {  	s3 =	sadd.s32 s3, s9;
	s6 =	sadd.s32 @!p0 $0x88, s6;
	s7 =	simm.s32 @p2 $0x1082  }
0x22: {  	[simem:s7], [sflag:s8] =	dma.local @!p0 [hbm:s6], $0xF7A  }
0x23: {  	s9 =	sor.u32 $0xD0000000, s2;
	s6 =	simm.s32 $0x108;
	_ =	swait.ge @!p0 [sflag:s8], $0x0  }
0x24: {  	s3 =	sadd.s32 $0x88, s3;
	s6 =	simm.s32 @!p1 $0x1082;
	[sflag:s4] =	ssyncset.s32 $0xFFFFF086  }
0x25: {  	[simem:s6], [sflag:s4] =	dma.local [hbm:s3], $0xF7A  }
0x26: {  	[smem:$0x3F80] =	sst s1;
	(tag) =	ssettag s2;
	_ =	strace s9  }
0x27: {  	s1 =	sld [smem:$0x3F90]  }
0x28: {  	s2 =	sld [smem:$0x3F91]  }
0x29: {  	s4 =	sld [smem:$0x3F93]  }
0x2a: {  	p0 =	seq.s32 s5, $0x0;
	s5 =	sld [smem:$0x3F94]  }
0x2b: {  	s6 =	sld [smem:$0x3F95]  }
0x2c: {  	s7 =	sld [smem:$0x3F96]  }
0x2d: {  	s3 =	simm.s32 $0x108;
	s8 =	sld [smem:$0x3F97]  }
0x2e: {  	s3 =	simm.s32 @!p0 $0x1082;
	s9 =	sld [smem:$0x3F98]  }
0x2f: {  	lr =	sadd.s32 s0, s3;
	s0 =	sld [smem:$0x3F8F]  }
0x30: {  	s3 =	sld [smem:$0x3F92]  }
0x31: {  	[smem:$0x3F9B] =	sst s10  }
0x32: {  	s10 =	sld [smem:$0x3F99];
	_ =	sdelay $0x3  }
0x33: {  	p0 =	seq.s32 s10, $0x1;
	s10 =	sld [smem:$0x3F9B];
	_ =	sdelay $0x3  }
0x34: {  	[smem:$0x3F9B] =	sst s10  }
0x35: {  	s10 =	sld [smem:$0x3F9A];
	_ =	sdelay $0x3  }
0x36: {  	p1 =	seq.s32 s10, $0x1;
	s10 =	sld [smem:$0x3F9B];
	_ =	sdelay $0x3  }
0x37: {  	[smem:$0x3F9B] =	sst s10  }
0x38: {  	s10 =	sld [smem:$0x3F9C]  }
0x39: {  	_ = 	snop;
	(pc) =	sbr.ind lr, $3  }
0x3a: {  	_ = 	snop  }
0x3b: {  	_ = 	snop  }
0x3c: {  	p2 =	seq.s32 s10, $0x1;
	s10 =	sld [smem:$0x3F9B]  }
0x3d: {  	_ =	shalt  }
0x3e: {  	_ =	shalt  }
0x3f: {  	_ =	shalt  }
0x40: {  	_ =	shalt  }
0x41: {  	_ =	shalt  }
0x42: {  	_ =	shalt  }
0x43: {  	_ =	shalt  }
0x44: {  	_ =	shalt  }
0x45: {  	_ =	shalt  }
0x46: {  	_ =	shalt  }
0x47: {  	_ =	shalt  }
0x48: {  	_ =	shalt  }
0x49: {  	_ =	shalt  }
0x4a: {  	_ =	shalt  }
0x4b: {  	_ =	shalt  }
0x4c: {  	_ =	shalt  }
0x4d: {  	_ =	shalt  }
0x4e: {  	_ =	shalt  }
0x4f: {  	_ =	shalt  }
0x50: {  	_ =	shalt  }
0x51: {  	_ =	shalt  }
0x52: {  	_ =	shalt  }
0x53: {  	_ =	shalt  }
0x54: {  	_ =	shalt  }
0x55: {  	_ =	shalt  }
0x56: {  	_ =	shalt  }
0x57: {  	_ =	shalt  }
0x58: {  	_ =	shalt  }
0x59: {  	_ =	shalt  }
0x5a: {  	_ =	shalt  }
0x5b: {  	_ =	shalt  }
0x5c: {  	_ =	shalt  }
0x5d: {  	_ =	shalt  }
0x5e: {  	_ =	shalt  }
0x5f: {  	_ =	shalt  }
0x60: {  	_ =	shalt  }
0x61: {  	_ =	shalt  }
0x62: {  	_ =	shalt  }
0x63: {  	_ =	shalt  }
0x64: {  	_ =	shalt  }
0x65: {  	_ =	shalt  }
0x66: {  	_ =	shalt  }
0x67: {  	_ =	shalt  }
0x68: {  	_ =	shalt  }
0x69: {  	_ =	shalt  }
0x6a: {  	_ =	shalt  }
0x6b: {  	_ =	shalt  }
0x6c: {  	_ =	shalt  }
0x6d: {  	_ =	shalt  }
0x6e: {  	_ =	shalt  }
0x6f: {  	_ =	shalt  }
0x70: {  	_ =	shalt  }
0x71: {  	_ =	shalt  }
0x72: {  	_ =	shalt  }
0x73: {  	_ =	shalt  }
0x74: {  	_ =	shalt  }
0x75: {  	_ =	shalt  }
0x76: {  	_ =	shalt  }
0x77: {  	_ =	shalt  }
0x78: {  	_ =	shalt  }
0x79: {  	_ =	shalt  }
0x7a: {  	_ =	shalt  }
0x7b: {  	_ =	shalt  }
0x7c: {  	_ =	shalt  }
0x7d: {  	_ =	shalt  }
0x7e: {  	_ =	shalt  }
0x7f: {  	_ =	shalt  }
0x80: {  	_ =	shalt  }
0x81: {  	_ =	shalt  }
0x82: {  	_ =	shalt  }
0x83: {  	_ =	shalt  }
0x84: {  	_ =	shalt  }
0x85: {  	_ =	shalt  }
0x86: {  	_ =	shalt  }
0x87: {  	_ =	shalt  }
.Lfunc_end0:
.L_simem_size_0:
called_computation.3_lowered:
.L_overlay_start_0:
0x88: {  	s2 =	sld [smem:$0x3FD9]  }
0x89: {  	s3 =	sld [smem:$0x3FFE];
	_ =	sdelay $0x1  }
0x8a: {  	s1 =	srdreg.scid  }
0x8b: {  	s0 =	sand.u32 $0x1, s1  }
0x8c: {  	s17 =	sshll.u32 s0, $0xA;
	s2 =	sadd.s32 s3, s2  }
0x8d: {  	s2 =	sadd.s32 s2, s17  }
0x8e: {  	[smem:$0x3FA7] =	sst s2  }
0x8f: {  	_ = 	snop  }
0x90: {  	s2 =	sld [smem:$0x3FD0];
	(tm) =	ssettm $0x1  }
0x91: {  	s18 =	sld [smem:$0x3FFB];
	_ =	sdelay $0x3  }
0x92: {  	_ =	strace s18  }
0x93: {  	s3 =	sld [smem:$0x3FFC];
	_ =	sdelay $0x3  }
0x94: {  	_ =	strace s3  }
0x95: {  	s3 =	sld [smem:$0x3FFD];
	_ =	sdelay $0x3  }
0x96: {  	_ =	strace s3  }
0x97: {  	_ =	strace $0x8FFFFFFF  }
0x98: {  	s19 =	sld [smem:$0x3FDB];
	_ =	sdelay $0x1  }
0x99: {  	s4 =	simm.s32 $_scs_section_size  }
0x9a: {  	s5 =	simm.s32 $_size__tile_overlayer_lowered;
	s6 =	simm.s32 $_tile_overlayer_lowered  }
0x9b: {  	s22 =	simm.s32 $0x1BFF;
	s21 =	sshll.u32 s6, $0x1;
	s3 =	sadd.s32 s4, s19  }
0x9c: {  	s7 =	simm.s32 $0x0;
	s20 =	sshll.u32 s5, $0x1;
	s5 =	sadd.s32 s21, s3  }
0x9d: {  	[timem:s7], [sflag:s22] =	dma.local [hbm:s5], s20  }
0x9e: {  	_ =	swait.ge [sflag:s22], s20  }
0x9f: {  	s4 =	ssub.s32 $0x0, s20;
	[sflag:s22] =	ssyncset.done $0x0  }
0xa0: {  	[sflag:s22] =	ssyncadd.s32 s4;
	_ =	sdelay $0x1  }
0xa1: {  	s23 =	simm.s32 $0x1B8B  }
0xa2: {  	_ =	swait.ge [sflag:s23], $0x1  }
0xa3: {  	[sflag:s23] =	ssyncset.done $0x0  }
0xa4: {  	s25 =	simm.s32 $0x1B8E;
	s24 =	sld [smem:$0x3FFE];
	[sflag:s23] =	ssyncadd.s32 $0xFFFFFFFF  }
0xa5: {  	s26 =	simm.s32 $execute0_lowered;
	[smem:$0x3FD2] =	sst s25  }
0xa6: {  	s5 =	sshll.u32 s26, $0x1;
	_ =	strace $0x8000004F;
	[dreg:$0x1] =	wrdreg $0xFFFFFFFF  }
0xa7: {  	s28 =	simm.s32 $_size_execute0_lowered;
	s3 =	sadd.s32 s3, s5;
	[dreg:$0x0] =	wrdreg $0x0  }
0xa8: {  	s5 =	sshll.u32 s28, $0x1;
	[dreg:$0x2] =	wrdreg s3  }
0xa9: {  	[dreg:$0x3] =	wrdreg s5  }
0xaa: {  	[dreg:$0x4] =	wrdreg $0xC0  }
0xab: {  	_ =	task [dreg:s7], $0x5FFFF  }
0xac: {  	[dreg:$0x1] =	wrdreg $0xFFFFFFFF  }
0xad: {  	[dreg:$0x0] =	wrdreg $0x60  }
0xae: {  	[dreg:$0x2] =	wrdreg s2  }
0xaf: {  	[dreg:$0x3] =	wrdreg s24  }
0xb0: {  	[dreg:$0x4] =	wrdreg $0x9  }
0xb1: {  	_ =	task.clear_ibuf [dreg:s7], $0x5FFFF;
	_ =	strace $0x9000004F  }
0xb2: {  	s29 =	simm.s32 $0x9;
	_ =	strace $0x80000051  }
0xb3: {  	_ =	swait.ge [sflag:s29], $0x1  }
0xb4: {  	[sflag:s29] =	ssyncadd.s32 $0xFFFFFFFF  }
0xb5: {  	_ =	strace $0x90000051  }
0xb6: {  	_ =	sfence  }
0xb7: {  	s30 =	sld [smem:$0x0];
	_ =	sdelay $0x2  }
0xb8: {  	s31 =	sshll.u32 s1, $0xD;
	s1 =	sshrl.u32 s1, $0x2  }
0xb9: {  	s3 =	sand.u32 $0x4000, s31;
	s1 =	sadd.s32 s1, s30  }
0xba: {  	s0 =	sor.u32 s3, s0;
	s1 =	sshll.u32 s1, $0x11  }
0xbb: {  	s0 =	sor.u32 s1, s0  }
0xbc: {  	s0 =	sadd.s32 $0x8F2B, s0  }
0xbd: {  	[sflag:s0] =	ssyncadd.remote.s32 $0x1  }
0xbe: {  	_ =	sfence.sel $0xFFFF  }
0xbf: {  	[dreg:$0x0] =	wrdreg $0xFFFFFFFF;
	(pc) =	sbr.abs _section_cstart, $3  }
0xc0: {  	[dreg:$0x1] =	wrdreg $0xFFFFFFFF  }
0xc1: {  	_ =	task.clear_ibuf [dreg:s7], $0x2FFFF;
	_ =	strace $0x9FFFFFFF  }
0xc2: {  	(tm) =	ssettm $0x7FFFFFFF  }
0xc3: {  	_ =	shalt  }
tec
execute0_lowered:
.L_overlay_start_1:
0x0: {  	(tag) =	ssettag $0x1  }
0x1: {  	s3 =	stileid.u32;
	s2 =	rddreg [dreg:$0x0]  }
0x2: {  	s4 =	rddreg [dreg:$0x1];
	s15 =	sshll.u32 s3, $0x1;
	s3 =	simm.s32 $0x0  }
0x3: {  	s17 =	simm.s32 $0x80;
	[smem:$0x7FF] =	sst s3  }
0x4: {  	s18 =	simm.s32 $0x1BD0;
	_ =	strace $0x80000050;
	[dreg:$0x6] =	wrdreg s17  }
0x5: {  	s19 =	simm.s32 $0x100;
	[dreg:$0x7] =	wrdreg s18  }
0x6: {  	s20 =	simm.s32 $0x23A0;
	[dreg:$0x8] =	wrdreg s19  }
0x7: {  	s21 =	simm.s32 $0x180;
	[dreg:$0x9] =	wrdreg s20  }
0x8: {  	s22 =	simm.s32 $0x2B70;
	[dreg:$0xa] =	wrdreg s21  }
0x9: {  	s23 =	simm.s32 $0x200;
	[dreg:$0xb] =	wrdreg s22  }
0xa: {  	s24 =	simm.s32 $0x3340;
	[dreg:$0xc] =	wrdreg s23  }
0xb: {  	s25 =	simm.s32 $0x280;
	[dreg:$0xd] =	wrdreg s24  }
0xc: {  	s26 =	simm.s32 $0x3B10;
	[dreg:$0xe] =	wrdreg s25  }
0xd: {  	s28 =	simm.s32 $0x300;
	[dreg:$0xf] =	wrdreg s26  }
0xe: {  	s29 =	simm.s32 $0x42E0;
	[dreg:$0x10] =	wrdreg s28  }
0xf: {  	s7 =	simm.s32 $0x5280;
	[dreg:$0x11] =	wrdreg s29  }
0x10: {  	s8 =	simm.s32 $0x480;
	[dreg:$0x15] =	wrdreg s7  }
0x11: {  	s9 =	simm.s32 $0x5A50;
	[dreg:$0x16] =	wrdreg s8  }
0x12: {  	s10 =	simm.s32 $0x500;
	[dreg:$0x17] =	wrdreg s9  }
0x13: {  	s11 =	simm.s32 $0x6220;
	[dreg:$0x18] =	wrdreg s10  }
0x14: {  	s12 =	simm.s32 $0x580;
	[dreg:$0x19] =	wrdreg s11  }
0x15: {  	s0 =	srdreg.scid;
	s13 =	simm.s32 $0x69F0;
	[dreg:$0x1a] =	wrdreg s12  }
0x16: {  	s14 =	simm.s32 $0x600;
	s1 =	sand.u32 $0x1, s0;
	[dreg:$0x1b] =	wrdreg s13  }
0x17: {  	s0 =	sor.u32 s1, s15;
	s15 =	simm.s32 $0x71C0;
	[dreg:$0x1c] =	wrdreg s14  }
0x18: {  	[dreg:$0x1d] =	wrdreg s15;
	s17 =	simm.s32 $0x7990  }
0x19: {  	s18 =	simm.s32 $0x700;
	[dreg:$0x1f] =	wrdreg s17  }
0x1a: {  	s19 =	simm.s32 $0x8160;
	[smem:$0x7E3] =	sst s18  }
0x1b: {  	s20 =	simm.s32 $0x780;
	[smem:$0x7E2] =	sst s19  }
0x1c: {  	s21 =	simm.s32 $0x8930;
	[smem:$0x7E5] =	sst s20  }
0x1d: {  	s22 =	simm.s32 $0x800;
	[smem:$0x7E4] =	sst s21  }
0x1e: {  	s23 =	simm.s32 $0x9100;
	[smem:$0x7E6] =	sst s22  }
0x1f: {  	s24 =	simm.s32 $0x880;
	[smem:$0x7E1] =	sst s23  }
0x20: {  	s25 =	simm.s32 $0x98D0;
	[smem:$0x7E8] =	sst s24  }
0x21: {  	s26 =	simm.s32 $0x900;
	[smem:$0x7E7] =	sst s25  }
0x22: {  	s28 =	simm.s32 $0xA0A0;
	[smem:$0x7E9] =	sst s26  }
0x23: {  	s29 =	simm.s32 $0x980;
	[smem:$0x7EA] =	sst s28  }
0x24: {  	s7 =	simm.s32 $0xB810;
	[smem:$0x7EB] =	sst s29  }
0x25: {  	s8 =	simm.s32 $0xB00;
	[smem:$0x7F5] =	sst s7  }
0x26: {  	s9 =	simm.s32 $0xBFE0;
	[smem:$0x7EE] =	sst s8  }
0x27: {  	s10 =	simm.s32 $0xB80;
	[smem:$0x7F1] =	sst s9  }
0x28: {  	s11 =	simm.s32 $0xC7B0;
	[smem:$0x7F3] =	sst s10  }
0x29: {  	s12 =	simm.s32 $0xC00;
	[smem:$0x7F0] =	sst s11  }
0x2a: {  	s13 =	simm.s32 $0xCF80;
	[smem:$0x7F8] =	sst s12  }
0x2b: {  	s14 =	simm.s32 $0xC80;
	[smem:$0x7F7] =	sst s13  }
0x2c: {  	s15 =	simm.s32 $0xD750;
	[smem:$0x7F9] =	sst s14  }
0x2d: {  	[smem:$0x7F6] =	sst s15;
	s17 =	simm.s32 $0xDF20  }
0x2e: {  	s5 =	smul.u32 $0x280, s0;
	s18 =	simm.s32 $0xD80;
	[smem:$0x7EF] =	sst s17  }
0x2f: {  	s6 =	smul.u32 $0x13880, s0;
	s19 =	simm.s32 $0xE6F0;
	[smem:$0x7FB] =	sst s18  }
0x30: {  	s0 =	smul.u32 $0x2710, s0;
	s20 =	simm.s32 $0xE00;
	[smem:$0x7ED] =	sst s19  }
0x31: {  	s21 =	simm.s32 $0xEEC0;
	s5 =	sadd.s32 s5, s4;
	[smem:$0x7FC] =	sst s20  }
0x32: {  	s4 =	sadd.s32 $0xC400, s4;
	[smem:$0x7FD] =	sst s21;
	s5 =	sadd.s32 $0x7400, s5  }
0x33: {  	s6 =	sshrl.u32 s6, $0x3;
	s0 =	sadd.s32 s4, s0;
	[dreg:$0x3] =	wrdreg s5  }
0x34: {  	s4 =	sadd.s32 s4, s6;
	s6 =	simm.s32 $0x400;
	[dreg:$0x4] =	wrdreg s0  }
0x35: {  	s16 =	sadd.s32 $0x1388, s4;
	[dreg:$0x14] =	wrdreg s6  }
0x36: {  	s4 =	simm.s32 $0x380;
	[dreg:$0x5] =	wrdreg s16  }
0x37: {  	s5 =	simm.s32 $0x4AB0;
	[dreg:$0x12] =	wrdreg s4  }
0x38: {  	s6 =	simm.s32 $0xA80;
	[dreg:$0x13] =	wrdreg s5  }
0x39: {  	s16 =	simm.s32 $0x680;
	[smem:$0x7F2] =	sst s6  }
0x3a: {  	s4 =	simm.s32 $0xA870;
	[dreg:$0x1e] =	wrdreg s16  }
0x3b: {  	s5 =	simm.s32 $0xA00;
	[smem:$0x7EC] =	sst s4  }
0x3c: {  	[smem:$0x7F4] =	sst s5  }
0x3d: {  	s16 =	simm.s32 $0xD00;
	s5 =	rddreg [dreg:$0x3]  }
0x3e: {  	s4 =	simm.s32 $0x1;
	[smem:$0x7FA] =	sst s16  }
0x3f: {  	[tilespmem:s3], [sflag:$0x1] =	stream.linear.gather [hbm4b:s5+s3], $0x1400, $0x38;
	[tilespmem:$0x14C80] =	vst v63  }
0x40: {  	_ =	swait.ge [sflag:s4], $0x1400  }
0x41: {  	s0 =	rddreg [dreg:$0x12]  }
0x42: {  	s7 =	rddreg [dreg:$0x13]  }
0x43: {  	s8 =	rddreg [dreg:$0x10]  }
0x44: {  	s9 =	sld [smem:$0x7E1]  }
0x45: {  	s10 =	rddreg [dreg:$0xe]  }
0x46: {  	s11 =	sld [smem:$0x7E2]  }
0x47: {  	s12 =	rddreg [dreg:$0xf]  }
0x48: {  	s13 =	rddreg [dreg:$0x1d]  }
0x49: {  	s14 =	rddreg [dreg:$0xc]  }
0x4a: {  	s15 =	rddreg [dreg:$0x19]  }
0x4b: {  	s16 =	rddreg [dreg:$0xb]  }
0x4c: {  	s17 =	rddreg [dreg:$0x15]  }
0x4d: {  	s18 =	rddreg [dreg:$0x11]  }
0x4e: {  	s19 =	rddreg [dreg:$0xd]  }
0x4f: {  	s20 =	rddreg [dreg:$0x8]  }
0x50: {  	s21 =	rddreg [dreg:$0x6]  }
0x51: {  	s22 =	rddreg [dreg:$0x7]  }
0x52: {  	s23 =	rddreg [dreg:$0x9]  }
0x53: {  	s6 =	simm.s32 $0x1400;
	[sflag:s4] =	ssyncset.done $0x0;
	s24 =	rddreg [dreg:$0x14]  }
0x54: {  	s5 =	simm.s32 $0x7D;
	s25 =	rddreg [dreg:$0x16];
	[sflag:s4] =	ssyncadd.s32 $0xFFFFEC00  }
0x55: {  	[tilespmem:s6], [sflag:$0x2] =	stream.indirect.gather [hbm4b:s2+s5], $0x10, s3, s5, $0xb8;
	[tilespmem:$0x14C80] =	vst v63  }
0x56: {  	s26 =	rddreg [dreg:$0x18]  }
0x57: {  	[tilespmem:s22], [sflag:$0x2] =	stream.indirect.gather [hbm4b:s2+s5], $0x10, s21, s5, $0xb8;
	[tilespmem:$0x14C80] =	vst v63  }
0x58: {  	s28 =	rddreg [dreg:$0x1b]  }
0x59: {  	[tilespmem:s23], [sflag:$0x2] =	stream.indirect.gather [hbm4b:s2+s5], $0x10, s20, s5, $0xb8;
	[tilespmem:$0x14C80] =	vst v63  }
0x5a: {  	s22 =	rddreg [dreg:$0xa]  }
0x5b: {  	[tilespmem:s16], [sflag:$0x2] =	stream.indirect.gather [hbm4b:s2+s5], $0x10, s22, s5, $0xb8;
	[tilespmem:$0x14C80] =	vst v63  }
0x5c: {  	s29 =	rddreg [dreg:$0x1a]  }
0x5d: {  	[tilespmem:s19], [sflag:$0x2] =	stream.indirect.gather [hbm4b:s2+s5], $0x10, s14, s5, $0xb8;
	[tilespmem:$0x14C80] =	vst v63  }
0x5e: {  	s23 =	rddreg [dreg:$0x17]  }
0x5f: {  	[tilespmem:s12], [sflag:$0x2] =	stream.indirect.gather [hbm4b:s2+s5], $0x10, s10, s5, $0xb8;
	[tilespmem:$0x14C80] =	vst v63  }
0x60: {  	s16 =	sld [smem:$0x7EB]  }
0x61: {  	[tilespmem:s18], [sflag:$0x2] =	stream.indirect.gather [hbm4b:s2+s5], $0x10, s8, s5, $0xb8;
	[tilespmem:$0x14C80] =	vst v63  }
0x62: {  	s19 =	rddreg [dreg:$0x1e]  }
0x63: {  	[tilespmem:s7], [sflag:$0x2] =	stream.indirect.gather [hbm4b:s2+s5], $0x10, s0, s5, $0xb8;
	[tilespmem:$0x14C80] =	vst v63  }
0x64: {  	s12 =	rddreg [dreg:$0x1c]  }
0x65: {  	[tilespmem:s17], [sflag:$0x2] =	stream.indirect.gather [hbm4b:s2+s5], $0x10, s24, s5, $0xb8;
	[tilespmem:$0x14C80] =	vst v63  }
0x66: {  	s18 =	rddreg [dreg:$0x1f]  }
0x67: {  	[tilespmem:s23], [sflag:$0x2] =	stream.indirect.gather [hbm4b:s2+s5], $0x10, s25, s5, $0xb8;
	[tilespmem:$0x14C80] =	vst v63  }
0x68: {  	s8 =	sld [smem:$0x7E8]  }
0x69: {  	[tilespmem:s15], [sflag:$0x2] =	stream.indirect.gather [hbm4b:s2+s5], $0x10, s26, s5, $0xb8;
	[tilespmem:$0x14C80] =	vst v63  }
0x6a: {  	s24 =	sld [smem:$0x7E3]  }
0x6b: {  	[tilespmem:s28], [sflag:$0x2] =	stream.indirect.gather [hbm4b:s2+s5], $0x10, s29, s5, $0xb8;
	[tilespmem:$0x14C80] =	vst v63  }
0x6c: {  	s25 =	sld [smem:$0x7E4]  }
0x6d: {  	[tilespmem:s13], [sflag:$0x2] =	stream.indirect.gather [hbm4b:s2+s5], $0x10, s12, s5, $0xb8;
	[tilespmem:$0x14C80] =	vst v63  }
0x6e: {  	s26 =	sld [smem:$0x7E5]  }
0x6f: {  	[tilespmem:s18], [sflag:$0x2] =	stream.indirect.gather [hbm4b:s2+s5], $0x10, s19, s5, $0xb8;
	[tilespmem:$0x14C80] =	vst v63  }
0x70: {  	s15 =	sld [smem:$0x7EA]  }
0x71: {  	[tilespmem:s11], [sflag:$0x2] =	stream.indirect.gather [hbm4b:s2+s5], $0x10, s24, s5, $0xb8;
	[tilespmem:$0x14C80] =	vst v63  }
0x72: {  	s28 =	sld [smem:$0x7E6]  }
0x73: {  	[tilespmem:s25], [sflag:$0x2] =	stream.indirect.gather [hbm4b:s2+s5], $0x10, s26, s5, $0xb8;
	[tilespmem:$0x14C80] =	vst v63  }
0x74: {  	s29 =	sld [smem:$0x7E7]  }
0x75: {  	[tilespmem:s9], [sflag:$0x2] =	stream.indirect.gather [hbm4b:s2+s5], $0x10, s28, s5, $0xb8;
	[tilespmem:$0x14C80] =	vst v63  }
0x76: {  	s13 =	sld [smem:$0x7E9]  }
0x77: {  	[tilespmem:s29], [sflag:$0x2] =	stream.indirect.gather [hbm4b:s2+s5], $0x10, s8, s5, $0xb8;
	[tilespmem:$0x14C80] =	vst v63  }
0x78: {  	s17 =	sld [smem:$0x7EC]  }
0x79: {  	[tilespmem:s15], [sflag:$0x2] =	stream.indirect.gather [hbm4b:s2+s5], $0x10, s13, s5, $0xb8;
	[tilespmem:$0x14C80] =	vst v63  }
0x7a: {  	s7 =	simm.s32 $0x2  }
0x7b: {  	[tilespmem:s17], [sflag:$0x2] =	stream.indirect.gather [hbm4b:s2+s5], $0x10, s16, s5, $0xb8;
	[tilespmem:$0x14C80] =	vst v63  }
0x7c: {  	_ =	swait.ge [sflag:s7], $0x9C40  }
0x7d: {  	s0 =	sld [smem:$0x7ED]  }
0x7e: {  	s18 =	sld [smem:$0x7EE]  }
0x7f: {  	s10 =	sld [smem:$0x7EF]  }
0x80: {  	s19 =	sld [smem:$0x7F0]  }
0x81: {  	s20 =	sld [smem:$0x7F1]  }
0x82: {  	s21 =	sld [smem:$0x7F2]  }
0x83: {  	s22 =	sld [smem:$0x7F3]  }
0x84: {  	s23 =	sld [smem:$0x7F4]  }
0x85: {  	[sflag:s7] =	ssyncset.done $0x0;
	s24 =	sld [smem:$0x7F5]  }
0x86: {  	s8 =	simm.s32 $0xB040;
	s25 =	sld [smem:$0x7F6];
	[sflag:s7] =	ssyncadd.s32 $0xFFFF63C0  }
0x87: {  	[tilespmem:s8], [sflag:$0x2] =	stream.indirect.gather [hbm4b:s2+s5], $0x10, s23, s5, $0xb8;
	[tilespmem:$0x14C80] =	vst v63  }
0x88: {  	s26 =	sld [smem:$0x7F7]  }
0x89: {  	[tilespmem:s24], [sflag:$0x2] =	stream.indirect.gather [hbm4b:s2+s5], $0x10, s21, s5, $0xb8;
	[tilespmem:$0x14C80] =	vst v63  }
0x8a: {  	s29 =	sld [smem:$0x7F8]  }
0x8b: {  	[tilespmem:s20], [sflag:$0x2] =	stream.indirect.gather [hbm4b:s2+s5], $0x10, s18, s5, $0xb8;
	[tilespmem:$0x14C80] =	vst v63  }
0x8c: {  	s18 =	sld [smem:$0x7F9]  }
0x8d: {  	[tilespmem:s19], [sflag:$0x2] =	stream.indirect.gather [hbm4b:s2+s5], $0x10, s22, s5, $0xb8;
	[tilespmem:$0x14C80] =	vst v63  }
0x8e: {  	s19 =	sld [smem:$0x7FA]  }
0x8f: {  	[tilespmem:s26], [sflag:$0x2] =	stream.indirect.gather [hbm4b:s2+s5], $0x10, s29, s5, $0xb8;
	[tilespmem:$0x14C80] =	vst v63  }
0x90: {  	s1 =	ssub.s32 $0x2, s1;
	s22 =	sld [smem:$0x7FB]  }
0x91: {  	[tilespmem:s25], [sflag:$0x2] =	stream.indirect.gather [hbm4b:s2+s5], $0x10, s18, s5, $0xb8;
	[tilespmem:$0x14C80] =	vst v63  }
0x92: {  	s28 =	sshrl.u32 s1, $0x1;
	s29 =	sld [smem:$0x7FD]  }
0x93: {  	[tilespmem:s10], [sflag:$0x2] =	stream.indirect.gather [hbm4b:s2+s5], $0x10, s19, s5, $0xb8;
	[tilespmem:$0x14C80] =	vst v63  }
0x94: {  	s1 =	ssub.s32 s1, s28;
	s25 =	sld [smem:$0x7FC]  }
0x95: {  	[tilespmem:s0], [sflag:$0x2] =	stream.indirect.gather [hbm4b:s2+s5], $0x10, s22, s5, $0xb8;
	[tilespmem:$0x14C80] =	vst v63  }
0x96: {  	s1 =	smax.u32 s1, $0x1  }
0x97: {  	[tilespmem:s29], [sflag:$0x2] =	stream.indirect.gather [hbm4b:s2+s5], $0x10, s25, s5, $0xb8;
	[tilespmem:$0x14C80] =	vst v63  }
0x98: {  	p0 =	sne.s32 s1, $0x1;
	s21 =	simm.s32 $0xF690;
	s20 =	simm.s32 $0xE80  }
0x99: {  	[tilespmem:s21], [sflag:$0x2] =	stream.indirect.gather [hbm4b:s2+s5], $0x10, s20, s5, $0xb8;
	[tilespmem:$0x14C80] =	vst v63  }
.Ltmp0:
0x9a: {  	s30 =	simm.s32 $0xF80;
	(pc) =	sbr.rel @!p0 .LBB2_2-.Ltmp0, $4  }
0x9b: {  	s31 =	simm.s32 $0x10630;
	s23 =	simm.s32 $0xF00;
	s24 =	simm.s32 $0xFE60  }
0x9c: {  	[tilespmem:s24], [sflag:$0x2] =	stream.indirect.gather [hbm4b:s2+s5], $0x10, s23, s5, $0xb8;
	[tilespmem:$0x14C80] =	vst v63  }
0x9d: {  	s28 =	simm.s32 $0x10630;
	s1 =	sadd.s32 $0xFFFFFFFF, s1;
	s26 =	simm.s32 $0xF80  }
0x9e: {  	[tilespmem:s28], [sflag:$0x2] =	stream.indirect.gather [hbm4b:s2+s5], $0x10, s26, s5, $0xb8;
	[tilespmem:$0x14C80] =	vst v63  }
.LBB2_1:
0x9f: {  	s0 =	simm.s32 $0x1000;
	s9 =	simm.s32 $0x10E00  }
0xa0: {  	[tilespmem:s9], [sflag:$0x2] =	stream.indirect.gather [hbm4b:s2+s5], $0x10, s0, s5, $0xb8;
	[tilespmem:$0x14C80] =	vst v63  }
0xa1: {  	s10 =	simm.s32 $0x1080;
	s11 =	simm.s32 $0x115D0  }
0xa2: {  	[tilespmem:s11], [sflag:$0x2] =	stream.indirect.gather [hbm4b:s2+s5], $0x10, s10, s5, $0xb8;
	[tilespmem:$0x14C80] =	vst v63  }
0xa3: {  	s12 =	simm.s32 $0x1100;
	s13 =	simm.s32 $0x11DA0  }
0xa4: {  	[tilespmem:s13], [sflag:$0x2] =	stream.indirect.gather [hbm4b:s2+s5], $0x10, s12, s5, $0xb8;
	[tilespmem:$0x14C80] =	vst v63  }
0xa5: {  	s14 =	simm.s32 $0x1180;
	s15 =	simm.s32 $0x12570  }
0xa6: {  	[tilespmem:s15], [sflag:$0x2] =	stream.indirect.gather [hbm4b:s2+s5], $0x10, s14, s5, $0xb8;
	[tilespmem:$0x14C80] =	vst v63  }
0xa7: {  	s16 =	simm.s32 $0x1200;
	s17 =	simm.s32 $0x12D40  }
0xa8: {  	[tilespmem:s17], [sflag:$0x2] =	stream.indirect.gather [hbm4b:s2+s5], $0x10, s16, s5, $0xb8;
	[tilespmem:$0x14C80] =	vst v63  }
0xa9: {  	s18 =	simm.s32 $0x1280;
	s19 =	simm.s32 $0x13510  }
0xaa: {  	[tilespmem:s19], [sflag:$0x2] =	stream.indirect.gather [hbm4b:s2+s5], $0x10, s18, s5, $0xb8;
	[tilespmem:$0x14C80] =	vst v63  }
0xab: {  	s21 =	simm.s32 $0x1300;
	s10 =	simm.s32 $0x13CE0  }
0xac: {  	[tilespmem:s10], [sflag:$0x2] =	stream.indirect.gather [hbm4b:s2+s5], $0x10, s21, s5, $0xb8;
	[tilespmem:$0x14C80] =	vst v63  }
0xad: {  	s22 =	simm.s32 $0x1380;
	s23 =	simm.s32 $0x144B0  }
0xae: {  	[tilespmem:s23], [sflag:$0x2] =	stream.indirect.gather [hbm4b:s2+s5], $0x10, s22, s5, $0xb8;
	[tilespmem:$0x14C80] =	vst v63  }
0xaf: {  	s20 =	rddreg [dreg:$0x4]  }
0xb0: {  	[hbm4b:s20+s3] =	stream.linear.scatter [tilespmem:s6], [sflag:$0x1], $0x9C40, $0x38;
	[tilespmem:$0x14C80] =	vst v63  }
0xb1: {  	_ =	swait.ge [sflag:s7], $0x9C40  }
0xb2: {  	[sflag:s7] =	ssyncset.done $0x0  }
0xb3: {  	s24 =	rddreg [dreg:$0x5];
	[sflag:s7] =	ssyncadd.s32 $0xFFFF63C0  }
0xb4: {  	[hbm4b:s24+s3] =	stream.linear.scatter [tilespmem:s8], [sflag:$0x1], $0x9C40, $0x38;
	[tilespmem:$0x14C80] =	vst v63  }
0xb5: {  	_ =	swait.ge [sflag:s4], $0x9C40  }
0xb6: {  	[sflag:s4] =	ssyncset.done $0x0  }
0xb7: {  	[sflag:s4] =	ssyncadd.s32 $0xFFFF63C0  }
0xb8: {  	_ =	swait.ge [sflag:s4], $0x9C40  }
0xb9: {  	[sflag:s4] =	ssyncset.done $0x0  }
0xba: {  	s25 =	rddreg [dreg:$0x3];
	[sflag:s4] =	ssyncadd.s32 $0xFFFF63C0  }
0xbb: {  	[tilespmem:s3], [sflag:$0x1] =	stream.linear.gather [hbm4b:s25+s3], $0x1400, $0x38;
	[tilespmem:$0x14C80] =	vst v63  }
0xbc: {  	_ =	swait.ge [sflag:s4], $0x1400  }
0xbd: {  	s11 =	rddreg [dreg:$0x12]  }
0xbe: {  	s12 =	rddreg [dreg:$0x13]  }
0xbf: {  	s14 =	rddreg [dreg:$0x10]  }
0xc0: {  	s0 =	sld [smem:$0x7E1]  }
0xc1: {  	s15 =	rddreg [dreg:$0xe]  }
0xc2: {  	s9 =	sld [smem:$0x7E2]  }
0xc3: {  	s16 =	rddreg [dreg:$0xf]  }
0xc4: {  	s10 =	rddreg [dreg:$0x1d]  }
0xc5: {  	s17 =	rddreg [dreg:$0xc]  }
0xc6: {  	s13 =	rddreg [dreg:$0x19]  }
0xc7: {  	s18 =	rddreg [dreg:$0xb]  }
0xc8: {  	s19 =	rddreg [dreg:$0x15]  }
0xc9: {  	s20 =	rddreg [dreg:$0x11]  }
0xca: {  	s21 =	rddreg [dreg:$0xd]  }
0xcb: {  	s22 =	rddreg [dreg:$0xa]  }
0xcc: {  	s23 =	rddreg [dreg:$0x8]  }
0xcd: {  	s24 =	rddreg [dreg:$0x9]  }
0xce: {  	s25 =	rddreg [dreg:$0x6]  }
0xcf: {  	[sflag:s4] =	ssyncset.done $0x0;
	s26 =	rddreg [dreg:$0x7]  }
0xd0: {  	s28 =	rddreg [dreg:$0x14];
	[sflag:s4] =	ssyncadd.s32 $0xFFFFEC00  }
0xd1: {  	[tilespmem:s6], [sflag:$0x2] =	stream.indirect.gather [hbm4b:s2+s5], $0x10, s3, s5, $0xb8;
	[tilespmem:$0x14C80] =	vst v63  }
0xd2: {  	s29 =	rddreg [dreg:$0x17]  }
0xd3: {  	[tilespmem:s26], [sflag:$0x2] =	stream.indirect.gather [hbm4b:s2+s5], $0x10, s25, s5, $0xb8;
	[tilespmem:$0x14C80] =	vst v63  }
0xd4: {  	s25 =	rddreg [dreg:$0x16]  }
0xd5: {  	[tilespmem:s24], [sflag:$0x2] =	stream.indirect.gather [hbm4b:s2+s5], $0x10, s23, s5, $0xb8;
	[tilespmem:$0x14C80] =	vst v63  }
0xd6: {  	s26 =	rddreg [dreg:$0x18]  }
0xd7: {  	[tilespmem:s18], [sflag:$0x2] =	stream.indirect.gather [hbm4b:s2+s5], $0x10, s22, s5, $0xb8;
	[tilespmem:$0x14C80] =	vst v63  }
0xd8: {  	s24 =	sld [smem:$0x7E3]  }
0xd9: {  	[tilespmem:s21], [sflag:$0x2] =	stream.indirect.gather [hbm4b:s2+s5], $0x10, s17, s5, $0xb8;
	[tilespmem:$0x14C80] =	vst v63  }
0xda: {  	s18 =	rddreg [dreg:$0x1b]  }
0xdb: {  	[tilespmem:s16], [sflag:$0x2] =	stream.indirect.gather [hbm4b:s2+s5], $0x10, s15, s5, $0xb8;
	[tilespmem:$0x14C80] =	vst v63  }
0xdc: {  	s22 =	rddreg [dreg:$0x1e]  }
0xdd: {  	[tilespmem:s20], [sflag:$0x2] =	stream.indirect.gather [hbm4b:s2+s5], $0x10, s14, s5, $0xb8;
	[tilespmem:$0x14C80] =	vst v63  }
0xde: {  	s17 =	rddreg [dreg:$0x1a]  }
0xdf: {  	[tilespmem:s12], [sflag:$0x2] =	stream.indirect.gather [hbm4b:s2+s5], $0x10, s11, s5, $0xb8;
	[tilespmem:$0x14C80] =	vst v63  }
0xe0: {  	s21 =	rddreg [dreg:$0x1f]  }
0xe1: {  	[tilespmem:s19], [sflag:$0x2] =	stream.indirect.gather [hbm4b:s2+s5], $0x10, s28, s5, $0xb8;
	[tilespmem:$0x14C80] =	vst v63  }
0xe2: {  	s16 =	rddreg [dreg:$0x1c]  }
0xe3: {  	[tilespmem:s29], [sflag:$0x2] =	stream.indirect.gather [hbm4b:s2+s5], $0x10, s25, s5, $0xb8;
	[tilespmem:$0x14C80] =	vst v63  }
0xe4: {  	s15 =	sld [smem:$0x7E9]  }
0xe5: {  	[tilespmem:s13], [sflag:$0x2] =	stream.indirect.gather [hbm4b:s2+s5], $0x10, s26, s5, $0xb8;
	[tilespmem:$0x14C80] =	vst v63  }
0xe6: {  	s14 =	sld [smem:$0x7E8]  }
0xe7: {  	[tilespmem:s18], [sflag:$0x2] =	stream.indirect.gather [hbm4b:s2+s5], $0x10, s17, s5, $0xb8;
	[tilespmem:$0x14C80] =	vst v63  }
0xe8: {  	s20 =	sld [smem:$0x7EC]  }
0xe9: {  	[tilespmem:s10], [sflag:$0x2] =	stream.indirect.gather [hbm4b:s2+s5], $0x10, s16, s5, $0xb8;
	[tilespmem:$0x14C80] =	vst v63  }
0xea: {  	s25 =	sld [smem:$0x7E4]  }
0xeb: {  	[tilespmem:s21], [sflag:$0x2] =	stream.indirect.gather [hbm4b:s2+s5], $0x10, s22, s5, $0xb8;
	[tilespmem:$0x14C80] =	vst v63  }
0xec: {  	s26 =	sld [smem:$0x7E5]  }
0xed: {  	[tilespmem:s9], [sflag:$0x2] =	stream.indirect.gather [hbm4b:s2+s5], $0x10, s24, s5, $0xb8;
	[tilespmem:$0x14C80] =	vst v63  }
0xee: {  	s28 =	sld [smem:$0x7E6]  }
0xef: {  	[tilespmem:s25], [sflag:$0x2] =	stream.indirect.gather [hbm4b:s2+s5], $0x10, s26, s5, $0xb8;
	[tilespmem:$0x14C80] =	vst v63  }
0xf0: {  	s29 =	sld [smem:$0x7E7]  }
0xf1: {  	[tilespmem:s0], [sflag:$0x2] =	stream.indirect.gather [hbm4b:s2+s5], $0x10, s28, s5, $0xb8;
	[tilespmem:$0x14C80] =	vst v63  }
0xf2: {  	s18 =	sld [smem:$0x7EA]  }
0xf3: {  	[tilespmem:s29], [sflag:$0x2] =	stream.indirect.gather [hbm4b:s2+s5], $0x10, s14, s5, $0xb8;
	[tilespmem:$0x14C80] =	vst v63  }
0xf4: {  	s19 =	sld [smem:$0x7EB]  }
0xf5: {  	[tilespmem:s18], [sflag:$0x2] =	stream.indirect.gather [hbm4b:s2+s5], $0x10, s15, s5, $0xb8;
	[tilespmem:$0x14C80] =	vst v63  }
0xf6: {  	_ = 	snop  }
0xf7: {  	[tilespmem:s20], [sflag:$0x2] =	stream.indirect.gather [hbm4b:s2+s5], $0x10, s19, s5, $0xb8;
	[tilespmem:$0x14C80] =	vst v63  }
0xf8: {  	_ =	swait.ge [sflag:s7], $0x9C40  }
0xf9: {  	s0 =	sld [smem:$0x7ED]  }
0xfa: {  	s21 =	sld [smem:$0x7EE]  }
0xfb: {  	s10 =	sld [smem:$0x7EF]  }
0xfc: {  	s22 =	sld [smem:$0x7F0]  }
0xfd: {  	s23 =	sld [smem:$0x7F1]  }
0xfe: {  	s24 =	sld [smem:$0x7F2]  }
0xff: {  	s25 =	sld [smem:$0x7F3]  }
0x100: {  	s26 =	sld [smem:$0x7F4]  }
0x101: {  	[sflag:s7] =	ssyncset.done $0x0;
	s28 =	sld [smem:$0x7F5]  }
0x102: {  	s29 =	sld [smem:$0x7F6];
	[sflag:s7] =	ssyncadd.s32 $0xFFFF63C0  }
0x103: {  	[tilespmem:s8], [sflag:$0x2] =	stream.indirect.gather [hbm4b:s2+s5], $0x10, s26, s5, $0xb8;
	[tilespmem:$0x14C80] =	vst v63  }
0x104: {  	s18 =	sld [smem:$0x7F7]  }
0x105: {  	[tilespmem:s28], [sflag:$0x2] =	stream.indirect.gather [hbm4b:s2+s5], $0x10, s24, s5, $0xb8;
	[tilespmem:$0x14C80] =	vst v63  }
0x106: {  	s19 =	sld [smem:$0x7F8]  }
0x107: {  	[tilespmem:s23], [sflag:$0x2] =	stream.indirect.gather [hbm4b:s2+s5], $0x10, s21, s5, $0xb8;
	[tilespmem:$0x14C80] =	vst v63  }
0x108: {  	s20 =	sld [smem:$0x7F9]  }
0x109: {  	[tilespmem:s22], [sflag:$0x2] =	stream.indirect.gather [hbm4b:s2+s5], $0x10, s25, s5, $0xb8;
	[tilespmem:$0x14C80] =	vst v63  }
0x10a: {  	s24 =	sld [smem:$0x7FD]  }
0x10b: {  	[tilespmem:s18], [sflag:$0x2] =	stream.indirect.gather [hbm4b:s2+s5], $0x10, s19, s5, $0xb8;
	[tilespmem:$0x14C80] =	vst v63  }
0x10c: {  	s21 =	sld [smem:$0x7FA]  }
0x10d: {  	[tilespmem:s29], [sflag:$0x2] =	stream.indirect.gather [hbm4b:s2+s5], $0x10, s20, s5, $0xb8;
	[tilespmem:$0x14C80] =	vst v63  }
0x10e: {  	s22 =	sld [smem:$0x7FB]  }
0x10f: {  	[tilespmem:s10], [sflag:$0x2] =	stream.indirect.gather [hbm4b:s2+s5], $0x10, s21, s5, $0xb8;
	[tilespmem:$0x14C80] =	vst v63  }
0x110: {  	s23 =	sld [smem:$0x7FC]  }
0x111: {  	[tilespmem:s0], [sflag:$0x2] =	stream.indirect.gather [hbm4b:s2+s5], $0x10, s22, s5, $0xb8;
	[tilespmem:$0x14C80] =	vst v63  }
0x112: {  	_ = 	snop  }
0x113: {  	[tilespmem:s24], [sflag:$0x2] =	stream.indirect.gather [hbm4b:s2+s5], $0x10, s23, s5, $0xb8;
	[tilespmem:$0x14C80] =	vst v63  }
0x114: {  	p0 =	sne.s32 s1, $0x1;
	s26 =	simm.s32 $0xF690;
	s25 =	simm.s32 $0xE80  }
0x115: {  	[tilespmem:s26], [sflag:$0x2] =	stream.indirect.gather [hbm4b:s2+s5], $0x10, s25, s5, $0xb8;
	[tilespmem:$0x14C80] =	vst v63  }
.Ltmp1:
0x116: {  	_ = 	snop;
	(pc) =	sbr.rel @p0 .LBB2_1-.Ltmp1, $4  }
0x117: {  	s28 =	simm.s32 $0xF00;
	s29 =	simm.s32 $0xFE60  }
0x118: {  	[tilespmem:s29], [sflag:$0x2] =	stream.indirect.gather [hbm4b:s2+s5], $0x10, s28, s5, $0xb8;
	[tilespmem:$0x14C80] =	vst v63  }
0x119: {  	s1 =	sadd.s32 $0xFFFFFFFF, s1  }
0x11a: {  	[tilespmem:s31], [sflag:$0x2] =	stream.indirect.gather [hbm4b:s2+s5], $0x10, s30, s5, $0xb8;
	[tilespmem:$0x14C80] =	vst v63  }
.LBB2_2:
0x11b: {  	s0 =	simm.s32 $0x1000;
	s1 =	simm.s32 $0x10E00  }
0x11c: {  	[tilespmem:s1], [sflag:$0x2] =	stream.indirect.gather [hbm4b:s2+s5], $0x10, s0, s5, $0xb8;
	[tilespmem:$0x14C80] =	vst v63  }
0x11d: {  	s15 =	simm.s32 $0x1080;
	s16 =	simm.s32 $0x115D0  }
0x11e: {  	[tilespmem:s16], [sflag:$0x2] =	stream.indirect.gather [hbm4b:s2+s5], $0x10, s15, s5, $0xb8;
	[tilespmem:$0x14C80] =	vst v63  }
0x11f: {  	s17 =	simm.s32 $0x1100;
	s18 =	simm.s32 $0x11DA0  }
0x120: {  	[tilespmem:s18], [sflag:$0x2] =	stream.indirect.gather [hbm4b:s2+s5], $0x10, s17, s5, $0xb8;
	[tilespmem:$0x14C80] =	vst v63  }
0x121: {  	s19 =	simm.s32 $0x1180;
	s20 =	simm.s32 $0x12570  }
0x122: {  	[tilespmem:s20], [sflag:$0x2] =	stream.indirect.gather [hbm4b:s2+s5], $0x10, s19, s5, $0xb8;
	[tilespmem:$0x14C80] =	vst v63  }
0x123: {  	s21 =	simm.s32 $0x1200;
	s22 =	simm.s32 $0x12D40  }
0x124: {  	[tilespmem:s22], [sflag:$0x2] =	stream.indirect.gather [hbm4b:s2+s5], $0x10, s21, s5, $0xb8;
	[tilespmem:$0x14C80] =	vst v63  }
0x125: {  	s23 =	simm.s32 $0x1280;
	s24 =	simm.s32 $0x13510  }
0x126: {  	[tilespmem:s24], [sflag:$0x2] =	stream.indirect.gather [hbm4b:s2+s5], $0x10, s23, s5, $0xb8;
	[tilespmem:$0x14C80] =	vst v63  }
0x127: {  	s25 =	simm.s32 $0x1300;
	s26 =	simm.s32 $0x13CE0  }
0x128: {  	[tilespmem:s26], [sflag:$0x2] =	stream.indirect.gather [hbm4b:s2+s5], $0x10, s25, s5, $0xb8;
	[tilespmem:$0x14C80] =	vst v63  }
0x129: {  	s29 =	simm.s32 $0x1380;
	s9 =	simm.s32 $0x144B0  }
0x12a: {  	[tilespmem:s9], [sflag:$0x2] =	stream.indirect.gather [hbm4b:s2+s5], $0x10, s29, s5, $0xb8;
	[tilespmem:$0x14C80] =	vst v63  }
0x12b: {  	s28 =	rddreg [dreg:$0x4]  }
0x12c: {  	[hbm4b:s28+s3] =	stream.linear.scatter [tilespmem:s6], [sflag:$0x1], $0x9C40, $0x38;
	[tilespmem:$0x14C80] =	vst v63  }
0x12d: {  	_ =	swait.ge [sflag:s7], $0x9C40  }
0x12e: {  	[sflag:s7] =	ssyncset.done $0x0  }
0x12f: {  	s30 =	rddreg [dreg:$0x5];
	[sflag:s7] =	ssyncadd.s32 $0xFFFF63C0  }
0x130: {  	[hbm4b:s30+s3] =	stream.linear.scatter [tilespmem:s8], [sflag:$0x1], $0x9C40, $0x38;
	[tilespmem:$0x14C80] =	vst v63  }
0x131: {  	_ =	swait.ge [sflag:s4], $0x9C40  }
0x132: {  	[sflag:s4] =	ssyncset.done $0x0  }
0x133: {  	[sflag:s4] =	ssyncadd.s32 $0xFFFF63C0  }
0x134: {  	_ =	swait.ge [sflag:s4], $0x9C40  }
0x135: {  	[sflag:s4] =	ssyncset.done $0x0  }
0x136: {  	[sflag:s4] =	ssyncadd.s32 $0xFFFF63C0  }
0x137: {  	_ =	sfence.sel $0x180000  }
0x138: {  	[bflag:$0x0] =	sbarrier.arrive $0xFFFF  }
0x139: {  	_ =	strace $0x90000050  }
0x13a: {  	s31 =	stileid.u32;
	[bflag:$0x2] =	sbarrier.arrive $0xFFFF  }
0x13b: {  	p0 =	sne.s32 s31, $0x0;
	s0 =	rddreg [dreg:$0x2]  }
0x13c: {  	s0 =	sadd.s32 @!p0 $0x100000, s0  }
0x13d: {  	[sflag:s0] =	ssyncadd.tile.s32 @!p0 $0x1;
	_ =	shalt  }
.Lfunc_end2:
_tile_overlayer_lowered:
.L_overlay_start_2:
0x13e: {  	(tag) =	ssettag $0x2  }
0x13f: {  	s0 =	rddreg [dreg:$0x0];
	s2 =	stileid.u32  }
0x140: {  	s1 =	rddreg [dreg:$0x1];
	p0 =	sne.s32 s2, $0x0  }
0x141: {  	s3 =	rddreg [dreg:$0x2];
	[bflag:$0x3] =	sbarrier.arrive $0xFFFF;
	s2 =	simm.s32 @!p0 $0x1C03  }
0x142: {  	[timem:s3], [sflag:s2] =	dma.local @!p0 [hbm:s0], s1  }
0x143: {  	s0 =	simm.s32 @!p0 $0x3  }
0x144: {  	_ =	swait.ge @!p0 [sflag:s0], s1  }
0x145: {  	s1 =	ssub.s32 @!p0 $0x0, s1;
	[sflag:s0] =	ssyncset.done @!p0 $0x0  }
0x146: {  	[sflag:s0] =	ssyncadd.s32 @!p0 s1  }
0x147: {  	[bflag:$0x3] =	sbarrier.arrive $0xFFFF  }
0x148: {  	_ =	shalt  }

// kernel: kernel.28.cloned.1.call-start
scs
__scs_entry_jumppad:
0x0: {  	(pc) =	sbr.rel $0x88, $3  }
0x1: {  	(tag) =	ssettag $0x0;
	lr =	simm.s32 $0x1  }
0x2: {  	[smem:$0x3F80] =	sst lr;
	_ =	strace $0xD0000000  }
0x3: {  	_ = 	snop  }
0x4: {  	_ = 	snop  }
0x5: {  	_ = 	snop  }
0x6: {  	_ = 	snop  }
0x7: {  	_ = 	snop  }
__scs_overlays_trampoline_lowered:
0x8: {  	[smem:$0x3F8F] =	sst s0  }
0x9: {  	[smem:$0x3F90] =	sst s1  }
0xa: {  	[smem:$0x3F91] =	sst s2  }
0xb: {  	[smem:$0x3F92] =	sst s3  }
0xc: {  	[smem:$0x3F93] =	sst s4  }
0xd: {  	[smem:$0x3F94] =	sst s5  }
0xe: {  	[smem:$0x3F95] =	sst s6  }
0xf: {  	[smem:$0x3F96] =	sst s7  }
0x10: {  	[smem:$0x3F97] =	sst s8  }
0x11: {  	[smem:$0x3F98] =	sst s9;
	s0 =	simm.s32 @!p0 $0x0  }
0x12: {  	s1 =	sld [smem:$0x3F7E];
	s0 =	simm.s32 @p0 $0x1  }
0x13: {  	[smem:$0x3F99] =	sst s0;
	s0 =	simm.s32 @!p1 $0x0  }
0x14: {  	s2 =	sld [smem:$0x3F7D];
	s0 =	simm.s32 @p1 $0x1  }
0x15: {  	[smem:$0x3F9A] =	sst s0;
	s0 =	simm.s32 @!p2 $0x0  }
0x16: {  	s3 =	sld [smem:$0x3FDB];
	s0 =	simm.s32 @p2 $0x1  }
0x17: {  	s4 =	simm.s32 $0x1BF5;
	[smem:$0x3F9C] =	sst s0  }
0x18: {  	s0 =	sld [smem:$0x3F7F];
	_ =	swait.ge [sflag:s4], $0x0  }
0x19: {  	s7 =	sld [smem:$0x3F80]  }
0x1a: {  	s8 =	sadd.s32 $0xFFFFE003, lr  }
0x1b: {  	s9 =	sadd.s32 $0xFFFFFEF7, lr;
	s5 =	simm.s32 $0xFFFFFFFF;
	p2 =	slt.u32 s8, $0xFFFFF086  }
0x1c: {  	p1 =	slt.u32 s9, $0xF7A;
	s5 =	simm.s32 @!p2 $0x0  }
0x1d: {  	s5 =	simm.s32 @p1 $0x1;
	p0 =	seq.s32 s7, s2  }
0x1e: {  	s7 =	smul.u32 @!p0 $0xF7A, s2;
	p2 =	seq.s32 @!p0 s5, $0x0  }
0x1f: {  	s9 =	smul.u32 $0xF7A, s1;
	s8 =	simm.s32 @!p0 $0x1BF5;
	p2 =	por !p2, p0  }
0x20: {  	[sflag:s8] =	ssyncset.s32 @!p0 $0xFFFFF086;
	s6 =	sadd.s32 @!p0 s3, s7;
	s7 =	simm.s32 @!p0 $0x108  }
0x21: {  	s3 =	sadd.s32 s3, s9;
	s6 =	sadd.s32 @!p0 $0x88, s6;
	s7 =	simm.s32 @p2 $0x1082  }
0x22: {  	[simem:s7], [sflag:s8] =	dma.local @!p0 [hbm:s6], $0xF7A  }
0x23: {  	s9 =	sor.u32 $0xD0000000, s2;
	s6 =	simm.s32 $0x108;
	_ =	swait.ge @!p0 [sflag:s8], $0x0  }
0x24: {  	s3 =	sadd.s32 $0x88, s3;
	s6 =	simm.s32 @!p1 $0x1082;
	[sflag:s4] =	ssyncset.s32 $0xFFFFF086  }
0x25: {  	[simem:s6], [sflag:s4] =	dma.local [hbm:s3], $0xF7A  }
0x26: {  	[smem:$0x3F80] =	sst s1;
	(tag) =	ssettag s2;
	_ =	strace s9  }
0x27: {  	s1 =	sld [smem:$0x3F90]  }
0x28: {  	s2 =	sld [smem:$0x3F91]  }
0x29: {  	s4 =	sld [smem:$0x3F93]  }
0x2a: {  	p0 =	seq.s32 s5, $0x0;
	s5 =	sld [smem:$0x3F94]  }
0x2b: {  	s6 =	sld [smem:$0x3F95]  }
0x2c: {  	s7 =	sld [smem:$0x3F96]  }
0x2d: {  	s3 =	simm.s32 $0x108;
	s8 =	sld [smem:$0x3F97]  }
0x2e: {  	s3 =	simm.s32 @!p0 $0x1082;
	s9 =	sld [smem:$0x3F98]  }
0x2f: {  	lr =	sadd.s32 s0, s3;
	s0 =	sld [smem:$0x3F8F]  }
0x30: {  	s3 =	sld [smem:$0x3F92]  }
0x31: {  	[smem:$0x3F9B] =	sst s10  }
0x32: {  	s10 =	sld [smem:$0x3F99];
	_ =	sdelay $0x3  }
0x33: {  	p0 =	seq.s32 s10, $0x1;
	s10 =	sld [smem:$0x3F9B];
	_ =	sdelay $0x3  }
0x34: {  	[smem:$0x3F9B] =	sst s10  }
0x35: {  	s10 =	sld [smem:$0x3F9A];
	_ =	sdelay $0x3  }
0x36: {  	p1 =	seq.s32 s10, $0x1;
	s10 =	sld [smem:$0x3F9B];
	_ =	sdelay $0x3  }
0x37: {  	[smem:$0x3F9B] =	sst s10  }
0x38: {  	s10 =	sld [smem:$0x3F9C]  }
0x39: {  	_ = 	snop;
	(pc) =	sbr.ind lr, $3  }
0x3a: {  	_ = 	snop  }
0x3b: {  	_ = 	snop  }
0x3c: {  	p2 =	seq.s32 s10, $0x1;
	s10 =	sld [smem:$0x3F9B]  }
0x3d: {  	_ =	shalt  }
0x3e: {  	_ =	shalt  }
0x3f: {  	_ =	shalt  }
0x40: {  	_ =	shalt  }
0x41: {  	_ =	shalt  }
0x42: {  	_ =	shalt  }
0x43: {  	_ =	shalt  }
0x44: {  	_ =	shalt  }
0x45: {  	_ =	shalt  }
0x46: {  	_ =	shalt  }
0x47: {  	_ =	shalt  }
0x48: {  	_ =	shalt  }
0x49: {  	_ =	shalt  }
0x4a: {  	_ =	shalt  }
0x4b: {  	_ =	shalt  }
0x4c: {  	_ =	shalt  }
0x4d: {  	_ =	shalt  }
0x4e: {  	_ =	shalt  }
0x4f: {  	_ =	shalt  }
0x50: {  	_ =	shalt  }
0x51: {  	_ =	shalt  }
0x52: {  	_ =	shalt  }
0x53: {  	_ =	shalt  }
0x54: {  	_ =	shalt  }
0x55: {  	_ =	shalt  }
0x56: {  	_ =	shalt  }
0x57: {  	_ =	shalt  }
0x58: {  	_ =	shalt  }
0x59: {  	_ =	shalt  }
0x5a: {  	_ =	shalt  }
0x5b: {  	_ =	shalt  }
0x5c: {  	_ =	shalt  }
0x5d: {  	_ =	shalt  }
0x5e: {  	_ =	shalt  }
0x5f: {  	_ =	shalt  }
0x60: {  	_ =	shalt  }
0x61: {  	_ =	shalt  }
0x62: {  	_ =	shalt  }
0x63: {  	_ =	shalt  }
0x64: {  	_ =	shalt  }
0x65: {  	_ =	shalt  }
0x66: {  	_ =	shalt  }
0x67: {  	_ =	shalt  }
0x68: {  	_ =	shalt  }
0x69: {  	_ =	shalt  }
0x6a: {  	_ =	shalt  }
0x6b: {  	_ =	shalt  }
0x6c: {  	_ =	shalt  }
0x6d: {  	_ =	shalt  }
0x6e: {  	_ =	shalt  }
0x6f: {  	_ =	shalt  }
0x70: {  	_ =	shalt  }
0x71: {  	_ =	shalt  }
0x72: {  	_ =	shalt  }
0x73: {  	_ =	shalt  }
0x74: {  	_ =	shalt  }
0x75: {  	_ =	shalt  }
0x76: {  	_ =	shalt  }
0x77: {  	_ =	shalt  }
0x78: {  	_ =	shalt  }
0x79: {  	_ =	shalt  }
0x7a: {  	_ =	shalt  }
0x7b: {  	_ =	shalt  }
0x7c: {  	_ =	shalt  }
0x7d: {  	_ =	shalt  }
0x7e: {  	_ =	shalt  }
0x7f: {  	_ =	shalt  }
0x80: {  	_ =	shalt  }
0x81: {  	_ =	shalt  }
0x82: {  	_ =	shalt  }
0x83: {  	_ =	shalt  }
0x84: {  	_ =	shalt  }
0x85: {  	_ =	shalt  }
0x86: {  	_ =	shalt  }
0x87: {  	_ =	shalt  }
.Lfunc_end0:
.L_simem_size_0:
called_computation.4_lowered:
.L_overlay_start_0:
0x88: {  	s2 =	sld [smem:$0x3FD9]  }
0x89: {  	s3 =	sld [smem:$0x3FFE];
	_ =	sdelay $0x1  }
0x8a: {  	s1 =	srdreg.scid  }
0x8b: {  	s0 =	sand.u32 $0x1, s1  }
0x8c: {  	s16 =	sshll.u32 s0, $0xA;
	s2 =	sadd.s32 s3, s2  }
0x8d: {  	s2 =	sadd.s32 s2, s16  }
0x8e: {  	[smem:$0x3FA7] =	sst s2  }
0x8f: {  	_ = 	snop  }
0x90: {  	(tm) =	ssettm $0x1  }
0x91: {  	s17 =	sld [smem:$0x3FFB];
	_ =	sdelay $0x3  }
0x92: {  	_ =	strace s17  }
0x93: {  	s2 =	sld [smem:$0x3FFC];
	_ =	sdelay $0x3  }
0x94: {  	_ =	strace s2  }
0x95: {  	s2 =	sld [smem:$0x3FFD];
	_ =	sdelay $0x3  }
0x96: {  	_ =	strace s2  }
0x97: {  	_ =	strace $0x8FFFFFFF  }
0x98: {  	s18 =	sld [smem:$0x3FDB];
	_ =	sdelay $0x1  }
0x99: {  	s19 =	simm.s32 $_scs_section_size  }
0x9a: {  	s4 =	simm.s32 $_size__tile_overlayer_lowered;
	s5 =	simm.s32 $_tile_overlayer_lowered  }
0x9b: {  	s22 =	simm.s32 $0x1BFF;
	s21 =	sshll.u32 s5, $0x1;
	s2 =	sadd.s32 s19, s18  }
0x9c: {  	s6 =	simm.s32 $0x0;
	s20 =	sshll.u32 s4, $0x1;
	s4 =	sadd.s32 s21, s2  }
0x9d: {  	[timem:s6], [sflag:s22] =	dma.local [hbm:s4], s20  }
0x9e: {  	_ =	swait.ge [sflag:s22], s20  }
0x9f: {  	s3 =	ssub.s32 $0x0, s20;
	[sflag:s22] =	ssyncset.done $0x0  }
0xa0: {  	[sflag:s22] =	ssyncadd.s32 s3;
	_ =	sdelay $0x1  }
0xa1: {  	s23 =	simm.s32 $0x1B8B  }
0xa2: {  	_ =	swait.ge [sflag:s23], $0x1  }
0xa3: {  	[sflag:s23] =	ssyncset.done $0x0  }
0xa4: {  	s25 =	simm.s32 $0x1B8E;
	s24 =	sld [smem:$0x3FFE];
	[sflag:s23] =	ssyncadd.s32 $0xFFFFFFFF  }
0xa5: {  	s26 =	simm.s32 $execute0_lowered;
	[smem:$0x3FD2] =	sst s25  }
0xa6: {  	s4 =	sshll.u32 s26, $0x1;
	_ =	strace $0x80000052;
	[dreg:$0x1] =	wrdreg $0xFFFFFFFF  }
0xa7: {  	s28 =	simm.s32 $_size_execute0_lowered;
	s2 =	sadd.s32 s2, s4;
	[dreg:$0x0] =	wrdreg $0x0  }
0xa8: {  	s4 =	sshll.u32 s28, $0x1;
	[dreg:$0x2] =	wrdreg s2  }
0xa9: {  	[dreg:$0x3] =	wrdreg s4  }
0xaa: {  	[dreg:$0x4] =	wrdreg $0xC0  }
0xab: {  	_ =	task [dreg:s6], $0x5FFFF  }
0xac: {  	[dreg:$0x1] =	wrdreg $0xFFFFFFFF  }
0xad: {  	[dreg:$0x0] =	wrdreg $0x60  }
0xae: {  	[dreg:$0x2] =	wrdreg s24  }
0xaf: {  	[dreg:$0x3] =	wrdreg $0x14C800  }
0xb0: {  	[dreg:$0x4] =	wrdreg $0x9  }
0xb1: {  	_ =	task.clear_ibuf [dreg:s6], $0x5FFFF;
	_ =	strace $0x90000052  }
0xb2: {  	s29 =	simm.s32 $0x9;
	_ =	strace $0x80000054  }
0xb3: {  	_ =	swait.ge [sflag:s29], $0x1  }
0xb4: {  	[sflag:s29] =	ssyncadd.s32 $0xFFFFFFFF  }
0xb5: {  	_ =	strace $0x90000054  }
0xb6: {  	_ =	sfence  }
0xb7: {  	s30 =	sld [smem:$0x0];
	_ =	sdelay $0x2  }
0xb8: {  	s31 =	sshll.u32 s1, $0xD;
	s1 =	sshrl.u32 s1, $0x2  }
0xb9: {  	s3 =	sand.u32 $0x4000, s31;
	s1 =	sadd.s32 s1, s30  }
0xba: {  	s0 =	sor.u32 s3, s0;
	s1 =	sshll.u32 s1, $0x11  }
0xbb: {  	s0 =	sor.u32 s1, s0  }
0xbc: {  	s0 =	sadd.s32 $0x8F2B, s0  }
0xbd: {  	[sflag:s0] =	ssyncadd.remote.s32 $0x1  }
0xbe: {  	_ =	sfence.sel $0xFFFF  }
0xbf: {  	[dreg:$0x0] =	wrdreg $0xFFFFFFFF;
	(pc) =	sbr.abs _section_cstart, $3  }
0xc0: {  	[dreg:$0x1] =	wrdreg $0xFFFFFFFF  }
0xc1: {  	_ =	task.clear_ibuf [dreg:s6], $0x2FFFF;
	_ =	strace $0x9FFFFFFF  }
0xc2: {  	(tm) =	ssettm $0x7FFFFFFF  }
0xc3: {  	_ =	shalt  }
tec
execute0_lowered:
.L_overlay_start_1:
0x0: {  	(tag) =	ssettag $0x1  }
0x1: {  	s1 =	srdreg.scid;
	s5 =	rddreg [dreg:$0x0]  }
0x2: {  	s0 =	stileid.u32;
	s2 =	rddreg [dreg:$0x1]  }
0x3: {  	s3 =	simm.s32 $0x0;
	s15 =	simm.s32 $0x3;
	s16 =	simm.s32 $0x0  }
0x4: {  	s4 =	sand.u32 $0x1, s1;
	s28 =	sshll.u32 s0, $0x1;
	s8 =	smul.u32 $0x2710, s0  }
0x5: {  	[smem:$0x7FF] =	sst s3;
	s1 =	sor.u32 s4, s28;
	s9 =	smul.u32 $0x27100, s4  }
0x6: {  	s14 =	sshll.u32 s0, $0x6;
	s4 =	ssub.s32 $0x2, s4;
	s6 =	smul.u32 $0x2710, s1  }
0x7: {  	s7 =	smul.u32 $0x280, s1;
	s1 =	rddreg [dreg:$0x2];
	_ =	strace $0x80000053  }
0x8: {  	s31 =	sshrl.u32 s8, $0x3;
	s11 =	sshrl.u32 s4, $0x1;
	s13 =	sadd.s32 s8, s2  }
0x9: {  	s30 =	sadd.s32 s8, s9;
	s9 =	sadd.s32 s31, s5;
	s11 =	ssub.s32 s4, s11  }
0xa: {  	s10 =	sadd.s32 s6, s5;
	s29 =	sadd.s32 s7, s5;
	s7 =	sshrl.u32 s30, $0x3  }
0xb: {  	s4 =	sadd.s32 $0x5F600, s9;
	s9 =	smax.u32 s11, $0x1;
	s11 =	simm.s32 $0x1  }
0xc: {  	s12 =	sadd.s32 s7, s5;
	s5 =	sor.u32 $0x1C01, s14;
	s6 =	sadd.s32 $0x5A600, s29  }
0xd: {  	s7 =	sadd.s32 $0xC400, s10;
	s10 =	sshrl.u32 s13, $0x3;
	s13 =	simm.s32 $0x7D  }
0xe: {  	s14 =	sor.u32 $0x1C03, s14;
	s8 =	sadd.s32 $0x64600, s12;
	s12 =	simm.s32 $0x2  }
.LBB2_1:
0xf: {  	[spmem:s10], [sflag:s5] =	dma.local [hbm:s4], $0x4E2  }
0x10: {  	[tilespmem:s3], [sflag:$0x2] =	stream.linear.gather [hbm4b:s6+s3], $0x1400, $0x38;
	[tilespmem:$0x17390] =	vst v63  }
0x11: {  	s17 =	simm.s32 $0x1400  }
0x12: {  	[tilespmem:s17], [sflag:$0x2] =	stream.linear.gather [hbm4b:s7+s3], $0x13880, $0x38;
	[tilespmem:$0x17390] =	vst v63  }
0x13: {  	_ =	swait.ge [sflag:s11], $0x4E2  }
0x14: {  	[sflag:s11] =	ssyncset.done $0x0  }
0x15: {  	[sflag:s11] =	ssyncadd.s32 $0xFFFFFB1E  }
0x16: {  	_ =	swait.ge [sflag:s12], $0x1400  }
0x17: {  	[sflag:s12] =	ssyncset.done $0x0  }
0x18: {  	[sflag:s12] =	ssyncadd.s32 $0xFFFFEC00  }
0x19: {  	_ =	swait.ge [sflag:s12], $0x13880  }
0x1a: {  	[sflag:s12] =	ssyncset.done $0x0  }
0x1b: {  	s18 =	simm.s32 $0x200;
	[sflag:s12] =	ssyncadd.s32 $0xFFFEC780  }
0x1c: {  	s20 =	simm.s32 $0x0;
	s19 =	simm.s32 $0x1BD0;
	[bflag:$0x0] =	sbarrier.arrive $0xFFFF  }
.LBB2_2:
0x1d: {  	[spmem:s2] =	stream.indirect.scatter.add.f32 [tilespmem:s17], [sflag:$0x1], $0x10, s20, s13, $0xb8;
	[tilespmem:$0x17390] =	vst v63  }
0x1e: {  	s20 =	smov.u32 s18;
	s17 =	smov.u32 s19;
	p0 =	sne.s32 s18, $0x4E00  }
.Ltmp0:
0x1f: {  	s18 =	sadd.s32 $0x200, s18;
	(pc) =	sbr.rel @p0 .LBB2_2-.Ltmp0, $2  }
0x20: {  	_ =	sdelay $0x2  }
0x21: {  	s19 =	sadd.s32 $0x7D0, s19;
	s20 =	sshra.s32 s20, $0x2  }
0x22: {  	[spmem:s2] =	stream.indirect.scatter.add.f32 [tilespmem:s17], [sflag:$0x1], $0x10, s20, s13, $0xb8;
	[tilespmem:$0x17390] =	vst v63  }
0x23: {  	_ =	swait.ge [sflag:s11], $0x13880  }
0x24: {  	s16 =	sadd.s32 $0x1, s16;
	[sflag:s11] =	ssyncset.done $0x0  }
0x25: {  	p0 =	sne.s32 s16, s9;
	[sflag:s11] =	ssyncadd.s32 $0xFFFEC780  }
.Ltmp1:
0x26: {  	[bflag:$0x0] =	sbarrier.arrive $0xFFFF;
	(pc) =	sbr.rel @p0 .LBB2_1-.Ltmp1, $4  }
0x27: {  	[hbm:s8], [sflag:s14] =	dma.local [spmem:s10], $0x4E2  }
0x28: {  	_ =	swait.ge [sflag:s15], $0x4E2  }
0x29: {  	[sflag:s15] =	ssyncset.done $0x0  }
0x2a: {  	[sflag:s15] =	ssyncadd.s32 $0xFFFFFB1E  }
0x2b: {  	_ =	sfence.sel $0x180000  }
0x2c: {  	[bflag:$0x0] =	sbarrier.arrive $0xFFFF  }
0x2d: {  	p0 =	sne.s32 s0, $0x0;
	_ =	strace $0x90000053  }
0x2e: {  	s0 =	sadd.s32 @!p0 $0x100000, s1;
	[bflag:$0x2] =	sbarrier.arrive $0xFFFF  }
0x2f: {  	[sflag:s0] =	ssyncadd.tile.s32 @!p0 $0x1;
	_ =	shalt  }
.Lfunc_end2:
_tile_overlayer_lowered:
.L_overlay_start_2:
0x30: {  	(tag) =	ssettag $0x2  }
0x31: {  	s0 =	rddreg [dreg:$0x0];
	s2 =	stileid.u32  }
0x32: {  	s1 =	rddreg [dreg:$0x1];
	p0 =	sne.s32 s2, $0x0  }
0x33: {  	s3 =	rddreg [dreg:$0x2];
	[bflag:$0x3] =	sbarrier.arrive $0xFFFF;
	s2 =	simm.s32 @!p0 $0x1C03  }
0x34: {  	[timem:s3], [sflag:s2] =	dma.local @!p0 [hbm:s0], s1  }
0x35: {  	s0 =	simm.s32 @!p0 $0x3  }
0x36: {  	_ =	swait.ge @!p0 [sflag:s0], s1  }
0x37: {  	s1 =	ssub.s32 @!p0 $0x0, s1;
	[sflag:s0] =	ssyncset.done @!p0 $0x0  }
0x38: {  	[sflag:s0] =	ssyncadd.s32 @!p0 s1  }
0x39: {  	[bflag:$0x3] =	sbarrier.arrive $0xFFFF  }
0x3a: {  	_ =	shalt  }

// kernel: kernel.31.cloned.1.call-start
scs
__scs_entry_jumppad:
0x0: {  	(pc) =	sbr.rel $0x88, $3  }
0x1: {  	(tag) =	ssettag $0x0;
	lr =	simm.s32 $0x1  }
0x2: {  	[smem:$0x3F80] =	sst lr;
	_ =	strace $0xD0000000  }
0x3: {  	_ = 	snop  }
0x4: {  	_ = 	snop  }
0x5: {  	_ = 	snop  }
0x6: {  	_ = 	snop  }
0x7: {  	_ = 	snop  }
__scs_overlays_trampoline_lowered:
0x8: {  	[smem:$0x3F8F] =	sst s0  }
0x9: {  	[smem:$0x3F90] =	sst s1  }
0xa: {  	[smem:$0x3F91] =	sst s2  }
0xb: {  	[smem:$0x3F92] =	sst s3  }
0xc: {  	[smem:$0x3F93] =	sst s4  }
0xd: {  	[smem:$0x3F94] =	sst s5  }
0xe: {  	[smem:$0x3F95] =	sst s6  }
0xf: {  	[smem:$0x3F96] =	sst s7  }
0x10: {  	[smem:$0x3F97] =	sst s8  }
0x11: {  	[smem:$0x3F98] =	sst s9;
	s0 =	simm.s32 @!p0 $0x0  }
0x12: {  	s1 =	sld [smem:$0x3F7E];
	s0 =	simm.s32 @p0 $0x1  }
0x13: {  	[smem:$0x3F99] =	sst s0;
	s0 =	simm.s32 @!p1 $0x0  }
0x14: {  	s2 =	sld [smem:$0x3F7D];
	s0 =	simm.s32 @p1 $0x1  }
0x15: {  	[smem:$0x3F9A] =	sst s0;
	s0 =	simm.s32 @!p2 $0x0  }
0x16: {  	s3 =	sld [smem:$0x3FDB];
	s0 =	simm.s32 @p2 $0x1  }
0x17: {  	s4 =	simm.s32 $0x1BF5;
	[smem:$0x3F9C] =	sst s0  }
0x18: {  	s0 =	sld [smem:$0x3F7F];
	_ =	swait.ge [sflag:s4], $0x0  }
0x19: {  	s7 =	sld [smem:$0x3F80]  }
0x1a: {  	s8 =	sadd.s32 $0xFFFFE003, lr  }
0x1b: {  	s9 =	sadd.s32 $0xFFFFFEF7, lr;
	s5 =	simm.s32 $0xFFFFFFFF;
	p2 =	slt.u32 s8, $0xFFFFF086  }
0x1c: {  	p1 =	slt.u32 s9, $0xF7A;
	s5 =	simm.s32 @!p2 $0x0  }
0x1d: {  	s5 =	simm.s32 @p1 $0x1;
	p0 =	seq.s32 s7, s2  }
0x1e: {  	s7 =	smul.u32 @!p0 $0xF7A, s2;
	p2 =	seq.s32 @!p0 s5, $0x0  }
0x1f: {  	s9 =	smul.u32 $0xF7A, s1;
	s8 =	simm.s32 @!p0 $0x1BF5;
	p2 =	por !p2, p0  }
0x20: {  	[sflag:s8] =	ssyncset.s32 @!p0 $0xFFFFF086;
	s6 =	sadd.s32 @!p0 s3, s7;
	s7 =	simm.s32 @!p0 $0x108  }
0x21: {  	s3 =	sadd.s32 s3, s9;
	s6 =	sadd.s32 @!p0 $0x88, s6;
	s7 =	simm.s32 @p2 $0x1082  }
0x22: {  	[simem:s7], [sflag:s8] =	dma.local @!p0 [hbm:s6], $0xF7A  }
0x23: {  	s9 =	sor.u32 $0xD0000000, s2;
	s6 =	simm.s32 $0x108;
	_ =	swait.ge @!p0 [sflag:s8], $0x0  }
0x24: {  	s3 =	sadd.s32 $0x88, s3;
	s6 =	simm.s32 @!p1 $0x1082;
	[sflag:s4] =	ssyncset.s32 $0xFFFFF086  }
0x25: {  	[simem:s6], [sflag:s4] =	dma.local [hbm:s3], $0xF7A  }
0x26: {  	[smem:$0x3F80] =	sst s1;
	(tag) =	ssettag s2;
	_ =	strace s9  }
0x27: {  	s1 =	sld [smem:$0x3F90]  }
0x28: {  	s2 =	sld [smem:$0x3F91]  }
0x29: {  	s4 =	sld [smem:$0x3F93]  }
0x2a: {  	p0 =	seq.s32 s5, $0x0;
	s5 =	sld [smem:$0x3F94]  }
0x2b: {  	s6 =	sld [smem:$0x3F95]  }
0x2c: {  	s7 =	sld [smem:$0x3F96]  }
0x2d: {  	s3 =	simm.s32 $0x108;
	s8 =	sld [smem:$0x3F97]  }
0x2e: {  	s3 =	simm.s32 @!p0 $0x1082;
	s9 =	sld [smem:$0x3F98]  }
0x2f: {  	lr =	sadd.s32 s0, s3;
	s0 =	sld [smem:$0x3F8F]  }
0x30: {  	s3 =	sld [smem:$0x3F92]  }
0x31: {  	[smem:$0x3F9B] =	sst s10  }
0x32: {  	s10 =	sld [smem:$0x3F99];
	_ =	sdelay $0x3  }
0x33: {  	p0 =	seq.s32 s10, $0x1;
	s10 =	sld [smem:$0x3F9B];
	_ =	sdelay $0x3  }
0x34: {  	[smem:$0x3F9B] =	sst s10  }
0x35: {  	s10 =	sld [smem:$0x3F9A];
	_ =	sdelay $0x3  }
0x36: {  	p1 =	seq.s32 s10, $0x1;
	s10 =	sld [smem:$0x3F9B];
	_ =	sdelay $0x3  }
0x37: {  	[smem:$0x3F9B] =	sst s10  }
0x38: {  	s10 =	sld [smem:$0x3F9C]  }
0x39: {  	_ = 	snop;
	(pc) =	sbr.ind lr, $3  }
0x3a: {  	_ = 	snop  }
0x3b: {  	_ = 	snop  }
0x3c: {  	p2 =	seq.s32 s10, $0x1;
	s10 =	sld [smem:$0x3F9B]  }
0x3d: {  	_ =	shalt  }
0x3e: {  	_ =	shalt  }
0x3f: {  	_ =	shalt  }
0x40: {  	_ =	shalt  }
0x41: {  	_ =	shalt  }
0x42: {  	_ =	shalt  }
0x43: {  	_ =	shalt  }
0x44: {  	_ =	shalt  }
0x45: {  	_ =	shalt  }
0x46: {  	_ =	shalt  }
0x47: {  	_ =	shalt  }
0x48: {  	_ =	shalt  }
0x49: {  	_ =	shalt  }
0x4a: {  	_ =	shalt  }
0x4b: {  	_ =	shalt  }
0x4c: {  	_ =	shalt  }
0x4d: {  	_ =	shalt  }
0x4e: {  	_ =	shalt  }
0x4f: {  	_ =	shalt  }
0x50: {  	_ =	shalt  }
0x51: {  	_ =	shalt  }
0x52: {  	_ =	shalt  }
0x53: {  	_ =	shalt  }
0x54: {  	_ =	shalt  }
0x55: {  	_ =	shalt  }
0x56: {  	_ =	shalt  }
0x57: {  	_ =	shalt  }
0x58: {  	_ =	shalt  }
0x59: {  	_ =	shalt  }
0x5a: {  	_ =	shalt  }
0x5b: {  	_ =	shalt  }
0x5c: {  	_ =	shalt  }
0x5d: {  	_ =	shalt  }
0x5e: {  	_ =	shalt  }
0x5f: {  	_ =	shalt  }
0x60: {  	_ =	shalt  }
0x61: {  	_ =	shalt  }
0x62: {  	_ =	shalt  }
0x63: {  	_ =	shalt  }
0x64: {  	_ =	shalt  }
0x65: {  	_ =	shalt  }
0x66: {  	_ =	shalt  }
0x67: {  	_ =	shalt  }
0x68: {  	_ =	shalt  }
0x69: {  	_ =	shalt  }
0x6a: {  	_ =	shalt  }
0x6b: {  	_ =	shalt  }
0x6c: {  	_ =	shalt  }
0x6d: {  	_ =	shalt  }
0x6e: {  	_ =	shalt  }
0x6f: {  	_ =	shalt  }
0x70: {  	_ =	shalt  }
0x71: {  	_ =	shalt  }
0x72: {  	_ =	shalt  }
0x73: {  	_ =	shalt  }
0x74: {  	_ =	shalt  }
0x75: {  	_ =	shalt  }
0x76: {  	_ =	shalt  }
0x77: {  	_ =	shalt  }
0x78: {  	_ =	shalt  }
0x79: {  	_ =	shalt  }
0x7a: {  	_ =	shalt  }
0x7b: {  	_ =	shalt  }
0x7c: {  	_ =	shalt  }
0x7d: {  	_ =	shalt  }
0x7e: {  	_ =	shalt  }
0x7f: {  	_ =	shalt  }
0x80: {  	_ =	shalt  }
0x81: {  	_ =	shalt  }
0x82: {  	_ =	shalt  }
0x83: {  	_ =	shalt  }
0x84: {  	_ =	shalt  }
0x85: {  	_ =	shalt  }
0x86: {  	_ =	shalt  }
0x87: {  	_ =	shalt  }
.Lfunc_end0:
.L_simem_size_0:
called_computation.5_lowered:
.L_overlay_start_0:
0x88: {  	s2 =	sld [smem:$0x3FD9]  }
0x89: {  	s3 =	sld [smem:$0x3FFE];
	_ =	sdelay $0x1  }
0x8a: {  	s1 =	srdreg.scid  }
0x8b: {  	s0 =	sand.u32 $0x1, s1  }
0x8c: {  	s17 =	sshll.u32 s0, $0xA;
	s2 =	sadd.s32 s3, s2  }
0x8d: {  	s2 =	sadd.s32 s2, s17  }
0x8e: {  	[smem:$0x3FA7] =	sst s2  }
0x8f: {  	_ = 	snop  }
0x90: {  	s2 =	sld [smem:$0x3FD0];
	(tm) =	ssettm $0x1  }
0x91: {  	s18 =	sld [smem:$0x3FFB];
	_ =	sdelay $0x3  }
0x92: {  	_ =	strace s18  }
0x93: {  	s3 =	sld [smem:$0x3FFC];
	_ =	sdelay $0x3  }
0x94: {  	_ =	strace s3  }
0x95: {  	s3 =	sld [smem:$0x3FFD];
	_ =	sdelay $0x3  }
0x96: {  	_ =	strace s3  }
0x97: {  	_ =	strace $0x8FFFFFFF  }
0x98: {  	s19 =	sld [smem:$0x3FDB];
	_ =	sdelay $0x1  }
0x99: {  	s4 =	simm.s32 $_scs_section_size  }
0x9a: {  	s5 =	simm.s32 $_size__tile_overlayer_lowered;
	s6 =	simm.s32 $_tile_overlayer_lowered  }
0x9b: {  	s22 =	simm.s32 $0x1BFF;
	s21 =	sshll.u32 s6, $0x1;
	s3 =	sadd.s32 s4, s19  }
0x9c: {  	s7 =	simm.s32 $0x0;
	s20 =	sshll.u32 s5, $0x1;
	s5 =	sadd.s32 s21, s3  }
0x9d: {  	[timem:s7], [sflag:s22] =	dma.local [hbm:s5], s20  }
0x9e: {  	_ =	swait.ge [sflag:s22], s20  }
0x9f: {  	s4 =	ssub.s32 $0x0, s20;
	[sflag:s22] =	ssyncset.done $0x0  }
0xa0: {  	[sflag:s22] =	ssyncadd.s32 s4;
	_ =	sdelay $0x1  }
0xa1: {  	s23 =	simm.s32 $0x1B8B  }
0xa2: {  	_ =	swait.ge [sflag:s23], $0x1  }
0xa3: {  	[sflag:s23] =	ssyncset.done $0x0  }
0xa4: {  	s25 =	simm.s32 $0x1B8E;
	s24 =	sld [smem:$0x3FFE];
	[sflag:s23] =	ssyncadd.s32 $0xFFFFFFFF  }
0xa5: {  	s26 =	simm.s32 $execute0_lowered;
	[smem:$0x3FD2] =	sst s25  }
0xa6: {  	s5 =	sshll.u32 s26, $0x1;
	_ =	strace $0x80000055;
	[dreg:$0x1] =	wrdreg $0xFFFFFFFF  }
0xa7: {  	s28 =	simm.s32 $_size_execute0_lowered;
	s3 =	sadd.s32 s3, s5;
	[dreg:$0x0] =	wrdreg $0x0  }
0xa8: {  	s5 =	sshll.u32 s28, $0x1;
	[dreg:$0x2] =	wrdreg s3  }
0xa9: {  	[dreg:$0x3] =	wrdreg s5  }
0xaa: {  	[dreg:$0x4] =	wrdreg $0xC0  }
0xab: {  	_ =	task [dreg:s7], $0x5FFFF  }
0xac: {  	[dreg:$0x1] =	wrdreg $0xFFFFFFFF  }
0xad: {  	[dreg:$0x0] =	wrdreg $0x60  }
0xae: {  	[dreg:$0x2] =	wrdreg s2  }
0xaf: {  	[dreg:$0x3] =	wrdreg s24  }
0xb0: {  	[dreg:$0x4] =	wrdreg $0x9  }
0xb1: {  	_ =	task.clear_ibuf [dreg:s7], $0x5FFFF;
	_ =	strace $0x90000055  }
0xb2: {  	s29 =	simm.s32 $0x9;
	_ =	strace $0x80000057  }
0xb3: {  	_ =	swait.ge [sflag:s29], $0x1  }
0xb4: {  	[sflag:s29] =	ssyncadd.s32 $0xFFFFFFFF  }
0xb5: {  	_ =	strace $0x90000057  }
0xb6: {  	_ =	sfence  }
0xb7: {  	s30 =	sld [smem:$0x0];
	_ =	sdelay $0x2  }
0xb8: {  	s31 =	sshll.u32 s1, $0xD;
	s1 =	sshrl.u32 s1, $0x2  }
0xb9: {  	s3 =	sand.u32 $0x4000, s31;
	s1 =	sadd.s32 s1, s30  }
0xba: {  	s0 =	sor.u32 s3, s0;
	s1 =	sshll.u32 s1, $0x11  }
0xbb: {  	s0 =	sor.u32 s1, s0  }
0xbc: {  	s0 =	sadd.s32 $0x8F2B, s0  }
0xbd: {  	[sflag:s0] =	ssyncadd.remote.s32 $0x1  }
0xbe: {  	_ =	sfence.sel $0xFFFF  }
0xbf: {  	[dreg:$0x0] =	wrdreg $0xFFFFFFFF;
	(pc) =	sbr.abs _section_cstart, $3  }
0xc0: {  	[dreg:$0x1] =	wrdreg $0xFFFFFFFF  }
0xc1: {  	_ =	task.clear_ibuf [dreg:s7], $0x2FFFF;
	_ =	strace $0x9FFFFFFF  }
0xc2: {  	(tm) =	ssettm $0x7FFFFFFF  }
0xc3: {  	_ =	shalt  }
tec
execute0_lowered:
.L_overlay_start_1:
0x0: {  	(tag) =	ssettag $0x1  }
0x1: {  	s3 =	stileid.u32;
	s2 =	rddreg [dreg:$0x0]  }
0x2: {  	s4 =	rddreg [dreg:$0x1];
	s15 =	sshll.u32 s3, $0x1;
	s3 =	simm.s32 $0x0  }
0x3: {  	s17 =	simm.s32 $0x80;
	[smem:$0x7FF] =	sst s3  }
0x4: {  	s18 =	simm.s32 $0x1BD0;
	_ =	strace $0x80000056;
	[dreg:$0x6] =	wrdreg s17  }
0x5: {  	s19 =	simm.s32 $0x100;
	[dreg:$0x7] =	wrdreg s18  }
0x6: {  	s20 =	simm.s32 $0x23A0;
	[dreg:$0x8] =	wrdreg s19  }
0x7: {  	s21 =	simm.s32 $0x180;
	[dreg:$0x9] =	wrdreg s20  }
0x8: {  	s22 =	simm.s32 $0x2B70;
	[dreg:$0xa] =	wrdreg s21  }
0x9: {  	s23 =	simm.s32 $0x200;
	[dreg:$0xb] =	wrdreg s22  }
0xa: {  	s24 =	simm.s32 $0x3340;
	[dreg:$0xc] =	wrdreg s23  }
0xb: {  	s25 =	simm.s32 $0x280;
	[dreg:$0xd] =	wrdreg s24  }
0xc: {  	s26 =	simm.s32 $0x3B10;
	[dreg:$0xe] =	wrdreg s25  }
0xd: {  	s28 =	simm.s32 $0x300;
	[dreg:$0xf] =	wrdreg s26  }
0xe: {  	s29 =	simm.s32 $0x42E0;
	[dreg:$0x10] =	wrdreg s28  }
0xf: {  	s7 =	simm.s32 $0x5280;
	[dreg:$0x11] =	wrdreg s29  }
0x10: {  	s8 =	simm.s32 $0x480;
	[dreg:$0x15] =	wrdreg s7  }
0x11: {  	s9 =	simm.s32 $0x5A50;
	[dreg:$0x16] =	wrdreg s8  }
0x12: {  	s10 =	simm.s32 $0x500;
	[dreg:$0x17] =	wrdreg s9  }
0x13: {  	s11 =	simm.s32 $0x6220;
	[dreg:$0x18] =	wrdreg s10  }
0x14: {  	s12 =	simm.s32 $0x580;
	[dreg:$0x19] =	wrdreg s11  }
0x15: {  	s0 =	srdreg.scid;
	s13 =	simm.s32 $0x69F0;
	[dreg:$0x1a] =	wrdreg s12  }
0x16: {  	s14 =	simm.s32 $0x600;
	s1 =	sand.u32 $0x1, s0;
	[dreg:$0x1b] =	wrdreg s13  }
0x17: {  	s0 =	sor.u32 s1, s15;
	s15 =	simm.s32 $0x71C0;
	[dreg:$0x1c] =	wrdreg s14  }
0x18: {  	[dreg:$0x1d] =	wrdreg s15;
	s17 =	simm.s32 $0x7990  }
0x19: {  	s18 =	simm.s32 $0x700;
	[dreg:$0x1f] =	wrdreg s17  }
0x1a: {  	s19 =	simm.s32 $0x8160;
	[smem:$0x7E3] =	sst s18  }
0x1b: {  	s20 =	simm.s32 $0x780;
	[smem:$0x7E2] =	sst s19  }
0x1c: {  	s21 =	simm.s32 $0x8930;
	[smem:$0x7E5] =	sst s20  }
0x1d: {  	s22 =	simm.s32 $0x800;
	[smem:$0x7E4] =	sst s21  }
0x1e: {  	s23 =	simm.s32 $0x9100;
	[smem:$0x7E6] =	sst s22  }
0x1f: {  	s24 =	simm.s32 $0x880;
	[smem:$0x7E1] =	sst s23  }
0x20: {  	s25 =	simm.s32 $0x98D0;
	[smem:$0x7E8] =	sst s24  }
0x21: {  	s26 =	simm.s32 $0x900;
	[smem:$0x7E7] =	sst s25  }
0x22: {  	s28 =	simm.s32 $0xA0A0;
	[smem:$0x7E9] =	sst s26  }
0x23: {  	s29 =	simm.s32 $0x980;
	[smem:$0x7EA] =	sst s28  }
0x24: {  	s7 =	simm.s32 $0xB810;
	[smem:$0x7EB] =	sst s29  }
0x25: {  	s8 =	simm.s32 $0xB00;
	[smem:$0x7F5] =	sst s7  }
0x26: {  	s9 =	simm.s32 $0xBFE0;
	[smem:$0x7EE] =	sst s8  }
0x27: {  	s10 =	simm.s32 $0xB80;
	[smem:$0x7F1] =	sst s9  }
0x28: {  	s11 =	simm.s32 $0xC7B0;
	[smem:$0x7F3] =	sst s10  }
0x29: {  	s12 =	simm.s32 $0xC00;
	[smem:$0x7F0] =	sst s11  }
0x2a: {  	s13 =	simm.s32 $0xCF80;
	[smem:$0x7F8] =	sst s12  }
0x2b: {  	s14 =	simm.s32 $0xC80;
	[smem:$0x7F7] =	sst s13  }
0x2c: {  	s15 =	simm.s32 $0xD750;
	[smem:$0x7F9] =	sst s14  }
0x2d: {  	[smem:$0x7F6] =	sst s15;
	s17 =	simm.s32 $0xDF20  }
0x2e: {  	s5 =	smul.u32 $0x280, s0;
	s18 =	simm.s32 $0xD80;
	[smem:$0x7EF] =	sst s17  }
0x2f: {  	s6 =	smul.u32 $0x13880, s0;
	s19 =	simm.s32 $0xE6F0;
	[smem:$0x7FB] =	sst s18  }
0x30: {  	s0 =	smul.u32 $0x2710, s0;
	s20 =	simm.s32 $0xE00;
	[smem:$0x7ED] =	sst s19  }
0x31: {  	s21 =	simm.s32 $0xEEC0;
	s5 =	sadd.s32 s5, s4;
	[smem:$0x7FC] =	sst s20  }
0x32: {  	s4 =	sadd.s32 $0xC400, s4;
	[smem:$0x7FD] =	sst s21;
	s5 =	sadd.s32 $0x7400, s5  }
0x33: {  	s6 =	sshrl.u32 s6, $0x3;
	s0 =	sadd.s32 s4, s0;
	[dreg:$0x3] =	wrdreg s5  }
0x34: {  	s4 =	sadd.s32 s4, s6;
	s6 =	simm.s32 $0x400;
	[dreg:$0x4] =	wrdreg s0  }
0x35: {  	s16 =	sadd.s32 $0x1388, s4;
	[dreg:$0x14] =	wrdreg s6  }
0x36: {  	s4 =	simm.s32 $0x380;
	[dreg:$0x5] =	wrdreg s16  }
0x37: {  	s5 =	simm.s32 $0x4AB0;
	[dreg:$0x12] =	wrdreg s4  }
0x38: {  	s6 =	simm.s32 $0xA80;
	[dreg:$0x13] =	wrdreg s5  }
0x39: {  	s16 =	simm.s32 $0x680;
	[smem:$0x7F2] =	sst s6  }
0x3a: {  	s4 =	simm.s32 $0xA870;
	[dreg:$0x1e] =	wrdreg s16  }
0x3b: {  	s5 =	simm.s32 $0xA00;
	[smem:$0x7EC] =	sst s4  }
0x3c: {  	[smem:$0x7F4] =	sst s5  }
0x3d: {  	s16 =	simm.s32 $0xD00;
	s5 =	rddreg [dreg:$0x3]  }
0x3e: {  	s4 =	simm.s32 $0x1;
	[smem:$0x7FA] =	sst s16  }
0x3f: {  	[tilespmem:s3], [sflag:$0x1] =	stream.linear.gather [hbm4b:s5+s3], $0x1400, $0x38;
	[tilespmem:$0x14C80] =	vst v63  }
0x40: {  	_ =	swait.ge [sflag:s4], $0x1400  }
0x41: {  	s0 =	rddreg [dreg:$0x12]  }
0x42: {  	s7 =	rddreg [dreg:$0x13]  }
0x43: {  	s8 =	rddreg [dreg:$0x10]  }
0x44: {  	s9 =	sld [smem:$0x7E1]  }
0x45: {  	s10 =	rddreg [dreg:$0xe]  }
0x46: {  	s11 =	sld [smem:$0x7E2]  }
0x47: {  	s12 =	rddreg [dreg:$0xf]  }
0x48: {  	s13 =	rddreg [dreg:$0x1d]  }
0x49: {  	s14 =	rddreg [dreg:$0xc]  }
0x4a: {  	s15 =	rddreg [dreg:$0x19]  }
0x4b: {  	s16 =	rddreg [dreg:$0xb]  }
0x4c: {  	s17 =	rddreg [dreg:$0x15]  }
0x4d: {  	s18 =	rddreg [dreg:$0x11]  }
0x4e: {  	s19 =	rddreg [dreg:$0xd]  }
0x4f: {  	s20 =	rddreg [dreg:$0x8]  }
0x50: {  	s21 =	rddreg [dreg:$0x6]  }
0x51: {  	s22 =	rddreg [dreg:$0x7]  }
0x52: {  	s23 =	rddreg [dreg:$0x9]  }
0x53: {  	s6 =	simm.s32 $0x1400;
	[sflag:s4] =	ssyncset.done $0x0;
	s24 =	rddreg [dreg:$0x14]  }
0x54: {  	s5 =	simm.s32 $0x7D;
	s25 =	rddreg [dreg:$0x16];
	[sflag:s4] =	ssyncadd.s32 $0xFFFFEC00  }
0x55: {  	[tilespmem:s6], [sflag:$0x2] =	stream.indirect.gather [hbm4b:s2+s5], $0x10, s3, s5, $0xb8;
	[tilespmem:$0x14C80] =	vst v63  }
0x56: {  	s26 =	rddreg [dreg:$0x18]  }
0x57: {  	[tilespmem:s22], [sflag:$0x2] =	stream.indirect.gather [hbm4b:s2+s5], $0x10, s21, s5, $0xb8;
	[tilespmem:$0x14C80] =	vst v63  }
0x58: {  	s28 =	rddreg [dreg:$0x1b]  }
0x59: {  	[tilespmem:s23], [sflag:$0x2] =	stream.indirect.gather [hbm4b:s2+s5], $0x10, s20, s5, $0xb8;
	[tilespmem:$0x14C80] =	vst v63  }
0x5a: {  	s22 =	rddreg [dreg:$0xa]  }
0x5b: {  	[tilespmem:s16], [sflag:$0x2] =	stream.indirect.gather [hbm4b:s2+s5], $0x10, s22, s5, $0xb8;
	[tilespmem:$0x14C80] =	vst v63  }
0x5c: {  	s29 =	rddreg [dreg:$0x1a]  }
0x5d: {  	[tilespmem:s19], [sflag:$0x2] =	stream.indirect.gather [hbm4b:s2+s5], $0x10, s14, s5, $0xb8;
	[tilespmem:$0x14C80] =	vst v63  }
0x5e: {  	s23 =	rddreg [dreg:$0x17]  }
0x5f: {  	[tilespmem:s12], [sflag:$0x2] =	stream.indirect.gather [hbm4b:s2+s5], $0x10, s10, s5, $0xb8;
	[tilespmem:$0x14C80] =	vst v63  }
0x60: {  	s16 =	sld [smem:$0x7EB]  }
0x61: {  	[tilespmem:s18], [sflag:$0x2] =	stream.indirect.gather [hbm4b:s2+s5], $0x10, s8, s5, $0xb8;
	[tilespmem:$0x14C80] =	vst v63  }
0x62: {  	s19 =	rddreg [dreg:$0x1e]  }
0x63: {  	[tilespmem:s7], [sflag:$0x2] =	stream.indirect.gather [hbm4b:s2+s5], $0x10, s0, s5, $0xb8;
	[tilespmem:$0x14C80] =	vst v63  }
0x64: {  	s12 =	rddreg [dreg:$0x1c]  }
0x65: {  	[tilespmem:s17], [sflag:$0x2] =	stream.indirect.gather [hbm4b:s2+s5], $0x10, s24, s5, $0xb8;
	[tilespmem:$0x14C80] =	vst v63  }
0x66: {  	s18 =	rddreg [dreg:$0x1f]  }
0x67: {  	[tilespmem:s23], [sflag:$0x2] =	stream.indirect.gather [hbm4b:s2+s5], $0x10, s25, s5, $0xb8;
	[tilespmem:$0x14C80] =	vst v63  }
0x68: {  	s8 =	sld [smem:$0x7E8]  }
0x69: {  	[tilespmem:s15], [sflag:$0x2] =	stream.indirect.gather [hbm4b:s2+s5], $0x10, s26, s5, $0xb8;
	[tilespmem:$0x14C80] =	vst v63  }
0x6a: {  	s24 =	sld [smem:$0x7E3]  }
0x6b: {  	[tilespmem:s28], [sflag:$0x2] =	stream.indirect.gather [hbm4b:s2+s5], $0x10, s29, s5, $0xb8;
	[tilespmem:$0x14C80] =	vst v63  }
0x6c: {  	s25 =	sld [smem:$0x7E4]  }
0x6d: {  	[tilespmem:s13], [sflag:$0x2] =	stream.indirect.gather [hbm4b:s2+s5], $0x10, s12, s5, $0xb8;
	[tilespmem:$0x14C80] =	vst v63  }
0x6e: {  	s26 =	sld [smem:$0x7E5]  }
0x6f: {  	[tilespmem:s18], [sflag:$0x2] =	stream.indirect.gather [hbm4b:s2+s5], $0x10, s19, s5, $0xb8;
	[tilespmem:$0x14C80] =	vst v63  }
0x70: {  	s15 =	sld [smem:$0x7EA]  }
0x71: {  	[tilespmem:s11], [sflag:$0x2] =	stream.indirect.gather [hbm4b:s2+s5], $0x10, s24, s5, $0xb8;
	[tilespmem:$0x14C80] =	vst v63  }
0x72: {  	s28 =	sld [smem:$0x7E6]  }
0x73: {  	[tilespmem:s25], [sflag:$0x2] =	stream.indirect.gather [hbm4b:s2+s5], $0x10, s26, s5, $0xb8;
	[tilespmem:$0x14C80] =	vst v63  }
0x74: {  	s29 =	sld [smem:$0x7E7]  }
0x75: {  	[tilespmem:s9], [sflag:$0x2] =	stream.indirect.gather [hbm4b:s2+s5], $0x10, s28, s5, $0xb8;
	[tilespmem:$0x14C80] =	vst v63  }
0x76: {  	s13 =	sld [smem:$0x7E9]  }
0x77: {  	[tilespmem:s29], [sflag:$0x2] =	stream.indirect.gather [hbm4b:s2+s5], $0x10, s8, s5, $0xb8;
	[tilespmem:$0x14C80] =	vst v63  }
0x78: {  	s17 =	sld [smem:$0x7EC]  }
0x79: {  	[tilespmem:s15], [sflag:$0x2] =	stream.indirect.gather [hbm4b:s2+s5], $0x10, s13, s5, $0xb8;
	[tilespmem:$0x14C80] =	vst v63  }
0x7a: {  	s7 =	simm.s32 $0x2  }
0x7b: {  	[tilespmem:s17], [sflag:$0x2] =	stream.indirect.gather [hbm4b:s2+s5], $0x10, s16, s5, $0xb8;
	[tilespmem:$0x14C80] =	vst v63  }
0x7c: {  	_ =	swait.ge [sflag:s7], $0x9C40  }
0x7d: {  	s0 =	sld [smem:$0x7ED]  }
0x7e: {  	s18 =	sld [smem:$0x7EE]  }
0x7f: {  	s10 =	sld [smem:$0x7EF]  }
0x80: {  	s19 =	sld [smem:$0x7F0]  }
0x81: {  	s20 =	sld [smem:$0x7F1]  }
0x82: {  	s21 =	sld [smem:$0x7F2]  }
0x83: {  	s22 =	sld [smem:$0x7F3]  }
0x84: {  	s23 =	sld [smem:$0x7F4]  }
0x85: {  	[sflag:s7] =	ssyncset.done $0x0;
	s24 =	sld [smem:$0x7F5]  }
0x86: {  	s8 =	simm.s32 $0xB040;
	s25 =	sld [smem:$0x7F6];
	[sflag:s7] =	ssyncadd.s32 $0xFFFF63C0  }
0x87: {  	[tilespmem:s8], [sflag:$0x2] =	stream.indirect.gather [hbm4b:s2+s5], $0x10, s23, s5, $0xb8;
	[tilespmem:$0x14C80] =	vst v63  }
0x88: {  	s26 =	sld [smem:$0x7F7]  }
0x89: {  	[tilespmem:s24], [sflag:$0x2] =	stream.indirect.gather [hbm4b:s2+s5], $0x10, s21, s5, $0xb8;
	[tilespmem:$0x14C80] =	vst v63  }
0x8a: {  	s29 =	sld [smem:$0x7F8]  }
0x8b: {  	[tilespmem:s20], [sflag:$0x2] =	stream.indirect.gather [hbm4b:s2+s5], $0x10, s18, s5, $0xb8;
	[tilespmem:$0x14C80] =	vst v63  }
0x8c: {  	s18 =	sld [smem:$0x7F9]  }
0x8d: {  	[tilespmem:s19], [sflag:$0x2] =	stream.indirect.gather [hbm4b:s2+s5], $0x10, s22, s5, $0xb8;
	[tilespmem:$0x14C80] =	vst v63  }
0x8e: {  	s19 =	sld [smem:$0x7FA]  }
0x8f: {  	[tilespmem:s26], [sflag:$0x2] =	stream.indirect.gather [hbm4b:s2+s5], $0x10, s29, s5, $0xb8;
	[tilespmem:$0x14C80] =	vst v63  }
0x90: {  	s1 =	ssub.s32 $0x2, s1;
	s22 =	sld [smem:$0x7FB]  }
0x91: {  	[tilespmem:s25], [sflag:$0x2] =	stream.indirect.gather [hbm4b:s2+s5], $0x10, s18, s5, $0xb8;
	[tilespmem:$0x14C80] =	vst v63  }
0x92: {  	s28 =	sshrl.u32 s1, $0x1;
	s29 =	sld [smem:$0x7FD]  }
0x93: {  	[tilespmem:s10], [sflag:$0x2] =	stream.indirect.gather [hbm4b:s2+s5], $0x10, s19, s5, $0xb8;
	[tilespmem:$0x14C80] =	vst v63  }
0x94: {  	s1 =	ssub.s32 s1, s28;
	s25 =	sld [smem:$0x7FC]  }
0x95: {  	[tilespmem:s0], [sflag:$0x2] =	stream.indirect.gather [hbm4b:s2+s5], $0x10, s22, s5, $0xb8;
	[tilespmem:$0x14C80] =	vst v63  }
0x96: {  	s1 =	smax.u32 s1, $0x1  }
0x97: {  	[tilespmem:s29], [sflag:$0x2] =	stream.indirect.gather [hbm4b:s2+s5], $0x10, s25, s5, $0xb8;
	[tilespmem:$0x14C80] =	vst v63  }
0x98: {  	p0 =	sne.s32 s1, $0x1;
	s21 =	simm.s32 $0xF690;
	s20 =	simm.s32 $0xE80  }
0x99: {  	[tilespmem:s21], [sflag:$0x2] =	stream.indirect.gather [hbm4b:s2+s5], $0x10, s20, s5, $0xb8;
	[tilespmem:$0x14C80] =	vst v63  }
.Ltmp0:
0x9a: {  	s30 =	simm.s32 $0xF80;
	(pc) =	sbr.rel @!p0 .LBB2_2-.Ltmp0, $4  }
0x9b: {  	s31 =	simm.s32 $0x10630;
	s23 =	simm.s32 $0xF00;
	s24 =	simm.s32 $0xFE60  }
0x9c: {  	[tilespmem:s24], [sflag:$0x2] =	stream.indirect.gather [hbm4b:s2+s5], $0x10, s23, s5, $0xb8;
	[tilespmem:$0x14C80] =	vst v63  }
0x9d: {  	s28 =	simm.s32 $0x10630;
	s1 =	sadd.s32 $0xFFFFFFFF, s1;
	s26 =	simm.s32 $0xF80  }
0x9e: {  	[tilespmem:s28], [sflag:$0x2] =	stream.indirect.gather [hbm4b:s2+s5], $0x10, s26, s5, $0xb8;
	[tilespmem:$0x14C80] =	vst v63  }
.LBB2_1:
0x9f: {  	s0 =	simm.s32 $0x1000;
	s9 =	simm.s32 $0x10E00  }
0xa0: {  	[tilespmem:s9], [sflag:$0x2] =	stream.indirect.gather [hbm4b:s2+s5], $0x10, s0, s5, $0xb8;
	[tilespmem:$0x14C80] =	vst v63  }
0xa1: {  	s10 =	simm.s32 $0x1080;
	s11 =	simm.s32 $0x115D0  }
0xa2: {  	[tilespmem:s11], [sflag:$0x2] =	stream.indirect.gather [hbm4b:s2+s5], $0x10, s10, s5, $0xb8;
	[tilespmem:$0x14C80] =	vst v63  }
0xa3: {  	s12 =	simm.s32 $0x1100;
	s13 =	simm.s32 $0x11DA0  }
0xa4: {  	[tilespmem:s13], [sflag:$0x2] =	stream.indirect.gather [hbm4b:s2+s5], $0x10, s12, s5, $0xb8;
	[tilespmem:$0x14C80] =	vst v63  }
0xa5: {  	s14 =	simm.s32 $0x1180;
	s15 =	simm.s32 $0x12570  }
0xa6: {  	[tilespmem:s15], [sflag:$0x2] =	stream.indirect.gather [hbm4b:s2+s5], $0x10, s14, s5, $0xb8;
	[tilespmem:$0x14C80] =	vst v63  }
0xa7: {  	s16 =	simm.s32 $0x1200;
	s17 =	simm.s32 $0x12D40  }
0xa8: {  	[tilespmem:s17], [sflag:$0x2] =	stream.indirect.gather [hbm4b:s2+s5], $0x10, s16, s5, $0xb8;
	[tilespmem:$0x14C80] =	vst v63  }
0xa9: {  	s18 =	simm.s32 $0x1280;
	s19 =	simm.s32 $0x13510  }
0xaa: {  	[tilespmem:s19], [sflag:$0x2] =	stream.indirect.gather [hbm4b:s2+s5], $0x10, s18, s5, $0xb8;
	[tilespmem:$0x14C80] =	vst v63  }
0xab: {  	s21 =	simm.s32 $0x1300;
	s10 =	simm.s32 $0x13CE0  }
0xac: {  	[tilespmem:s10], [sflag:$0x2] =	stream.indirect.gather [hbm4b:s2+s5], $0x10, s21, s5, $0xb8;
	[tilespmem:$0x14C80] =	vst v63  }
0xad: {  	s22 =	simm.s32 $0x1380;
	s23 =	simm.s32 $0x144B0  }
0xae: {  	[tilespmem:s23], [sflag:$0x2] =	stream.indirect.gather [hbm4b:s2+s5], $0x10, s22, s5, $0xb8;
	[tilespmem:$0x14C80] =	vst v63  }
0xaf: {  	s20 =	rddreg [dreg:$0x4]  }
0xb0: {  	[hbm4b:s20+s3] =	stream.linear.scatter [tilespmem:s6], [sflag:$0x1], $0x9C40, $0x38;
	[tilespmem:$0x14C80] =	vst v63  }
0xb1: {  	_ =	swait.ge [sflag:s7], $0x9C40  }
0xb2: {  	[sflag:s7] =	ssyncset.done $0x0  }
0xb3: {  	s24 =	rddreg [dreg:$0x5];
	[sflag:s7] =	ssyncadd.s32 $0xFFFF63C0  }
0xb4: {  	[hbm4b:s24+s3] =	stream.linear.scatter [tilespmem:s8], [sflag:$0x1], $0x9C40, $0x38;
	[tilespmem:$0x14C80] =	vst v63  }
0xb5: {  	_ =	swait.ge [sflag:s4], $0x9C40  }
0xb6: {  	[sflag:s4] =	ssyncset.done $0x0  }
0xb7: {  	[sflag:s4] =	ssyncadd.s32 $0xFFFF63C0  }
0xb8: {  	_ =	swait.ge [sflag:s4], $0x9C40  }
0xb9: {  	[sflag:s4] =	ssyncset.done $0x0  }
0xba: {  	s25 =	rddreg [dreg:$0x3];
	[sflag:s4] =	ssyncadd.s32 $0xFFFF63C0  }
0xbb: {  	[tilespmem:s3], [sflag:$0x1] =	stream.linear.gather [hbm4b:s25+s3], $0x1400, $0x38;
	[tilespmem:$0x14C80] =	vst v63  }
0xbc: {  	_ =	swait.ge [sflag:s4], $0x1400  }
0xbd: {  	s11 =	rddreg [dreg:$0x12]  }
0xbe: {  	s12 =	rddreg [dreg:$0x13]  }
0xbf: {  	s14 =	rddreg [dreg:$0x10]  }
0xc0: {  	s0 =	sld [smem:$0x7E1]  }
0xc1: {  	s15 =	rddreg [dreg:$0xe]  }
0xc2: {  	s9 =	sld [smem:$0x7E2]  }
0xc3: {  	s16 =	rddreg [dreg:$0xf]  }
0xc4: {  	s10 =	rddreg [dreg:$0x1d]  }
0xc5: {  	s17 =	rddreg [dreg:$0xc]  }
0xc6: {  	s13 =	rddreg [dreg:$0x19]  }
0xc7: {  	s18 =	rddreg [dreg:$0xb]  }
0xc8: {  	s19 =	rddreg [dreg:$0x15]  }
0xc9: {  	s20 =	rddreg [dreg:$0x11]  }
0xca: {  	s21 =	rddreg [dreg:$0xd]  }
0xcb: {  	s22 =	rddreg [dreg:$0xa]  }
0xcc: {  	s23 =	rddreg [dreg:$0x8]  }
0xcd: {  	s24 =	rddreg [dreg:$0x9]  }
0xce: {  	s25 =	rddreg [dreg:$0x6]  }
0xcf: {  	[sflag:s4] =	ssyncset.done $0x0;
	s26 =	rddreg [dreg:$0x7]  }
0xd0: {  	s28 =	rddreg [dreg:$0x14];
	[sflag:s4] =	ssyncadd.s32 $0xFFFFEC00  }
0xd1: {  	[tilespmem:s6], [sflag:$0x2] =	stream.indirect.gather [hbm4b:s2+s5], $0x10, s3, s5, $0xb8;
	[tilespmem:$0x14C80] =	vst v63  }
0xd2: {  	s29 =	rddreg [dreg:$0x17]  }
0xd3: {  	[tilespmem:s26], [sflag:$0x2] =	stream.indirect.gather [hbm4b:s2+s5], $0x10, s25, s5, $0xb8;
	[tilespmem:$0x14C80] =	vst v63  }
0xd4: {  	s25 =	rddreg [dreg:$0x16]  }
0xd5: {  	[tilespmem:s24], [sflag:$0x2] =	stream.indirect.gather [hbm4b:s2+s5], $0x10, s23, s5, $0xb8;
	[tilespmem:$0x14C80] =	vst v63  }
0xd6: {  	s26 =	rddreg [dreg:$0x18]  }
0xd7: {  	[tilespmem:s18], [sflag:$0x2] =	stream.indirect.gather [hbm4b:s2+s5], $0x10, s22, s5, $0xb8;
	[tilespmem:$0x14C80] =	vst v63  }
0xd8: {  	s24 =	sld [smem:$0x7E3]  }
0xd9: {  	[tilespmem:s21], [sflag:$0x2] =	stream.indirect.gather [hbm4b:s2+s5], $0x10, s17, s5, $0xb8;
	[tilespmem:$0x14C80] =	vst v63  }
0xda: {  	s18 =	rddreg [dreg:$0x1b]  }
0xdb: {  	[tilespmem:s16], [sflag:$0x2] =	stream.indirect.gather [hbm4b:s2+s5], $0x10, s15, s5, $0xb8;
	[tilespmem:$0x14C80] =	vst v63  }
0xdc: {  	s22 =	rddreg [dreg:$0x1e]  }
0xdd: {  	[tilespmem:s20], [sflag:$0x2] =	stream.indirect.gather [hbm4b:s2+s5], $0x10, s14, s5, $0xb8;
	[tilespmem:$0x14C80] =	vst v63  }
0xde: {  	s17 =	rddreg [dreg:$0x1a]  }
0xdf: {  	[tilespmem:s12], [sflag:$0x2] =	stream.indirect.gather [hbm4b:s2+s5], $0x10, s11, s5, $0xb8;
	[tilespmem:$0x14C80] =	vst v63  }
0xe0: {  	s21 =	rddreg [dreg:$0x1f]  }
0xe1: {  	[tilespmem:s19], [sflag:$0x2] =	stream.indirect.gather [hbm4b:s2+s5], $0x10, s28, s5, $0xb8;
	[tilespmem:$0x14C80] =	vst v63  }
0xe2: {  	s16 =	rddreg [dreg:$0x1c]  }
0xe3: {  	[tilespmem:s29], [sflag:$0x2] =	stream.indirect.gather [hbm4b:s2+s5], $0x10, s25, s5, $0xb8;
	[tilespmem:$0x14C80] =	vst v63  }
0xe4: {  	s15 =	sld [smem:$0x7E9]  }
0xe5: {  	[tilespmem:s13], [sflag:$0x2] =	stream.indirect.gather [hbm4b:s2+s5], $0x10, s26, s5, $0xb8;
	[tilespmem:$0x14C80] =	vst v63  }
0xe6: {  	s14 =	sld [smem:$0x7E8]  }
0xe7: {  	[tilespmem:s18], [sflag:$0x2] =	stream.indirect.gather [hbm4b:s2+s5], $0x10, s17, s5, $0xb8;
	[tilespmem:$0x14C80] =	vst v63  }
0xe8: {  	s20 =	sld [smem:$0x7EC]  }
0xe9: {  	[tilespmem:s10], [sflag:$0x2] =	stream.indirect.gather [hbm4b:s2+s5], $0x10, s16, s5, $0xb8;
	[tilespmem:$0x14C80] =	vst v63  }
0xea: {  	s25 =	sld [smem:$0x7E4]  }
0xeb: {  	[tilespmem:s21], [sflag:$0x2] =	stream.indirect.gather [hbm4b:s2+s5], $0x10, s22, s5, $0xb8;
	[tilespmem:$0x14C80] =	vst v63  }
0xec: {  	s26 =	sld [smem:$0x7E5]  }
0xed: {  	[tilespmem:s9], [sflag:$0x2] =	stream.indirect.gather [hbm4b:s2+s5], $0x10, s24, s5, $0xb8;
	[tilespmem:$0x14C80] =	vst v63  }
0xee: {  	s28 =	sld [smem:$0x7E6]  }
0xef: {  	[tilespmem:s25], [sflag:$0x2] =	stream.indirect.gather [hbm4b:s2+s5], $0x10, s26, s5, $0xb8;
	[tilespmem:$0x14C80] =	vst v63  }
0xf0: {  	s29 =	sld [smem:$0x7E7]  }
0xf1: {  	[tilespmem:s0], [sflag:$0x2] =	stream.indirect.gather [hbm4b:s2+s5], $0x10, s28, s5, $0xb8;
	[tilespmem:$0x14C80] =	vst v63  }
0xf2: {  	s18 =	sld [smem:$0x7EA]  }
0xf3: {  	[tilespmem:s29], [sflag:$0x2] =	stream.indirect.gather [hbm4b:s2+s5], $0x10, s14, s5, $0xb8;
	[tilespmem:$0x14C80] =	vst v63  }
0xf4: {  	s19 =	sld [smem:$0x7EB]  }
0xf5: {  	[tilespmem:s18], [sflag:$0x2] =	stream.indirect.gather [hbm4b:s2+s5], $0x10, s15, s5, $0xb8;
	[tilespmem:$0x14C80] =	vst v63  }
0xf6: {  	_ = 	snop  }
0xf7: {  	[tilespmem:s20], [sflag:$0x2] =	stream.indirect.gather [hbm4b:s2+s5], $0x10, s19, s5, $0xb8;
	[tilespmem:$0x14C80] =	vst v63  }
0xf8: {  	_ =	swait.ge [sflag:s7], $0x9C40  }
0xf9: {  	s0 =	sld [smem:$0x7ED]  }
0xfa: {  	s21 =	sld [smem:$0x7EE]  }
0xfb: {  	s10 =	sld [smem:$0x7EF]  }
0xfc: {  	s22 =	sld [smem:$0x7F0]  }
0xfd: {  	s23 =	sld [smem:$0x7F1]  }
0xfe: {  	s24 =	sld [smem:$0x7F2]  }
0xff: {  	s25 =	sld [smem:$0x7F3]  }
0x100: {  	s26 =	sld [smem:$0x7F4]  }
0x101: {  	[sflag:s7] =	ssyncset.done $0x0;
	s28 =	sld [smem:$0x7F5]  }
0x102: {  	s29 =	sld [smem:$0x7F6];
	[sflag:s7] =	ssyncadd.s32 $0xFFFF63C0  }
0x103: {  	[tilespmem:s8], [sflag:$0x2] =	stream.indirect.gather [hbm4b:s2+s5], $0x10, s26, s5, $0xb8;
	[tilespmem:$0x14C80] =	vst v63  }
0x104: {  	s18 =	sld [smem:$0x7F7]  }
0x105: {  	[tilespmem:s28], [sflag:$0x2] =	stream.indirect.gather [hbm4b:s2+s5], $0x10, s24, s5, $0xb8;
	[tilespmem:$0x14C80] =	vst v63  }
0x106: {  	s19 =	sld [smem:$0x7F8]  }
0x107: {  	[tilespmem:s23], [sflag:$0x2] =	stream.indirect.gather [hbm4b:s2+s5], $0x10, s21, s5, $0xb8;
	[tilespmem:$0x14C80] =	vst v63  }
0x108: {  	s20 =	sld [smem:$0x7F9]  }
0x109: {  	[tilespmem:s22], [sflag:$0x2] =	stream.indirect.gather [hbm4b:s2+s5], $0x10, s25, s5, $0xb8;
	[tilespmem:$0x14C80] =	vst v63  }
0x10a: {  	s24 =	sld [smem:$0x7FD]  }
0x10b: {  	[tilespmem:s18], [sflag:$0x2] =	stream.indirect.gather [hbm4b:s2+s5], $0x10, s19, s5, $0xb8;
	[tilespmem:$0x14C80] =	vst v63  }
0x10c: {  	s21 =	sld [smem:$0x7FA]  }
0x10d: {  	[tilespmem:s29], [sflag:$0x2] =	stream.indirect.gather [hbm4b:s2+s5], $0x10, s20, s5, $0xb8;
	[tilespmem:$0x14C80] =	vst v63  }
0x10e: {  	s22 =	sld [smem:$0x7FB]  }
0x10f: {  	[tilespmem:s10], [sflag:$0x2] =	stream.indirect.gather [hbm4b:s2+s5], $0x10, s21, s5, $0xb8;
	[tilespmem:$0x14C80] =	vst v63  }
0x110: {  	s23 =	sld [smem:$0x7FC]  }
0x111: {  	[tilespmem:s0], [sflag:$0x2] =	stream.indirect.gather [hbm4b:s2+s5], $0x10, s22, s5, $0xb8;
	[tilespmem:$0x14C80] =	vst v63  }
0x112: {  	_ = 	snop  }
0x113: {  	[tilespmem:s24], [sflag:$0x2] =	stream.indirect.gather [hbm4b:s2+s5], $0x10, s23, s5, $0xb8;
	[tilespmem:$0x14C80] =	vst v63  }
0x114: {  	p0 =	sne.s32 s1, $0x1;
	s26 =	simm.s32 $0xF690;
	s25 =	simm.s32 $0xE80  }
0x115: {  	[tilespmem:s26], [sflag:$0x2] =	stream.indirect.gather [hbm4b:s2+s5], $0x10, s25, s5, $0xb8;
	[tilespmem:$0x14C80] =	vst v63  }
.Ltmp1:
0x116: {  	_ = 	snop;
	(pc) =	sbr.rel @p0 .LBB2_1-.Ltmp1, $4  }
0x117: {  	s28 =	simm.s32 $0xF00;
	s29 =	simm.s32 $0xFE60  }
0x118: {  	[tilespmem:s29], [sflag:$0x2] =	stream.indirect.gather [hbm4b:s2+s5], $0x10, s28, s5, $0xb8;
	[tilespmem:$0x14C80] =	vst v63  }
0x119: {  	s1 =	sadd.s32 $0xFFFFFFFF, s1  }
0x11a: {  	[tilespmem:s31], [sflag:$0x2] =	stream.indirect.gather [hbm4b:s2+s5], $0x10, s30, s5, $0xb8;
	[tilespmem:$0x14C80] =	vst v63  }
.LBB2_2:
0x11b: {  	s0 =	simm.s32 $0x1000;
	s1 =	simm.s32 $0x10E00  }
0x11c: {  	[tilespmem:s1], [sflag:$0x2] =	stream.indirect.gather [hbm4b:s2+s5], $0x10, s0, s5, $0xb8;
	[tilespmem:$0x14C80] =	vst v63  }
0x11d: {  	s15 =	simm.s32 $0x1080;
	s16 =	simm.s32 $0x115D0  }
0x11e: {  	[tilespmem:s16], [sflag:$0x2] =	stream.indirect.gather [hbm4b:s2+s5], $0x10, s15, s5, $0xb8;
	[tilespmem:$0x14C80] =	vst v63  }
0x11f: {  	s17 =	simm.s32 $0x1100;
	s18 =	simm.s32 $0x11DA0  }
0x120: {  	[tilespmem:s18], [sflag:$0x2] =	stream.indirect.gather [hbm4b:s2+s5], $0x10, s17, s5, $0xb8;
	[tilespmem:$0x14C80] =	vst v63  }
0x121: {  	s19 =	simm.s32 $0x1180;
	s20 =	simm.s32 $0x12570  }
0x122: {  	[tilespmem:s20], [sflag:$0x2] =	stream.indirect.gather [hbm4b:s2+s5], $0x10, s19, s5, $0xb8;
	[tilespmem:$0x14C80] =	vst v63  }
0x123: {  	s21 =	simm.s32 $0x1200;
	s22 =	simm.s32 $0x12D40  }
0x124: {  	[tilespmem:s22], [sflag:$0x2] =	stream.indirect.gather [hbm4b:s2+s5], $0x10, s21, s5, $0xb8;
	[tilespmem:$0x14C80] =	vst v63  }
0x125: {  	s23 =	simm.s32 $0x1280;
	s24 =	simm.s32 $0x13510  }
0x126: {  	[tilespmem:s24], [sflag:$0x2] =	stream.indirect.gather [hbm4b:s2+s5], $0x10, s23, s5, $0xb8;
	[tilespmem:$0x14C80] =	vst v63  }
0x127: {  	s25 =	simm.s32 $0x1300;
	s26 =	simm.s32 $0x13CE0  }
0x128: {  	[tilespmem:s26], [sflag:$0x2] =	stream.indirect.gather [hbm4b:s2+s5], $0x10, s25, s5, $0xb8;
	[tilespmem:$0x14C80] =	vst v63  }
0x129: {  	s29 =	simm.s32 $0x1380;
	s9 =	simm.s32 $0x144B0  }
0x12a: {  	[tilespmem:s9], [sflag:$0x2] =	stream.indirect.gather [hbm4b:s2+s5], $0x10, s29, s5, $0xb8;
	[tilespmem:$0x14C80] =	vst v63  }
0x12b: {  	s28 =	rddreg [dreg:$0x4]  }
0x12c: {  	[hbm4b:s28+s3] =	stream.linear.scatter [tilespmem:s6], [sflag:$0x1], $0x9C40, $0x38;
	[tilespmem:$0x14C80] =	vst v63  }
0x12d: {  	_ =	swait.ge [sflag:s7], $0x9C40  }
0x12e: {  	[sflag:s7] =	ssyncset.done $0x0  }
0x12f: {  	s30 =	rddreg [dreg:$0x5];
	[sflag:s7] =	ssyncadd.s32 $0xFFFF63C0  }
0x130: {  	[hbm4b:s30+s3] =	stream.linear.scatter [tilespmem:s8], [sflag:$0x1], $0x9C40, $0x38;
	[tilespmem:$0x14C80] =	vst v63  }
0x131: {  	_ =	swait.ge [sflag:s4], $0x9C40  }
0x132: {  	[sflag:s4] =	ssyncset.done $0x0  }
0x133: {  	[sflag:s4] =	ssyncadd.s32 $0xFFFF63C0  }
0x134: {  	_ =	swait.ge [sflag:s4], $0x9C40  }
0x135: {  	[sflag:s4] =	ssyncset.done $0x0  }
0x136: {  	[sflag:s4] =	ssyncadd.s32 $0xFFFF63C0  }
0x137: {  	_ =	sfence.sel $0x180000  }
0x138: {  	[bflag:$0x0] =	sbarrier.arrive $0xFFFF  }
0x139: {  	_ =	strace $0x90000056  }
0x13a: {  	s31 =	stileid.u32;
	[bflag:$0x2] =	sbarrier.arrive $0xFFFF  }
0x13b: {  	p0 =	sne.s32 s31, $0x0;
	s0 =	rddreg [dreg:$0x2]  }
0x13c: {  	s0 =	sadd.s32 @!p0 $0x100000, s0  }
0x13d: {  	[sflag:s0] =	ssyncadd.tile.s32 @!p0 $0x1;
	_ =	shalt  }
.Lfunc_end2:
_tile_overlayer_lowered:
.L_overlay_start_2:
0x13e: {  	(tag) =	ssettag $0x2  }
0x13f: {  	s0 =	rddreg [dreg:$0x0];
	s2 =	stileid.u32  }
0x140: {  	s1 =	rddreg [dreg:$0x1];
	p0 =	sne.s32 s2, $0x0  }
0x141: {  	s3 =	rddreg [dreg:$0x2];
	[bflag:$0x3] =	sbarrier.arrive $0xFFFF;
	s2 =	simm.s32 @!p0 $0x1C03  }
0x142: {  	[timem:s3], [sflag:s2] =	dma.local @!p0 [hbm:s0], s1  }
0x143: {  	s0 =	simm.s32 @!p0 $0x3  }
0x144: {  	_ =	swait.ge @!p0 [sflag:s0], s1  }
0x145: {  	s1 =	ssub.s32 @!p0 $0x0, s1;
	[sflag:s0] =	ssyncset.done @!p0 $0x0  }
0x146: {  	[sflag:s0] =	ssyncadd.s32 @!p0 s1  }
0x147: {  	[bflag:$0x3] =	sbarrier.arrive $0xFFFF  }
0x148: {  	_ =	shalt  }

// kernel: kernel.34.cloned.1.call-start
scs
__scs_entry_jumppad:
0x0: {  	(pc) =	sbr.rel $0x88, $3  }
0x1: {  	(tag) =	ssettag $0x0;
	lr =	simm.s32 $0x1  }
0x2: {  	[smem:$0x3F80] =	sst lr;
	_ =	strace $0xD0000000  }
0x3: {  	_ = 	snop  }
0x4: {  	_ = 	snop  }
0x5: {  	_ = 	snop  }
0x6: {  	_ = 	snop  }
0x7: {  	_ = 	snop  }
__scs_overlays_trampoline_lowered:
0x8: {  	[smem:$0x3F8F] =	sst s0  }
0x9: {  	[smem:$0x3F90] =	sst s1  }
0xa: {  	[smem:$0x3F91] =	sst s2  }
0xb: {  	[smem:$0x3F92] =	sst s3  }
0xc: {  	[smem:$0x3F93] =	sst s4  }
0xd: {  	[smem:$0x3F94] =	sst s5  }
0xe: {  	[smem:$0x3F95] =	sst s6  }
0xf: {  	[smem:$0x3F96] =	sst s7  }
0x10: {  	[smem:$0x3F97] =	sst s8  }
0x11: {  	[smem:$0x3F98] =	sst s9;
	s0 =	simm.s32 @!p0 $0x0  }
0x12: {  	s1 =	sld [smem:$0x3F7E];
	s0 =	simm.s32 @p0 $0x1  }
0x13: {  	[smem:$0x3F99] =	sst s0;
	s0 =	simm.s32 @!p1 $0x0  }
0x14: {  	s2 =	sld [smem:$0x3F7D];
	s0 =	simm.s32 @p1 $0x1  }
0x15: {  	[smem:$0x3F9A] =	sst s0;
	s0 =	simm.s32 @!p2 $0x0  }
0x16: {  	s3 =	sld [smem:$0x3FDB];
	s0 =	simm.s32 @p2 $0x1  }
0x17: {  	s4 =	simm.s32 $0x1BF5;
	[smem:$0x3F9C] =	sst s0  }
0x18: {  	s0 =	sld [smem:$0x3F7F];
	_ =	swait.ge [sflag:s4], $0x0  }
0x19: {  	s7 =	sld [smem:$0x3F80]  }
0x1a: {  	s8 =	sadd.s32 $0xFFFFE003, lr  }
0x1b: {  	s9 =	sadd.s32 $0xFFFFFEF7, lr;
	s5 =	simm.s32 $0xFFFFFFFF;
	p2 =	slt.u32 s8, $0xFFFFF086  }
0x1c: {  	p1 =	slt.u32 s9, $0xF7A;
	s5 =	simm.s32 @!p2 $0x0  }
0x1d: {  	s5 =	simm.s32 @p1 $0x1;
	p0 =	seq.s32 s7, s2  }
0x1e: {  	s7 =	smul.u32 @!p0 $0xF7A, s2;
	p2 =	seq.s32 @!p0 s5, $0x0  }
0x1f: {  	s9 =	smul.u32 $0xF7A, s1;
	s8 =	simm.s32 @!p0 $0x1BF5;
	p2 =	por !p2, p0  }
0x20: {  	[sflag:s8] =	ssyncset.s32 @!p0 $0xFFFFF086;
	s6 =	sadd.s32 @!p0 s3, s7;
	s7 =	simm.s32 @!p0 $0x108  }
0x21: {  	s3 =	sadd.s32 s3, s9;
	s6 =	sadd.s32 @!p0 $0x88, s6;
	s7 =	simm.s32 @p2 $0x1082  }
0x22: {  	[simem:s7], [sflag:s8] =	dma.local @!p0 [hbm:s6], $0xF7A  }
0x23: {  	s9 =	sor.u32 $0xD0000000, s2;
	s6 =	simm.s32 $0x108;
	_ =	swait.ge @!p0 [sflag:s8], $0x0  }
0x24: {  	s3 =	sadd.s32 $0x88, s3;
	s6 =	simm.s32 @!p1 $0x1082;
	[sflag:s4] =	ssyncset.s32 $0xFFFFF086  }
0x25: {  	[simem:s6], [sflag:s4] =	dma.local [hbm:s3], $0xF7A  }
0x26: {  	[smem:$0x3F80] =	sst s1;
	(tag) =	ssettag s2;
	_ =	strace s9  }
0x27: {  	s1 =	sld [smem:$0x3F90]  }
0x28: {  	s2 =	sld [smem:$0x3F91]  }
0x29: {  	s4 =	sld [smem:$0x3F93]  }
0x2a: {  	p0 =	seq.s32 s5, $0x0;
	s5 =	sld [smem:$0x3F94]  }
0x2b: {  	s6 =	sld [smem:$0x3F95]  }
0x2c: {  	s7 =	sld [smem:$0x3F96]  }
0x2d: {  	s3 =	simm.s32 $0x108;
	s8 =	sld [smem:$0x3F97]  }
0x2e: {  	s3 =	simm.s32 @!p0 $0x1082;
	s9 =	sld [smem:$0x3F98]  }
0x2f: {  	lr =	sadd.s32 s0, s3;
	s0 =	sld [smem:$0x3F8F]  }
0x30: {  	s3 =	sld [smem:$0x3F92]  }
0x31: {  	[smem:$0x3F9B] =	sst s10  }
0x32: {  	s10 =	sld [smem:$0x3F99];
	_ =	sdelay $0x3  }
0x33: {  	p0 =	seq.s32 s10, $0x1;
	s10 =	sld [smem:$0x3F9B];
	_ =	sdelay $0x3  }
0x34: {  	[smem:$0x3F9B] =	sst s10  }
0x35: {  	s10 =	sld [smem:$0x3F9A];
	_ =	sdelay $0x3  }
0x36: {  	p1 =	seq.s32 s10, $0x1;
	s10 =	sld [smem:$0x3F9B];
	_ =	sdelay $0x3  }
0x37: {  	[smem:$0x3F9B] =	sst s10  }
0x38: {  	s10 =	sld [smem:$0x3F9C]  }
0x39: {  	_ = 	snop;
	(pc) =	sbr.ind lr, $3  }
0x3a: {  	_ = 	snop  }
0x3b: {  	_ = 	snop  }
0x3c: {  	p2 =	seq.s32 s10, $0x1;
	s10 =	sld [smem:$0x3F9B]  }
0x3d: {  	_ =	shalt  }
0x3e: {  	_ =	shalt  }
0x3f: {  	_ =	shalt  }
0x40: {  	_ =	shalt  }
0x41: {  	_ =	shalt  }
0x42: {  	_ =	shalt  }
0x43: {  	_ =	shalt  }
0x44: {  	_ =	shalt  }
0x45: {  	_ =	shalt  }
0x46: {  	_ =	shalt  }
0x47: {  	_ =	shalt  }
0x48: {  	_ =	shalt  }
0x49: {  	_ =	shalt  }
0x4a: {  	_ =	shalt  }
0x4b: {  	_ =	shalt  }
0x4c: {  	_ =	shalt  }
0x4d: {  	_ =	shalt  }
0x4e: {  	_ =	shalt  }
0x4f: {  	_ =	shalt  }
0x50: {  	_ =	shalt  }
0x51: {  	_ =	shalt  }
0x52: {  	_ =	shalt  }
0x53: {  	_ =	shalt  }
0x54: {  	_ =	shalt  }
0x55: {  	_ =	shalt  }
0x56: {  	_ =	shalt  }
0x57: {  	_ =	shalt  }
0x58: {  	_ =	shalt  }
0x59: {  	_ =	shalt  }
0x5a: {  	_ =	shalt  }
0x5b: {  	_ =	shalt  }
0x5c: {  	_ =	shalt  }
0x5d: {  	_ =	shalt  }
0x5e: {  	_ =	shalt  }
0x5f: {  	_ =	shalt  }
0x60: {  	_ =	shalt  }
0x61: {  	_ =	shalt  }
0x62: {  	_ =	shalt  }
0x63: {  	_ =	shalt  }
0x64: {  	_ =	shalt  }
0x65: {  	_ =	shalt  }
0x66: {  	_ =	shalt  }
0x67: {  	_ =	shalt  }
0x68: {  	_ =	shalt  }
0x69: {  	_ =	shalt  }
0x6a: {  	_ =	shalt  }
0x6b: {  	_ =	shalt  }
0x6c: {  	_ =	shalt  }
0x6d: {  	_ =	shalt  }
0x6e: {  	_ =	shalt  }
0x6f: {  	_ =	shalt  }
0x70: {  	_ =	shalt  }
0x71: {  	_ =	shalt  }
0x72: {  	_ =	shalt  }
0x73: {  	_ =	shalt  }
0x74: {  	_ =	shalt  }
0x75: {  	_ =	shalt  }
0x76: {  	_ =	shalt  }
0x77: {  	_ =	shalt  }
0x78: {  	_ =	shalt  }
0x79: {  	_ =	shalt  }
0x7a: {  	_ =	shalt  }
0x7b: {  	_ =	shalt  }
0x7c: {  	_ =	shalt  }
0x7d: {  	_ =	shalt  }
0x7e: {  	_ =	shalt  }
0x7f: {  	_ =	shalt  }
0x80: {  	_ =	shalt  }
0x81: {  	_ =	shalt  }
0x82: {  	_ =	shalt  }
0x83: {  	_ =	shalt  }
0x84: {  	_ =	shalt  }
0x85: {  	_ =	shalt  }
0x86: {  	_ =	shalt  }
0x87: {  	_ =	shalt  }
.Lfunc_end0:
.L_simem_size_0:
called_computation.6_lowered:
.L_overlay_start_0:
0x88: {  	s2 =	sld [smem:$0x3FD9]  }
0x89: {  	s3 =	sld [smem:$0x3FFE];
	_ =	sdelay $0x1  }
0x8a: {  	s1 =	srdreg.scid  }
0x8b: {  	s0 =	sand.u32 $0x1, s1  }
0x8c: {  	s16 =	sshll.u32 s0, $0xA;
	s2 =	sadd.s32 s3, s2  }
0x8d: {  	s2 =	sadd.s32 s2, s16  }
0x8e: {  	[smem:$0x3FA7] =	sst s2  }
0x8f: {  	_ = 	snop  }
0x90: {  	(tm) =	ssettm $0x1  }
0x91: {  	s17 =	sld [smem:$0x3FFB];
	_ =	sdelay $0x3  }
0x92: {  	_ =	strace s17  }
0x93: {  	s2 =	sld [smem:$0x3FFC];
	_ =	sdelay $0x3  }
0x94: {  	_ =	strace s2  }
0x95: {  	s2 =	sld [smem:$0x3FFD];
	_ =	sdelay $0x3  }
0x96: {  	_ =	strace s2  }
0x97: {  	_ =	strace $0x8FFFFFFF  }
0x98: {  	s18 =	sld [smem:$0x3FDB];
	_ =	sdelay $0x1  }
0x99: {  	s19 =	simm.s32 $_scs_section_size  }
0x9a: {  	s4 =	simm.s32 $_size__tile_overlayer_lowered;
	s5 =	simm.s32 $_tile_overlayer_lowered  }
0x9b: {  	s22 =	simm.s32 $0x1BFF;
	s21 =	sshll.u32 s5, $0x1;
	s2 =	sadd.s32 s19, s18  }
0x9c: {  	s6 =	simm.s32 $0x0;
	s20 =	sshll.u32 s4, $0x1;
	s4 =	sadd.s32 s21, s2  }
0x9d: {  	[timem:s6], [sflag:s22] =	dma.local [hbm:s4], s20  }
0x9e: {  	_ =	swait.ge [sflag:s22], s20  }
0x9f: {  	s3 =	ssub.s32 $0x0, s20;
	[sflag:s22] =	ssyncset.done $0x0  }
0xa0: {  	[sflag:s22] =	ssyncadd.s32 s3;
	_ =	sdelay $0x1  }
0xa1: {  	s23 =	simm.s32 $0x1B8B  }
0xa2: {  	_ =	swait.ge [sflag:s23], $0x1  }
0xa3: {  	[sflag:s23] =	ssyncset.done $0x0  }
0xa4: {  	s25 =	simm.s32 $0x1B8E;
	s24 =	sld [smem:$0x3FFE];
	[sflag:s23] =	ssyncadd.s32 $0xFFFFFFFF  }
0xa5: {  	s26 =	simm.s32 $execute0_lowered;
	[smem:$0x3FD2] =	sst s25  }
0xa6: {  	s4 =	sshll.u32 s26, $0x1;
	_ =	strace $0x80000058;
	[dreg:$0x1] =	wrdreg $0xFFFFFFFF  }
0xa7: {  	s28 =	simm.s32 $_size_execute0_lowered;
	s2 =	sadd.s32 s2, s4;
	[dreg:$0x0] =	wrdreg $0x0  }
0xa8: {  	s4 =	sshll.u32 s28, $0x1;
	[dreg:$0x2] =	wrdreg s2  }
0xa9: {  	[dreg:$0x3] =	wrdreg s4  }
0xaa: {  	[dreg:$0x4] =	wrdreg $0xC0  }
0xab: {  	_ =	task [dreg:s6], $0x5FFFF  }
0xac: {  	[dreg:$0x1] =	wrdreg $0xFFFFFFFF  }
0xad: {  	[dreg:$0x0] =	wrdreg $0x60  }
0xae: {  	[dreg:$0x2] =	wrdreg s24  }
0xaf: {  	[dreg:$0x3] =	wrdreg $0x14C800  }
0xb0: {  	[dreg:$0x4] =	wrdreg $0x9  }
0xb1: {  	_ =	task.clear_ibuf [dreg:s6], $0x5FFFF;
	_ =	strace $0x90000058  }
0xb2: {  	s29 =	simm.s32 $0x9;
	_ =	strace $0x8000005A  }
0xb3: {  	_ =	swait.ge [sflag:s29], $0x1  }
0xb4: {  	[sflag:s29] =	ssyncadd.s32 $0xFFFFFFFF  }
0xb5: {  	_ =	strace $0x9000005A  }
0xb6: {  	_ =	sfence  }
0xb7: {  	s30 =	sld [smem:$0x0];
	_ =	sdelay $0x2  }
0xb8: {  	s31 =	sshll.u32 s1, $0xD;
	s1 =	sshrl.u32 s1, $0x2  }
0xb9: {  	s3 =	sand.u32 $0x4000, s31;
	s1 =	sadd.s32 s1, s30  }
0xba: {  	s0 =	sor.u32 s3, s0;
	s1 =	sshll.u32 s1, $0x11  }
0xbb: {  	s0 =	sor.u32 s1, s0  }
0xbc: {  	s0 =	sadd.s32 $0x8F2B, s0  }
0xbd: {  	[sflag:s0] =	ssyncadd.remote.s32 $0x1  }
0xbe: {  	_ =	sfence.sel $0xFFFF  }
0xbf: {  	[dreg:$0x0] =	wrdreg $0xFFFFFFFF;
	(pc) =	sbr.abs _section_cstart, $3  }
0xc0: {  	[dreg:$0x1] =	wrdreg $0xFFFFFFFF  }
0xc1: {  	_ =	task.clear_ibuf [dreg:s6], $0x2FFFF;
	_ =	strace $0x9FFFFFFF  }
0xc2: {  	(tm) =	ssettm $0x7FFFFFFF  }
0xc3: {  	_ =	shalt  }
tec
execute0_lowered:
.L_overlay_start_1:
0x0: {  	(tag) =	ssettag $0x1  }
0x1: {  	s1 =	srdreg.scid;
	s5 =	rddreg [dreg:$0x0]  }
0x2: {  	s0 =	stileid.u32;
	s2 =	rddreg [dreg:$0x1]  }
0x3: {  	s3 =	simm.s32 $0x0;
	s15 =	simm.s32 $0x3;
	s16 =	simm.s32 $0x0  }
0x4: {  	s4 =	sand.u32 $0x1, s1;
	s28 =	sshll.u32 s0, $0x1;
	s8 =	smul.u32 $0x2710, s0  }
0x5: {  	[smem:$0x7FF] =	sst s3;
	s1 =	sor.u32 s4, s28;
	s9 =	smul.u32 $0x27100, s4  }
0x6: {  	s14 =	sshll.u32 s0, $0x6;
	s4 =	ssub.s32 $0x2, s4;
	s6 =	smul.u32 $0x2710, s1  }
0x7: {  	s7 =	smul.u32 $0x280, s1;
	s1 =	rddreg [dreg:$0x2];
	_ =	strace $0x80000059  }
0x8: {  	s31 =	sshrl.u32 s8, $0x3;
	s11 =	sshrl.u32 s4, $0x1;
	s13 =	sadd.s32 s8, s2  }
0x9: {  	s30 =	sadd.s32 s8, s9;
	s9 =	sadd.s32 s31, s5;
	s11 =	ssub.s32 s4, s11  }
0xa: {  	s10 =	sadd.s32 s6, s5;
	s29 =	sadd.s32 s7, s5;
	s7 =	sshrl.u32 s30, $0x3  }
0xb: {  	s4 =	sadd.s32 $0x5F600, s9;
	s9 =	smax.u32 s11, $0x1;
	s11 =	simm.s32 $0x1  }
0xc: {  	s12 =	sadd.s32 s7, s5;
	s5 =	sor.u32 $0x1C01, s14;
	s6 =	sadd.s32 $0x5A600, s29  }
0xd: {  	s7 =	sadd.s32 $0x7400, s10;
	s10 =	sshrl.u32 s13, $0x3;
	s13 =	simm.s32 $0x7D  }
0xe: {  	s14 =	sor.u32 $0x1C03, s14;
	s8 =	sadd.s32 $0x64600, s12;
	s12 =	simm.s32 $0x2  }
.LBB2_1:
0xf: {  	[spmem:s10], [sflag:s5] =	dma.local [hbm:s4], $0x4E2  }
0x10: {  	[tilespmem:s3], [sflag:$0x2] =	stream.linear.gather [hbm4b:s6+s3], $0x1400, $0x38;
	[tilespmem:$0x17390] =	vst v63  }
0x11: {  	s17 =	simm.s32 $0x1400  }
0x12: {  	[tilespmem:s17], [sflag:$0x2] =	stream.linear.gather [hbm4b:s7+s3], $0x13880, $0x38;
	[tilespmem:$0x17390] =	vst v63  }
0x13: {  	_ =	swait.ge [sflag:s11], $0x4E2  }
0x14: {  	[sflag:s11] =	ssyncset.done $0x0  }
0x15: {  	[sflag:s11] =	ssyncadd.s32 $0xFFFFFB1E  }
0x16: {  	_ =	swait.ge [sflag:s12], $0x1400  }
0x17: {  	[sflag:s12] =	ssyncset.done $0x0  }
0x18: {  	[sflag:s12] =	ssyncadd.s32 $0xFFFFEC00  }
0x19: {  	_ =	swait.ge [sflag:s12], $0x13880  }
0x1a: {  	[sflag:s12] =	ssyncset.done $0x0  }
0x1b: {  	s18 =	simm.s32 $0x200;
	[sflag:s12] =	ssyncadd.s32 $0xFFFEC780  }
0x1c: {  	s20 =	simm.s32 $0x0;
	s19 =	simm.s32 $0x1BD0;
	[bflag:$0x0] =	sbarrier.arrive $0xFFFF  }
.LBB2_2:
0x1d: {  	[spmem:s2] =	stream.indirect.scatter.add.f32 [tilespmem:s17], [sflag:$0x1], $0x10, s20, s13, $0xb8;
	[tilespmem:$0x17390] =	vst v63  }
0x1e: {  	s20 =	smov.u32 s18;
	s17 =	smov.u32 s19;
	p0 =	sne.s32 s18, $0x4E00  }
.Ltmp0:
0x1f: {  	s18 =	sadd.s32 $0x200, s18;
	(pc) =	sbr.rel @p0 .LBB2_2-.Ltmp0, $2  }
0x20: {  	_ =	sdelay $0x2  }
0x21: {  	s19 =	sadd.s32 $0x7D0, s19;
	s20 =	sshra.s32 s20, $0x2  }
0x22: {  	[spmem:s2] =	stream.indirect.scatter.add.f32 [tilespmem:s17], [sflag:$0x1], $0x10, s20, s13, $0xb8;
	[tilespmem:$0x17390] =	vst v63  }
0x23: {  	_ =	swait.ge [sflag:s11], $0x13880  }
0x24: {  	s16 =	sadd.s32 $0x1, s16;
	[sflag:s11] =	ssyncset.done $0x0  }
0x25: {  	p0 =	sne.s32 s16, s9;
	[sflag:s11] =	ssyncadd.s32 $0xFFFEC780  }
.Ltmp1:
0x26: {  	[bflag:$0x0] =	sbarrier.arrive $0xFFFF;
	(pc) =	sbr.rel @p0 .LBB2_1-.Ltmp1, $4  }
0x27: {  	[hbm:s8], [sflag:s14] =	dma.local [spmem:s10], $0x4E2  }
0x28: {  	_ =	swait.ge [sflag:s15], $0x4E2  }
0x29: {  	[sflag:s15] =	ssyncset.done $0x0  }
0x2a: {  	[sflag:s15] =	ssyncadd.s32 $0xFFFFFB1E  }
0x2b: {  	_ =	sfence.sel $0x180000  }
0x2c: {  	[bflag:$0x0] =	sbarrier.arrive $0xFFFF  }
0x2d: {  	p0 =	sne.s32 s0, $0x0;
	_ =	strace $0x90000059  }
0x2e: {  	s0 =	sadd.s32 @!p0 $0x100000, s1;
	[bflag:$0x2] =	sbarrier.arrive $0xFFFF  }
0x2f: {  	[sflag:s0] =	ssyncadd.tile.s32 @!p0 $0x1;
	_ =	shalt  }
.Lfunc_end2:
_tile_overlayer_lowered:
.L_overlay_start_2:
0x30: {  	(tag) =	ssettag $0x2  }
0x31: {  	s0 =	rddreg [dreg:$0x0];
	s2 =	stileid.u32  }
0x32: {  	s1 =	rddreg [dreg:$0x1];
	p0 =	sne.s32 s2, $0x0  }
0x33: {  	s3 =	rddreg [dreg:$0x2];
	[bflag:$0x3] =	sbarrier.arrive $0xFFFF;
	s2 =	simm.s32 @!p0 $0x1C03  }
0x34: {  	[timem:s3], [sflag:s2] =	dma.local @!p0 [hbm:s0], s1  }
0x35: {  	s0 =	simm.s32 @!p0 $0x3  }
0x36: {  	_ =	swait.ge @!p0 [sflag:s0], s1  }
0x37: {  	s1 =	ssub.s32 @!p0 $0x0, s1;
	[sflag:s0] =	ssyncset.done @!p0 $0x0  }
0x38: {  	[sflag:s0] =	ssyncadd.s32 @!p0 s1  }
0x39: {  	[bflag:$0x3] =	sbarrier.arrive $0xFFFF  }
0x3a: {  	_ =	shalt  }

</sc_bundles>
